<compile_context>
chip_gen: v7x
topology: tpu7x:2x2x1
jax: 0.10.2.dev20260603
libtpu: 0.0.44.dev20260713+nightly
codegen_flags: <defaults>
</compile_context>

<pallas_src>
import functools

import jax
import jax.numpy as jnp
from jax import lax
from jax.experimental import pallas as pl
from jax.experimental.pallas import tpu as pltpu
from jax.experimental.pallas import tpu_sc as plsc

_K = 1024
_D = 256
_BN = 1024
_NW = 32
_PC = 32
_S = 4


def _tc_slice_kernel(x_ref, e_ref, xq_in_ref, xq_ref, idx_ref):
    del xq_in_ref
    x = x_ref[...]
    e = e_ref[...]
    u_sq = jnp.sum(jnp.square(x), axis=-1, keepdims=True)
    v_sq = jnp.sum(jnp.square(e), axis=-1)[None, :]
    dot = jax.lax.dot_general(
        x, e, (((1,), (1,)), ((), ())),
        preferred_element_type=jnp.float32)
    dist = u_sq + v_sq - 2.0 * dot
    m = jnp.min(dist, axis=-1, keepdims=True)
    iota_k = jax.lax.broadcasted_iota(jnp.int32, (x.shape[0], _K), 1)
    idx = jnp.min(jnp.where(dist == m, iota_k, _K), axis=-1, keepdims=True)
    idx_ref[...] = idx
    p = (iota_k == idx).astype(jnp.float32)
    xq_ref[...] = jax.lax.dot_general(
        p, e, (((1,), (0,)), ((), ())),
        preferred_element_type=jnp.float32)


def _tc_slice(x_nd, embeddings, xq_buf, block0, nsl):
    n = x_nd.shape[0]
    return pl.pallas_call(
        _tc_slice_kernel,
        grid=(nsl // _BN,),
        in_specs=[
            pl.BlockSpec((_BN, _D), lambda i: (block0 + i, 0)),
            pl.BlockSpec((_K, _D), lambda i: (0, 0)),
            pl.BlockSpec(memory_space=pl.ANY),
        ],
        out_specs=[
            pl.BlockSpec((_BN, _D), lambda i: (block0 + i, 0)),
            pl.BlockSpec((_BN, 1), lambda i: (i, 0)),
        ],
        out_shape=[
            jax.ShapeDtypeStruct((n, _D), jnp.float32),
            jax.ShapeDtypeStruct((nsl, 1), jnp.int32),
        ],
        input_output_aliases={2: 0},
    )(x_nd, embeddings, xq_buf)


def _sc_p_writer(idx_s, zeros_t, p_ref, row0, nsl):
    b_per_w = nsl // _NW
    n_pc = b_per_w // _PC
    mesh = plsc.VectorSubcoreMesh(core_axis_name="c", subcore_axis_name="s")

    @functools.partial(
        pl.kernel, mesh=mesh,
        out_type=(),
        compiler_params=pltpu.CompilerParams(needs_layout_passes=False),
        scratch_types=[
            pltpu.VMEM((b_per_w,), jnp.int32),
            pltpu.VMEM((_PC * _K,), jnp.float32),
            pltpu.VMEM((_PC * _K,), jnp.float32),
            pltpu.SemaphoreType.DMA,
            pltpu.SemaphoreType.DMA,
        ],
    )
    def p_writer(idx_hbm, zeros_hbm, p_hbm, idx_v, pbuf0, pbuf1, psem0, psem1):
        wid = lax.axis_index("s") * 2 + lax.axis_index("c")
        base_tok = wid * b_per_w
        pltpu.sync_copy(idx_hbm.at[pl.ds(base_tok, b_per_w)], idx_v)
        pltpu.sync_copy(zeros_hbm, pbuf0)
        pltpu.sync_copy(zeros_hbm, pbuf1)
        pbufs = (pbuf0, pbuf1)
        psems = (psem0, psem1)
        ones = jnp.full((16,), 1.0, jnp.float32)
        zeros16 = jnp.zeros((16,), jnp.float32)
        lane = lax.iota(jnp.int32, 16)
        prev = [None, None]
        for c in range(n_pc):
            buf = pbufs[c % 2]
            if prev[c % 2] is not None:
                cp_prev, pos_prev = prev[c % 2]
                cp_prev.wait()
                for pp in pos_prev:
                    plsc.store_scatter(buf, [pp], zeros16)
            positions = []
            for t in range(_PC // 16):
                tok = c * _PC + t * 16
                iv = plsc.load_gather(idx_v, [tok + lane])
                pos = (t * 16 + lane) * _K + iv
                plsc.store_scatter(buf, [pos], ones)
                positions.append(pos)
            out_off = (row0 + base_tok + c * _PC) * _K
            cp = pltpu.async_copy(
                buf, p_hbm.at[pl.ds(out_off, _PC * _K)], psems[c % 2])
            prev[c % 2] = (cp, positions)
        for pr in prev:
            if pr is not None:
                pr[0].wait()

    return p_writer(idx_s, zeros_t, p_ref)


def kernel(x__d, embeddings):
    input_size = x__d.shape[:-1]
    d = x__d.shape[-1]
    x_nd = x__d.reshape(-1, d)
    n = x_nd.shape[0]
    nsl = n // _S
    zeros_t = jnp.zeros((_PC * _K,), jnp.float32)
    p_ref = jax.new_ref(jnp.zeros((n * _K,), jnp.float32))
    xq_buf = jnp.zeros((n, _D), jnp.float32)
    for s in range(_S):
        xq_buf, idx_s = _tc_slice(x_nd, embeddings, xq_buf,
                                  s * (nsl // _BN), nsl)
        _sc_p_writer(idx_s.reshape(nsl), zeros_t, p_ref, s * nsl, nsl)
    p_flat = p_ref[...]
    xq__d = xq_buf.reshape(input_size + (d,))
    p__k = p_flat.reshape(input_size + (_K,))
    return (xq__d, p__k)

# --- scband reference (transcript-rebuilt; emitter-appended) ---
"""Pipeline reference for scband-emacodebook-58428735095072 (READ-ONLY COPY).

The authoritative reference and input builder live on the scoring server;
editing this copy changes nothing except your own understanding.
"""

import jax, jax.numpy as jnp
import numpy as np

CODEBOOK_SIZE = 1024
DIM = 256

def setup_inputs(seed: int = 0) -> dict:
    key = jax.random.key(seed)
    k1, k2 = jax.random.split(key)
    x__d = jax.random.normal(k1, (64, 576, DIM), dtype=jnp.float32)
    init_range = 1.0 / CODEBOOK_SIZE
    embeddings = jax.random.uniform(k2, (CODEBOOK_SIZE, DIM), minval=-init_range, maxval=init_range, dtype=jnp.float32)
    return {"x__d": x__d, "embeddings": embeddings}

def pairwise_distance(u_nd, v_md):
    # ||u||^2 + ||v||^2 - 2 u v^T  (torch.addmm with beta=1, alpha=-2)
    u_sq = jnp.sum(jnp.square(u_nd), axis=-1, keepdims=True)
    v_sq = jnp.sum(jnp.square(v_md), axis=-1)[None, :]
    return u_sq + v_sq - 2.0 * (u_nd @ v_md.T)

def reference(x__d, embeddings):
    input_size = x__d.shape[:-1]
    d = x__d.shape[-1]
    x_nd = x__d.reshape(-1, d)
    d_nk = pairwise_distance(x_nd, embeddings)
    idx_n = jnp.argmin(d_nk, axis=-1)
    xq_nd = jnp.take(embeddings, idx_n, axis=0)
    oneHot_nk = jax.nn.one_hot(idx_n, embeddings.shape[0], dtype=x_nd.dtype)
    xq__d = xq_nd.reshape(input_size + (d,))
    p__k = oneHot_nk.reshape(input_size + (embeddings.shape[0],))
    return (xq__d, p__k)

if __name__ == "__main__":
    import jax
    _d = setup_inputs()
    print(jax.jit(kernel)(*tuple(_d.values())))

</pallas_src>

<mosaic_0001>
#map = affine_map<(d0, d1) -> (0)>
module attributes {stable_mosaic.version = 14 : i64} {
  func.func @new_body(%arg0: i32, %arg1: i32, %arg2: memref<9216xi32, #tpu.memory_space<hbm>>, %arg3: memref<32768xf32, #tpu.memory_space<hbm>>, %arg4: memref<37748736xf32, #tpu.memory_space<hbm>>, %arg5: memref<37748736xf32, #tpu.memory_space<hbm>>, %arg6: memref<288xi32, #tpu.memory_space<vmem>>, %arg7: memref<32768xf32, #tpu.memory_space<vmem>>, %arg8: memref<32768xf32, #tpu.memory_space<vmem>>, %arg9: memref<!tpu.dma_semaphore, #tpu.memory_space<semaphore_mem>>, %arg10: memref<!tpu.dma_semaphore, #tpu.memory_space<semaphore_mem>>) attributes {dimension_semantics = [#tpu.dimension_semantics<core_parallel>, #tpu.dimension_semantics<subcore_parallel>], iteration_bounds = array<i64: 2, 16>, scalar_prefetch = 0 : i64, scratch_operands = 5 : i64, tpu.core_type = #tpu.core_type<sc_vector_subcore>, window_params = [{transform_indices = #map}, {transform_indices = #map}, {transform_indices = #map}, {transform_indices = #map}]} {
    %mul3A = arith.constant 2 : i32
    %mul3A_0 = arith.muli %arg1, %mul3A : i32
    %add3A = arith.addi %mul3A_0, %arg0 : i32
    %mul3A_1 = arith.constant 288 : i32
    %mul3A_2 = arith.muli %add3A, %mul3A_1 : i32
    "tpu.region"() ({
      %run_scoped3A = tpu.sem_alloc : memref<!tpu.dma_semaphore, #tpu.memory_space<semaphore_mem>>
      %dma_start3A_291 = tpu.memref_slice %arg2[%mul3A_2] : memref<9216xi32, #tpu.memory_space<hbm>> -> memref<288xi32, #tpu.memory_space<hbm>>
      %dma_start3A_292 = tpu.memref_slice %arg2[%mul3A_2] : memref<9216xi32, #tpu.memory_space<hbm>> -> memref<288xi32, #tpu.memory_space<hbm>>
      tpu.enqueue_dma source(%dma_start3A_292 : memref<288xi32, #tpu.memory_space<hbm>>) target(%arg6 : memref<288xi32, #tpu.memory_space<vmem>>) target_semaphore(%run_scoped3A : memref<!tpu.dma_semaphore, #tpu.memory_space<semaphore_mem>>)
      %dma_wait3A_293 = tpu.memref_slice %arg2[%mul3A_2] : memref<9216xi32, #tpu.memory_space<hbm>> -> memref<288xi32, #tpu.memory_space<hbm>>
      %dma_wait3A_294 = tpu.memref_slice %arg2[%mul3A_2] : memref<9216xi32, #tpu.memory_space<hbm>> -> memref<288xi32, #tpu.memory_space<hbm>>
      tpu.wait_dma2 semaphore(%run_scoped3A : memref<!tpu.dma_semaphore, #tpu.memory_space<semaphore_mem>>) src(%dma_wait3A_294 : memref<288xi32, #tpu.memory_space<hbm>>) dst(%arg6 : memref<288xi32, #tpu.memory_space<vmem>>)
      tpu.yield
    }) : () -> ()
    "tpu.region"() ({
      %run_scoped3A = tpu.sem_alloc : memref<!tpu.dma_semaphore, #tpu.memory_space<semaphore_mem>>
      tpu.enqueue_dma source(%arg3 : memref<32768xf32, #tpu.memory_space<hbm>>) target(%arg7 : memref<32768xf32, #tpu.memory_space<vmem>>) target_semaphore(%run_scoped3A : memref<!tpu.dma_semaphore, #tpu.memory_space<semaphore_mem>>)
      tpu.wait_dma2 semaphore(%run_scoped3A : memref<!tpu.dma_semaphore, #tpu.memory_space<semaphore_mem>>) src(%arg3 : memref<32768xf32, #tpu.memory_space<hbm>>) dst(%arg7 : memref<32768xf32, #tpu.memory_space<vmem>>)
      tpu.yield
    }) : () -> ()
    "tpu.region"() ({
      %run_scoped3A = tpu.sem_alloc : memref<!tpu.dma_semaphore, #tpu.memory_space<semaphore_mem>>
      tpu.enqueue_dma source(%arg3 : memref<32768xf32, #tpu.memory_space<hbm>>) target(%arg8 : memref<32768xf32, #tpu.memory_space<vmem>>) target_semaphore(%run_scoped3A : memref<!tpu.dma_semaphore, #tpu.memory_space<semaphore_mem>>)
      tpu.wait_dma2 semaphore(%run_scoped3A : memref<!tpu.dma_semaphore, #tpu.memory_space<semaphore_mem>>) src(%arg3 : memref<32768xf32, #tpu.memory_space<hbm>>) dst(%arg8 : memref<32768xf32, #tpu.memory_space<vmem>>)
      tpu.yield
    }) : () -> ()
    %broadcast_in_dim3A = arith.constant 1.000000e+00 : f32
    %broadcast_in_dim3A_3 = vector.broadcast %broadcast_in_dim3A : f32 to vector<16xf32>
    %broadcast_in_dim3A_4 = arith.constant 0.000000e+00 : f32
    %broadcast_in_dim3A_5 = vector.broadcast %broadcast_in_dim3A_4 : f32 to vector<16xf32>
    %iota3A = tpu.iota {dimensions = array<i32: 0>} : vector<16xi32>
    %add3A_6 = arith.constant 0 : i32
    %add3A_7 = vector.broadcast %add3A_6 : i32 to vector<16xi32>
    %add3A_8 = arith.addi %add3A_7, %iota3A : vector<16xi32>
    %gather3A = tpu.vector_load_idx %arg6[%add3A_8] : memref<288xi32, #tpu.memory_space<vmem>>[vector<16xi32>], vector<16xi32>,
    %add3A_9 = arith.constant 0 : i32
    %add3A_10 = vector.broadcast %add3A_9 : i32 to vector<16xi32>
    %add3A_11 = arith.addi %add3A_10, %iota3A : vector<16xi32>
    %mul3A_12 = arith.constant 1024 : i32
    %mul3A_13 = vector.broadcast %mul3A_12 : i32 to vector<16xi32>
    %mul3A_14 = arith.muli %add3A_11, %mul3A_13 : vector<16xi32>
    %add3A_15 = arith.addi %mul3A_14, %gather3A : vector<16xi32>
    tpu.vector_store_idx %arg7[%add3A_15], %broadcast_in_dim3A_3 : memref<32768xf32, #tpu.memory_space<vmem>>[vector<16xi32>], vector<16xf32>,
    %add3A_16 = arith.constant 16 : i32
    %add3A_17 = vector.broadcast %add3A_16 : i32 to vector<16xi32>
    %add3A_18 = arith.addi %add3A_17, %iota3A : vector<16xi32>
    %gather3A_19 = tpu.vector_load_idx %arg6[%add3A_18] : memref<288xi32, #tpu.memory_space<vmem>>[vector<16xi32>], vector<16xi32>,
    %add3A_20 = arith.constant 16 : i32
    %add3A_21 = vector.broadcast %add3A_20 : i32 to vector<16xi32>
    %add3A_22 = arith.addi %add3A_21, %iota3A : vector<16xi32>
    %mul3A_23 = arith.constant 1024 : i32
    %mul3A_24 = vector.broadcast %mul3A_23 : i32 to vector<16xi32>
    %mul3A_25 = arith.muli %add3A_22, %mul3A_24 : vector<16xi32>
    %add3A_26 = arith.addi %mul3A_25, %gather3A_19 : vector<16xi32>
    tpu.vector_store_idx %arg7[%add3A_26], %broadcast_in_dim3A_3 : memref<32768xf32, #tpu.memory_space<vmem>>[vector<16xi32>], vector<16xf32>,
    %add3A_27 = arith.constant 9216 : i32
    %add3A_28 = arith.addi %add3A_27, %mul3A_2 : i32
    %add3A_29 = arith.constant 0 : i32
    %add3A_30 = arith.addi %add3A_28, %add3A_29 : i32
    %mul3A_31 = arith.constant 1024 : i32
    %mul3A_32 = arith.muli %add3A_30, %mul3A_31 : i32
    %dma_start3A = tpu.memref_slice %arg4[%mul3A_32] : memref<37748736xf32, #tpu.memory_space<hbm>> -> memref<32768xf32, #tpu.memory_space<hbm>>
    %dma_start3A_33 = tpu.memref_slice %arg4[%mul3A_32] : memref<37748736xf32, #tpu.memory_space<hbm>> -> memref<32768xf32, #tpu.memory_space<hbm>>
    tpu.enqueue_dma source(%arg7 : memref<32768xf32, #tpu.memory_space<vmem>>) target(%dma_start3A_33 : memref<32768xf32, #tpu.memory_space<hbm>>) target_semaphore(%arg9 : memref<!tpu.dma_semaphore, #tpu.memory_space<semaphore_mem>>)
    %add3A_34 = arith.constant 32 : i32
    %add3A_35 = vector.broadcast %add3A_34 : i32 to vector<16xi32>
    %add3A_36 = arith.addi %add3A_35, %iota3A : vector<16xi32>
    %gather3A_37 = tpu.vector_load_idx %arg6[%add3A_36] : memref<288xi32, #tpu.memory_space<vmem>>[vector<16xi32>], vector<16xi32>,
    %add3A_38 = arith.constant 0 : i32
    %add3A_39 = vector.broadcast %add3A_38 : i32 to vector<16xi32>
    %add3A_40 = arith.addi %add3A_39, %iota3A : vector<16xi32>
    %mul3A_41 = arith.constant 1024 : i32
    %mul3A_42 = vector.broadcast %mul3A_41 : i32 to vector<16xi32>
    %mul3A_43 = arith.muli %add3A_40, %mul3A_42 : vector<16xi32>
    %add3A_44 = arith.addi %mul3A_43, %gather3A_37 : vector<16xi32>
    tpu.vector_store_idx %arg8[%add3A_44], %broadcast_in_dim3A_3 : memref<32768xf32, #tpu.memory_space<vmem>>[vector<16xi32>], vector<16xf32>,
    %add3A_45 = arith.constant 48 : i32
    %add3A_46 = vector.broadcast %add3A_45 : i32 to vector<16xi32>
    %add3A_47 = arith.addi %add3A_46, %iota3A : vector<16xi32>
    %gather3A_48 = tpu.vector_load_idx %arg6[%add3A_47] : memref<288xi32, #tpu.memory_space<vmem>>[vector<16xi32>], vector<16xi32>,
    %add3A_49 = arith.constant 16 : i32
    %add3A_50 = vector.broadcast %add3A_49 : i32 to vector<16xi32>
    %add3A_51 = arith.addi %add3A_50, %iota3A : vector<16xi32>
    %mul3A_52 = arith.constant 1024 : i32
    %mul3A_53 = vector.broadcast %mul3A_52 : i32 to vector<16xi32>
    %mul3A_54 = arith.muli %add3A_51, %mul3A_53 : vector<16xi32>
    %add3A_55 = arith.addi %mul3A_54, %gather3A_48 : vector<16xi32>
    tpu.vector_store_idx %arg8[%add3A_55], %broadcast_in_dim3A_3 : memref<32768xf32, #tpu.memory_space<vmem>>[vector<16xi32>], vector<16xf32>,
    %add3A_56 = arith.constant 9216 : i32
    %add3A_57 = arith.addi %add3A_56, %mul3A_2 : i32
    %add3A_58 = arith.constant 32 : i32
    %add3A_59 = arith.addi %add3A_57, %add3A_58 : i32
    %mul3A_60 = arith.constant 1024 : i32
    %mul3A_61 = arith.muli %add3A_59, %mul3A_60 : i32
    %dma_start3A_62 = tpu.memref_slice %arg4[%mul3A_61] : memref<37748736xf32, #tpu.memory_space<hbm>> -> memref<32768xf32, #tpu.memory_space<hbm>>
    %dma_start3A_63 = tpu.memref_slice %arg4[%mul3A_61] : memref<37748736xf32, #tpu.memory_space<hbm>> -> memref<32768xf32, #tpu.memory_space<hbm>>
    tpu.enqueue_dma source(%arg8 : memref<32768xf32, #tpu.memory_space<vmem>>) target(%dma_start3A_63 : memref<32768xf32, #tpu.memory_space<hbm>>) target_semaphore(%arg10 : memref<!tpu.dma_semaphore, #tpu.memory_space<semaphore_mem>>)
    %dma_wait3A = tpu.memref_slice %arg4[%mul3A_32] : memref<37748736xf32, #tpu.memory_space<hbm>> -> memref<32768xf32, #tpu.memory_space<hbm>>
    %dma_wait3A_64 = tpu.memref_slice %arg4[%mul3A_32] : memref<37748736xf32, #tpu.memory_space<hbm>> -> memref<32768xf32, #tpu.memory_space<hbm>>
    tpu.wait_dma2 semaphore(%arg9 : memref<!tpu.dma_semaphore, #tpu.memory_space<semaphore_mem>>) src(%arg7 : memref<32768xf32, #tpu.memory_space<vmem>>) dst(%dma_wait3A_64 : memref<32768xf32, #tpu.memory_space<hbm>>)
    tpu.vector_store_idx %arg7[%add3A_15], %broadcast_in_dim3A_5 : memref<32768xf32, #tpu.memory_space<vmem>>[vector<16xi32>], vector<16xf32>,
    tpu.vector_store_idx %arg7[%add3A_26], %broadcast_in_dim3A_5 : memref<32768xf32, #tpu.memory_space<vmem>>[vector<16xi32>], vector<16xf32>,
    %add3A_65 = arith.constant 64 : i32
    %add3A_66 = vector.broadcast %add3A_65 : i32 to vector<16xi32>
    %add3A_67 = arith.addi %add3A_66, %iota3A : vector<16xi32>
    %gather3A_68 = tpu.vector_load_idx %arg6[%add3A_67] : memref<288xi32, #tpu.memory_space<vmem>>[vector<16xi32>], vector<16xi32>,
    %add3A_69 = arith.constant 0 : i32
    %add3A_70 = vector.broadcast %add3A_69 : i32 to vector<16xi32>
    %add3A_71 = arith.addi %add3A_70, %iota3A : vector<16xi32>
    %mul3A_72 = arith.constant 1024 : i32
    %mul3A_73 = vector.broadcast %mul3A_72 : i32 to vector<16xi32>
    %mul3A_74 = arith.muli %add3A_71, %mul3A_73 : vector<16xi32>
    %add3A_75 = arith.addi %mul3A_74, %gather3A_68 : vector<16xi32>
    tpu.vector_store_idx %arg7[%add3A_75], %broadcast_in_dim3A_3 : memref<32768xf32, #tpu.memory_space<vmem>>[vector<16xi32>], vector<16xf32>,
    %add3A_76 = arith.constant 80 : i32
    %add3A_77 = vector.broadcast %add3A_76 : i32 to vector<16xi32>
    %add3A_78 = arith.addi %add3A_77, %iota3A : vector<16xi32>
    %gather3A_79 = tpu.vector_load_idx %arg6[%add3A_78] : memref<288xi32, #tpu.memory_space<vmem>>[vector<16xi32>], vector<16xi32>,
    %add3A_80 = arith.constant 16 : i32
    %add3A_81 = vector.broadcast %add3A_80 : i32 to vector<16xi32>
    %add3A_82 = arith.addi %add3A_81, %iota3A : vector<16xi32>
    %mul3A_83 = arith.constant 1024 : i32
    %mul3A_84 = vector.broadcast %mul3A_83 : i32 to vector<16xi32>
    %mul3A_85 = arith.muli %add3A_82, %mul3A_84 : vector<16xi32>
    %add3A_86 = arith.addi %mul3A_85, %gather3A_79 : vector<16xi32>
    tpu.vector_store_idx %arg7[%add3A_86], %broadcast_in_dim3A_3 : memref<32768xf32, #tpu.memory_space<vmem>>[vector<16xi32>], vector<16xf32>,
    %add3A_87 = arith.constant 9216 : i32
    %add3A_88 = arith.addi %add3A_87, %mul3A_2 : i32
    %add3A_89 = arith.constant 64 : i32
    %add3A_90 = arith.addi %add3A_88, %add3A_89 : i32
    %mul3A_91 = arith.constant 1024 : i32
    %mul3A_92 = arith.muli %add3A_90, %mul3A_91 : i32
    %dma_start3A_93 = tpu.memref_slice %arg4[%mul3A_92] : memref<37748736xf32, #tpu.memory_space<hbm>> -> memref<32768xf32, #tpu.memory_space<hbm>>
    %dma_start3A_94 = tpu.memref_slice %arg4[%mul3A_92] : memref<37748736xf32, #tpu.memory_space<hbm>> -> memref<32768xf32, #tpu.memory_space<hbm>>
    tpu.enqueue_dma source(%arg7 : memref<32768xf32, #tpu.memory_space<vmem>>) target(%dma_start3A_94 : memref<32768xf32, #tpu.memory_space<hbm>>) target_semaphore(%arg9 : memref<!tpu.dma_semaphore, #tpu.memory_space<semaphore_mem>>)
    %dma_wait3A_95 = tpu.memref_slice %arg4[%mul3A_61] : memref<37748736xf32, #tpu.memory_space<hbm>> -> memref<32768xf32, #tpu.memory_space<hbm>>
    %dma_wait3A_96 = tpu.memref_slice %arg4[%mul3A_61] : memref<37748736xf32, #tpu.memory_space<hbm>> -> memref<32768xf32, #tpu.memory_space<hbm>>
    tpu.wait_dma2 semaphore(%arg10 : memref<!tpu.dma_semaphore, #tpu.memory_space<semaphore_mem>>) src(%arg8 : memref<32768xf32, #tpu.memory_space<vmem>>) dst(%dma_wait3A_96 : memref<32768xf32, #tpu.memory_space<hbm>>)
    tpu.vector_store_idx %arg8[%add3A_44], %broadcast_in_dim3A_5 : memref<32768xf32, #tpu.memory_space<vmem>>[vector<16xi32>], vector<16xf32>,
    tpu.vector_store_idx %arg8[%add3A_55], %broadcast_in_dim3A_5 : memref<32768xf32, #tpu.memory_space<vmem>>[vector<16xi32>], vector<16xf32>,
    %add3A_97 = arith.constant 96 : i32
    %add3A_98 = vector.broadcast %add3A_97 : i32 to vector<16xi32>
    %add3A_99 = arith.addi %add3A_98, %iota3A : vector<16xi32>
    %gather3A_100 = tpu.vector_load_idx %arg6[%add3A_99] : memref<288xi32, #tpu.memory_space<vmem>>[vector<16xi32>], vector<16xi32>,
    %add3A_101 = arith.constant 0 : i32
    %add3A_102 = vector.broadcast %add3A_101 : i32 to vector<16xi32>
    %add3A_103 = arith.addi %add3A_102, %iota3A : vector<16xi32>
    %mul3A_104 = arith.constant 1024 : i32
    %mul3A_105 = vector.broadcast %mul3A_104 : i32 to vector<16xi32>
    %mul3A_106 = arith.muli %add3A_103, %mul3A_105 : vector<16xi32>
    %add3A_107 = arith.addi %mul3A_106, %gather3A_100 : vector<16xi32>
    tpu.vector_store_idx %arg8[%add3A_107], %broadcast_in_dim3A_3 : memref<32768xf32, #tpu.memory_space<vmem>>[vector<16xi32>], vector<16xf32>,
    %add3A_108 = arith.constant 112 : i32
    %add3A_109 = vector.broadcast %add3A_108 : i32 to vector<16xi32>
    %add3A_110 = arith.addi %add3A_109, %iota3A : vector<16xi32>
    %gather3A_111 = tpu.vector_load_idx %arg6[%add3A_110] : memref<288xi32, #tpu.memory_space<vmem>>[vector<16xi32>], vector<16xi32>,
    %add3A_112 = arith.constant 16 : i32
    %add3A_113 = vector.broadcast %add3A_112 : i32 to vector<16xi32>
    %add3A_114 = arith.addi %add3A_113, %iota3A : vector<16xi32>
    %mul3A_115 = arith.constant 1024 : i32
    %mul3A_116 = vector.broadcast %mul3A_115 : i32 to vector<16xi32>
    %mul3A_117 = arith.muli %add3A_114, %mul3A_116 : vector<16xi32>
    %add3A_118 = arith.addi %mul3A_117, %gather3A_111 : vector<16xi32>
    tpu.vector_store_idx %arg8[%add3A_118], %broadcast_in_dim3A_3 : memref<32768xf32, #tpu.memory_space<vmem>>[vector<16xi32>], vector<16xf32>,
    %add3A_119 = arith.constant 9216 : i32
    %add3A_120 = arith.addi %add3A_119, %mul3A_2 : i32
    %add3A_121 = arith.constant 96 : i32
    %add3A_122 = arith.addi %add3A_120, %add3A_121 : i32
    %mul3A_123 = arith.constant 1024 : i32
    %mul3A_124 = arith.muli %add3A_122, %mul3A_123 : i32
    %dma_start3A_125 = tpu.memref_slice %arg4[%mul3A_124] : memref<37748736xf32, #tpu.memory_space<hbm>> -> memref<32768xf32, #tpu.memory_space<hbm>>
    %dma_start3A_126 = tpu.memref_slice %arg4[%mul3A_124] : memref<37748736xf32, #tpu.memory_space<hbm>> -> memref<32768xf32, #tpu.memory_space<hbm>>
    tpu.enqueue_dma source(%arg8 : memref<32768xf32, #tpu.memory_space<vmem>>) target(%dma_start3A_126 : memref<32768xf32, #tpu.memory_space<hbm>>) target_semaphore(%arg10 : memref<!tpu.dma_semaphore, #tpu.memory_space<semaphore_mem>>)
    %dma_wait3A_127 = tpu.memref_slice %arg4[%mul3A_92] : memref<37748736xf32, #tpu.memory_space<hbm>> -> memref<32768xf32, #tpu.memory_space<hbm>>
    %dma_wait3A_128 = tpu.memref_slice %arg4[%mul3A_92] : memref<37748736xf32, #tpu.memory_space<hbm>> -> memref<32768xf32, #tpu.memory_space<hbm>>
    tpu.wait_dma2 semaphore(%arg9 : memref<!tpu.dma_semaphore, #tpu.memory_space<semaphore_mem>>) src(%arg7 : memref<32768xf32, #tpu.memory_space<vmem>>) dst(%dma_wait3A_128 : memref<32768xf32, #tpu.memory_space<hbm>>)
    tpu.vector_store_idx %arg7[%add3A_75], %broadcast_in_dim3A_5 : memref<32768xf32, #tpu.memory_space<vmem>>[vector<16xi32>], vector<16xf32>,
    tpu.vector_store_idx %arg7[%add3A_86], %broadcast_in_dim3A_5 : memref<32768xf32, #tpu.memory_space<vmem>>[vector<16xi32>], vector<16xf32>,
    %add3A_129 = arith.constant 128 : i32
    %add3A_130 = vector.broadcast %add3A_129 : i32 to vector<16xi32>
    %add3A_131 = arith.addi %add3A_130, %iota3A : vector<16xi32>
    %gather3A_132 = tpu.vector_load_idx %arg6[%add3A_131] : memref<288xi32, #tpu.memory_space<vmem>>[vector<16xi32>], vector<16xi32>,
    %add3A_133 = arith.constant 0 : i32
    %add3A_134 = vector.broadcast %add3A_133 : i32 to vector<16xi32>
    %add3A_135 = arith.addi %add3A_134, %iota3A : vector<16xi32>
    %mul3A_136 = arith.constant 1024 : i32
    %mul3A_137 = vector.broadcast %mul3A_136 : i32 to vector<16xi32>
    %mul3A_138 = arith.muli %add3A_135, %mul3A_137 : vector<16xi32>
    %add3A_139 = arith.addi %mul3A_138, %gather3A_132 : vector<16xi32>
    tpu.vector_store_idx %arg7[%add3A_139], %broadcast_in_dim3A_3 : memref<32768xf32, #tpu.memory_space<vmem>>[vector<16xi32>], vector<16xf32>,
    %add3A_140 = arith.constant 144 : i32
    %add3A_141 = vector.broadcast %add3A_140 : i32 to vector<16xi32>
    %add3A_142 = arith.addi %add3A_141, %iota3A : vector<16xi32>
    %gather3A_143 = tpu.vector_load_idx %arg6[%add3A_142] : memref<288xi32, #tpu.memory_space<vmem>>[vector<16xi32>], vector<16xi32>,
    %add3A_144 = arith.constant 16 : i32
    %add3A_145 = vector.broadcast %add3A_144 : i32 to vector<16xi32>
    %add3A_146 = arith.addi %add3A_145, %iota3A : vector<16xi32>
    %mul3A_147 = arith.constant 1024 : i32
    %mul3A_148 = vector.broadcast %mul3A_147 : i32 to vector<16xi32>
    %mul3A_149 = arith.muli %add3A_146, %mul3A_148 : vector<16xi32>
    %add3A_150 = arith.addi %mul3A_149, %gather3A_143 : vector<16xi32>
    tpu.vector_store_idx %arg7[%add3A_150], %broadcast_in_dim3A_3 : memref<32768xf32, #tpu.memory_space<vmem>>[vector<16xi32>], vector<16xf32>,
    %add3A_151 = arith.constant 9216 : i32
    %add3A_152 = arith.addi %add3A_151, %mul3A_2 : i32
    %add3A_153 = arith.constant 128 : i32
    %add3A_154 = arith.addi %add3A_152, %add3A_153 : i32
    %mul3A_155 = arith.constant 1024 : i32
    %mul3A_156 = arith.muli %add3A_154, %mul3A_155 : i32
    %dma_start3A_157 = tpu.memref_slice %arg4[%mul3A_156] : memref<37748736xf32, #tpu.memory_space<hbm>> -> memref<32768xf32, #tpu.memory_space<hbm>>
    %dma_start3A_158 = tpu.memref_slice %arg4[%mul3A_156] : memref<37748736xf32, #tpu.memory_space<hbm>> -> memref<32768xf32, #tpu.memory_space<hbm>>
    tpu.enqueue_dma source(%arg7 : memref<32768xf32, #tpu.memory_space<vmem>>) target(%dma_start3A_158 : memref<32768xf32, #tpu.memory_space<hbm>>) target_semaphore(%arg9 : memref<!tpu.dma_semaphore, #tpu.memory_space<semaphore_mem>>)
    %dma_wait3A_159 = tpu.memref_slice %arg4[%mul3A_124] : memref<37748736xf32, #tpu.memory_space<hbm>> -> memref<32768xf32, #tpu.memory_space<hbm>>
    %dma_wait3A_160 = tpu.memref_slice %arg4[%mul3A_124] : memref<37748736xf32, #tpu.memory_space<hbm>> -> memref<32768xf32, #tpu.memory_space<hbm>>
    tpu.wait_dma2 semaphore(%arg10 : memref<!tpu.dma_semaphore, #tpu.memory_space<semaphore_mem>>) src(%arg8 : memref<32768xf32, #tpu.memory_space<vmem>>) dst(%dma_wait3A_160 : memref<32768xf32, #tpu.memory_space<hbm>>)
    tpu.vector_store_idx %arg8[%add3A_107], %broadcast_in_dim3A_5 : memref<32768xf32, #tpu.memory_space<vmem>>[vector<16xi32>], vector<16xf32>,
    tpu.vector_store_idx %arg8[%add3A_118], %broadcast_in_dim3A_5 : memref<32768xf32, #tpu.memory_space<vmem>>[vector<16xi32>], vector<16xf32>,
    %add3A_161 = arith.constant 160 : i32
    %add3A_162 = vector.broadcast %add3A_161 : i32 to vector<16xi32>
    %add3A_163 = arith.addi %add3A_162, %iota3A : vector<16xi32>
    %gather3A_164 = tpu.vector_load_idx %arg6[%add3A_163] : memref<288xi32, #tpu.memory_space<vmem>>[vector<16xi32>], vector<16xi32>,
    %add3A_165 = arith.constant 0 : i32
    %add3A_166 = vector.broadcast %add3A_165 : i32 to vector<16xi32>
    %add3A_167 = arith.addi %add3A_166, %iota3A : vector<16xi32>
    %mul3A_168 = arith.constant 1024 : i32
    %mul3A_169 = vector.broadcast %mul3A_168 : i32 to vector<16xi32>
    %mul3A_170 = arith.muli %add3A_167, %mul3A_169 : vector<16xi32>
    %add3A_171 = arith.addi %mul3A_170, %gather3A_164 : vector<16xi32>
    tpu.vector_store_idx %arg8[%add3A_171], %broadcast_in_dim3A_3 : memref<32768xf32, #tpu.memory_space<vmem>>[vector<16xi32>], vector<16xf32>,
    %add3A_172 = arith.constant 176 : i32
    %add3A_173 = vector.broadcast %add3A_172 : i32 to vector<16xi32>
    %add3A_174 = arith.addi %add3A_173, %iota3A : vector<16xi32>
    %gather3A_175 = tpu.vector_load_idx %arg6[%add3A_174] : memref<288xi32, #tpu.memory_space<vmem>>[vector<16xi32>], vector<16xi32>,
    %add3A_176 = arith.constant 16 : i32
    %add3A_177 = vector.broadcast %add3A_176 : i32 to vector<16xi32>
    %add3A_178 = arith.addi %add3A_177, %iota3A : vector<16xi32>
    %mul3A_179 = arith.constant 1024 : i32
    %mul3A_180 = vector.broadcast %mul3A_179 : i32 to vector<16xi32>
    %mul3A_181 = arith.muli %add3A_178, %mul3A_180 : vector<16xi32>
    %add3A_182 = arith.addi %mul3A_181, %gather3A_175 : vector<16xi32>
    tpu.vector_store_idx %arg8[%add3A_182], %broadcast_in_dim3A_3 : memref<32768xf32, #tpu.memory_space<vmem>>[vector<16xi32>], vector<16xf32>,
    %add3A_183 = arith.constant 9216 : i32
    %add3A_184 = arith.addi %add3A_183, %mul3A_2 : i32
    %add3A_185 = arith.constant 160 : i32
    %add3A_186 = arith.addi %add3A_184, %add3A_185 : i32
    %mul3A_187 = arith.constant 1024 : i32
    %mul3A_188 = arith.muli %add3A_186, %mul3A_187 : i32
    %dma_start3A_189 = tpu.memref_slice %arg4[%mul3A_188] : memref<37748736xf32, #tpu.memory_space<hbm>> -> memref<32768xf32, #tpu.memory_space<hbm>>
    %dma_start3A_190 = tpu.memref_slice %arg4[%mul3A_188] : memref<37748736xf32, #tpu.memory_space<hbm>> -> memref<32768xf32, #tpu.memory_space<hbm>>
    tpu.enqueue_dma source(%arg8 : memref<32768xf32, #tpu.memory_space<vmem>>) target(%dma_start3A_190 : memref<32768xf32, #tpu.memory_space<hbm>>) target_semaphore(%arg10 : memref<!tpu.dma_semaphore, #tpu.memory_space<semaphore_mem>>)
    %dma_wait3A_191 = tpu.memref_slice %arg4[%mul3A_156] : memref<37748736xf32, #tpu.memory_space<hbm>> -> memref<32768xf32, #tpu.memory_space<hbm>>
    %dma_wait3A_192 = tpu.memref_slice %arg4[%mul3A_156] : memref<37748736xf32, #tpu.memory_space<hbm>> -> memref<32768xf32, #tpu.memory_space<hbm>>
    tpu.wait_dma2 semaphore(%arg9 : memref<!tpu.dma_semaphore, #tpu.memory_space<semaphore_mem>>) src(%arg7 : memref<32768xf32, #tpu.memory_space<vmem>>) dst(%dma_wait3A_192 : memref<32768xf32, #tpu.memory_space<hbm>>)
    tpu.vector_store_idx %arg7[%add3A_139], %broadcast_in_dim3A_5 : memref<32768xf32, #tpu.memory_space<vmem>>[vector<16xi32>], vector<16xf32>,
    tpu.vector_store_idx %arg7[%add3A_150], %broadcast_in_dim3A_5 : memref<32768xf32, #tpu.memory_space<vmem>>[vector<16xi32>], vector<16xf32>,
    %add3A_193 = arith.constant 192 : i32
    %add3A_194 = vector.broadcast %add3A_193 : i32 to vector<16xi32>
    %add3A_195 = arith.addi %add3A_194, %iota3A : vector<16xi32>
    %gather3A_196 = tpu.vector_load_idx %arg6[%add3A_195] : memref<288xi32, #tpu.memory_space<vmem>>[vector<16xi32>], vector<16xi32>,
    %add3A_197 = arith.constant 0 : i32
    %add3A_198 = vector.broadcast %add3A_197 : i32 to vector<16xi32>
    %add3A_199 = arith.addi %add3A_198, %iota3A : vector<16xi32>
    %mul3A_200 = arith.constant 1024 : i32
    %mul3A_201 = vector.broadcast %mul3A_200 : i32 to vector<16xi32>
    %mul3A_202 = arith.muli %add3A_199, %mul3A_201 : vector<16xi32>
    %add3A_203 = arith.addi %mul3A_202, %gather3A_196 : vector<16xi32>
    tpu.vector_store_idx %arg7[%add3A_203], %broadcast_in_dim3A_3 : memref<32768xf32, #tpu.memory_space<vmem>>[vector<16xi32>], vector<16xf32>,
    %add3A_204 = arith.constant 208 : i32
    %add3A_205 = vector.broadcast %add3A_204 : i32 to vector<16xi32>
    %add3A_206 = arith.addi %add3A_205, %iota3A : vector<16xi32>
    %gather3A_207 = tpu.vector_load_idx %arg6[%add3A_206] : memref<288xi32, #tpu.memory_space<vmem>>[vector<16xi32>], vector<16xi32>,
    %add3A_208 = arith.constant 16 : i32
    %add3A_209 = vector.broadcast %add3A_208 : i32 to vector<16xi32>
    %add3A_210 = arith.addi %add3A_209, %iota3A : vector<16xi32>
    %mul3A_211 = arith.constant 1024 : i32
    %mul3A_212 = vector.broadcast %mul3A_211 : i32 to vector<16xi32>
    %mul3A_213 = arith.muli %add3A_210, %mul3A_212 : vector<16xi32>
    %add3A_214 = arith.addi %mul3A_213, %gather3A_207 : vector<16xi32>
    tpu.vector_store_idx %arg7[%add3A_214], %broadcast_in_dim3A_3 : memref<32768xf32, #tpu.memory_space<vmem>>[vector<16xi32>], vector<16xf32>,
    %add3A_215 = arith.constant 9216 : i32
    %add3A_216 = arith.addi %add3A_215, %mul3A_2 : i32
    %add3A_217 = arith.constant 192 : i32
    %add3A_218 = arith.addi %add3A_216, %add3A_217 : i32
    %mul3A_219 = arith.constant 1024 : i32
    %mul3A_220 = arith.muli %add3A_218, %mul3A_219 : i32
    %dma_start3A_221 = tpu.memref_slice %arg4[%mul3A_220] : memref<37748736xf32, #tpu.memory_space<hbm>> -> memref<32768xf32, #tpu.memory_space<hbm>>
    %dma_start3A_222 = tpu.memref_slice %arg4[%mul3A_220] : memref<37748736xf32, #tpu.memory_space<hbm>> -> memref<32768xf32, #tpu.memory_space<hbm>>
    tpu.enqueue_dma source(%arg7 : memref<32768xf32, #tpu.memory_space<vmem>>) target(%dma_start3A_222 : memref<32768xf32, #tpu.memory_space<hbm>>) target_semaphore(%arg9 : memref<!tpu.dma_semaphore, #tpu.memory_space<semaphore_mem>>)
    %dma_wait3A_223 = tpu.memref_slice %arg4[%mul3A_188] : memref<37748736xf32, #tpu.memory_space<hbm>> -> memref<32768xf32, #tpu.memory_space<hbm>>
    %dma_wait3A_224 = tpu.memref_slice %arg4[%mul3A_188] : memref<37748736xf32, #tpu.memory_space<hbm>> -> memref<32768xf32, #tpu.memory_space<hbm>>
    tpu.wait_dma2 semaphore(%arg10 : memref<!tpu.dma_semaphore, #tpu.memory_space<semaphore_mem>>) src(%arg8 : memref<32768xf32, #tpu.memory_space<vmem>>) dst(%dma_wait3A_224 : memref<32768xf32, #tpu.memory_space<hbm>>)
    tpu.vector_store_idx %arg8[%add3A_171], %broadcast_in_dim3A_5 : memref<32768xf32, #tpu.memory_space<vmem>>[vector<16xi32>], vector<16xf32>,
    tpu.vector_store_idx %arg8[%add3A_182], %broadcast_in_dim3A_5 : memref<32768xf32, #tpu.memory_space<vmem>>[vector<16xi32>], vector<16xf32>,
    %add3A_225 = arith.constant 224 : i32
    %add3A_226 = vector.broadcast %add3A_225 : i32 to vector<16xi32>
    %add3A_227 = arith.addi %add3A_226, %iota3A : vector<16xi32>
    %gather3A_228 = tpu.vector_load_idx %arg6[%add3A_227] : memref<288xi32, #tpu.memory_space<vmem>>[vector<16xi32>], vector<16xi32>,
    %add3A_229 = arith.constant 0 : i32
    %add3A_230 = vector.broadcast %add3A_229 : i32 to vector<16xi32>
    %add3A_231 = arith.addi %add3A_230, %iota3A : vector<16xi32>
    %mul3A_232 = arith.constant 1024 : i32
    %mul3A_233 = vector.broadcast %mul3A_232 : i32 to vector<16xi32>
    %mul3A_234 = arith.muli %add3A_231, %mul3A_233 : vector<16xi32>
    %add3A_235 = arith.addi %mul3A_234, %gather3A_228 : vector<16xi32>
    tpu.vector_store_idx %arg8[%add3A_235], %broadcast_in_dim3A_3 : memref<32768xf32, #tpu.memory_space<vmem>>[vector<16xi32>], vector<16xf32>,
    %add3A_236 = arith.constant 240 : i32
    %add3A_237 = vector.broadcast %add3A_236 : i32 to vector<16xi32>
    %add3A_238 = arith.addi %add3A_237, %iota3A : vector<16xi32>
    %gather3A_239 = tpu.vector_load_idx %arg6[%add3A_238] : memref<288xi32, #tpu.memory_space<vmem>>[vector<16xi32>], vector<16xi32>,
    %add3A_240 = arith.constant 16 : i32
    %add3A_241 = vector.broadcast %add3A_240 : i32 to vector<16xi32>
    %add3A_242 = arith.addi %add3A_241, %iota3A : vector<16xi32>
    %mul3A_243 = arith.constant 1024 : i32
    %mul3A_244 = vector.broadcast %mul3A_243 : i32 to vector<16xi32>
    %mul3A_245 = arith.muli %add3A_242, %mul3A_244 : vector<16xi32>
    %add3A_246 = arith.addi %mul3A_245, %gather3A_239 : vector<16xi32>
    tpu.vector_store_idx %arg8[%add3A_246], %broadcast_in_dim3A_3 : memref<32768xf32, #tpu.memory_space<vmem>>[vector<16xi32>], vector<16xf32>,
    %add3A_247 = arith.constant 9216 : i32
    %add3A_248 = arith.addi %add3A_247, %mul3A_2 : i32
    %add3A_249 = arith.constant 224 : i32
    %add3A_250 = arith.addi %add3A_248, %add3A_249 : i32
    %mul3A_251 = arith.constant 1024 : i32
    %mul3A_252 = arith.muli %add3A_250, %mul3A_251 : i32
    %dma_start3A_253 = tpu.memref_slice %arg4[%mul3A_252] : memref<37748736xf32, #tpu.memory_space<hbm>> -> memref<32768xf32, #tpu.memory_space<hbm>>
    %dma_start3A_254 = tpu.memref_slice %arg4[%mul3A_252] : memref<37748736xf32, #tpu.memory_space<hbm>> -> memref<32768xf32, #tpu.memory_space<hbm>>
    tpu.enqueue_dma source(%arg8 : memref<32768xf32, #tpu.memory_space<vmem>>) target(%dma_start3A_254 : memref<32768xf32, #tpu.memory_space<hbm>>) target_semaphore(%arg10 : memref<!tpu.dma_semaphore, #tpu.memory_space<semaphore_mem>>)
    %dma_wait3A_255 = tpu.memref_slice %arg4[%mul3A_220] : memref<37748736xf32, #tpu.memory_space<hbm>> -> memref<32768xf32, #tpu.memory_space<hbm>>
    %dma_wait3A_256 = tpu.memref_slice %arg4[%mul3A_220] : memref<37748736xf32, #tpu.memory_space<hbm>> -> memref<32768xf32, #tpu.memory_space<hbm>>
    tpu.wait_dma2 semaphore(%arg9 : memref<!tpu.dma_semaphore, #tpu.memory_space<semaphore_mem>>) src(%arg7 : memref<32768xf32, #tpu.memory_space<vmem>>) dst(%dma_wait3A_256 : memref<32768xf32, #tpu.memory_space<hbm>>)
    tpu.vector_store_idx %arg7[%add3A_203], %broadcast_in_dim3A_5 : memref<32768xf32, #tpu.memory_space<vmem>>[vector<16xi32>], vector<16xf32>,
    tpu.vector_store_idx %arg7[%add3A_214], %broadcast_in_dim3A_5 : memref<32768xf32, #tpu.memory_space<vmem>>[vector<16xi32>], vector<16xf32>,
    %add3A_257 = arith.constant 256 : i32
    %add3A_258 = vector.broadcast %add3A_257 : i32 to vector<16xi32>
    %add3A_259 = arith.addi %add3A_258, %iota3A : vector<16xi32>
    %gather3A_260 = tpu.vector_load_idx %arg6[%add3A_259] : memref<288xi32, #tpu.memory_space<vmem>>[vector<16xi32>], vector<16xi32>,
    %add3A_261 = arith.constant 0 : i32
    %add3A_262 = vector.broadcast %add3A_261 : i32 to vector<16xi32>
    %add3A_263 = arith.addi %add3A_262, %iota3A : vector<16xi32>
    %mul3A_264 = arith.constant 1024 : i32
    %mul3A_265 = vector.broadcast %mul3A_264 : i32 to vector<16xi32>
    %mul3A_266 = arith.muli %add3A_263, %mul3A_265 : vector<16xi32>
    %add3A_267 = arith.addi %mul3A_266, %gather3A_260 : vector<16xi32>
    tpu.vector_store_idx %arg7[%add3A_267], %broadcast_in_dim3A_3 : memref<32768xf32, #tpu.memory_space<vmem>>[vector<16xi32>], vector<16xf32>,
    %add3A_268 = arith.constant 272 : i32
    %add3A_269 = vector.broadcast %add3A_268 : i32 to vector<16xi32>
    %add3A_270 = arith.addi %add3A_269, %iota3A : vector<16xi32>
    %gather3A_271 = tpu.vector_load_idx %arg6[%add3A_270] : memref<288xi32, #tpu.memory_space<vmem>>[vector<16xi32>], vector<16xi32>,
    %add3A_272 = arith.constant 16 : i32
    %add3A_273 = vector.broadcast %add3A_272 : i32 to vector<16xi32>
    %add3A_274 = arith.addi %add3A_273, %iota3A : vector<16xi32>
    %mul3A_275 = arith.constant 1024 : i32
    %mul3A_276 = vector.broadcast %mul3A_275 : i32 to vector<16xi32>
    %mul3A_277 = arith.muli %add3A_274, %mul3A_276 : vector<16xi32>
    %add3A_278 = arith.addi %mul3A_277, %gather3A_271 : vector<16xi32>
    tpu.vector_store_idx %arg7[%add3A_278], %broadcast_in_dim3A_3 : memref<32768xf32, #tpu.memory_space<vmem>>[vector<16xi32>], vector<16xf32>,
    %add3A_279 = arith.constant 9216 : i32
    %add3A_280 = arith.addi %add3A_279, %mul3A_2 : i32
    %add3A_281 = arith.constant 256 : i32
    %add3A_282 = arith.addi %add3A_280, %add3A_281 : i32
    %mul3A_283 = arith.constant 1024 : i32
    %mul3A_284 = arith.muli %add3A_282, %mul3A_283 : i32
    %dma_start3A_285 = tpu.memref_slice %arg4[%mul3A_284] : memref<37748736xf32, #tpu.memory_space<hbm>> -> memref<32768xf32, #tpu.memory_space<hbm>>
    %dma_start3A_286 = tpu.memref_slice %arg4[%mul3A_284] : memref<37748736xf32, #tpu.memory_space<hbm>> -> memref<32768xf32, #tpu.memory_space<hbm>>
    tpu.enqueue_dma source(%arg7 : memref<32768xf32, #tpu.memory_space<vmem>>) target(%dma_start3A_286 : memref<32768xf32, #tpu.memory_space<hbm>>) target_semaphore(%arg9 : memref<!tpu.dma_semaphore, #tpu.memory_space<semaphore_mem>>)
    %dma_wait3A_287 = tpu.memref_slice %arg4[%mul3A_284] : memref<37748736xf32, #tpu.memory_space<hbm>> -> memref<32768xf32, #tpu.memory_space<hbm>>
    %dma_wait3A_288 = tpu.memref_slice %arg4[%mul3A_284] : memref<37748736xf32, #tpu.memory_space<hbm>> -> memref<32768xf32, #tpu.memory_space<hbm>>
    tpu.wait_dma2 semaphore(%arg9 : memref<!tpu.dma_semaphore, #tpu.memory_space<semaphore_mem>>) src(%arg7 : memref<32768xf32, #tpu.memory_space<vmem>>) dst(%dma_wait3A_288 : memref<32768xf32, #tpu.memory_space<hbm>>)
    %dma_wait3A_289 = tpu.memref_slice %arg4[%mul3A_252] : memref<37748736xf32, #tpu.memory_space<hbm>> -> memref<32768xf32, #tpu.memory_space<hbm>>
    %dma_wait3A_290 = tpu.memref_slice %arg4[%mul3A_252] : memref<37748736xf32, #tpu.memory_space<hbm>> -> memref<32768xf32, #tpu.memory_space<hbm>>
    tpu.wait_dma2 semaphore(%arg10 : memref<!tpu.dma_semaphore, #tpu.memory_space<semaphore_mem>>) src(%arg8 : memref<32768xf32, #tpu.memory_space<vmem>>) dst(%dma_wait3A_290 : memref<32768xf32, #tpu.memory_space<hbm>>)
    return
  }
}

#map = affine_map<(d0, d1) -> (0)>
module attributes {stable_mosaic.version = 14 : i64} {
  func.func @new_body(%arg0: i32, %arg1: i32, %arg2: memref<9216xi32, #tpu.memory_space<hbm>>, %arg3: memref<32768xf32, #tpu.memory_space<hbm>>, %arg4: memref<37748736xf32, #tpu.memory_space<hbm>>, %arg5: memref<37748736xf32, #tpu.memory_space<hbm>>, %arg6: memref<288xi32, #tpu.memory_space<vmem>>, %arg7: memref<32768xf32, #tpu.memory_space<vmem>>, %arg8: memref<32768xf32, #tpu.memory_space<vmem>>, %arg9: memref<!tpu.dma_semaphore, #tpu.memory_space<semaphore_mem>>, %arg10: memref<!tpu.dma_semaphore, #tpu.memory_space<semaphore_mem>>) attributes {dimension_semantics = [#tpu.dimension_semantics<core_parallel>, #tpu.dimension_semantics<subcore_parallel>], iteration_bounds = array<i64: 2, 16>, scalar_prefetch = 0 : i64, scratch_operands = 5 : i64, tpu.core_type = #tpu.core_type<sc_vector_subcore>, window_params = [{transform_indices = #map}, {transform_indices = #map}, {transform_indices = #map}, {transform_indices = #map}]} {
    %mul3A = arith.constant 2 : i32
    %mul3A_0 = arith.muli %arg1, %mul3A : i32
    %add3A = arith.addi %mul3A_0, %arg0 : i32
    %mul3A_1 = arith.constant 288 : i32
    %mul3A_2 = arith.muli %add3A, %mul3A_1 : i32
    "tpu.region"() ({
      %run_scoped3A = tpu.sem_alloc : memref<!tpu.dma_semaphore, #tpu.memory_space<semaphore_mem>>
      %dma_start3A_291 = tpu.memref_slice %arg2[%mul3A_2] : memref<9216xi32, #tpu.memory_space<hbm>> -> memref<288xi32, #tpu.memory_space<hbm>>
      %dma_start3A_292 = tpu.memref_slice %arg2[%mul3A_2] : memref<9216xi32, #tpu.memory_space<hbm>> -> memref<288xi32, #tpu.memory_space<hbm>>
      tpu.enqueue_dma source(%dma_start3A_292 : memref<288xi32, #tpu.memory_space<hbm>>) target(%arg6 : memref<288xi32, #tpu.memory_space<vmem>>) target_semaphore(%run_scoped3A : memref<!tpu.dma_semaphore, #tpu.memory_space<semaphore_mem>>)
      %dma_wait3A_293 = tpu.memref_slice %arg2[%mul3A_2] : memref<9216xi32, #tpu.memory_space<hbm>> -> memref<288xi32, #tpu.memory_space<hbm>>
      %dma_wait3A_294 = tpu.memref_slice %arg2[%mul3A_2] : memref<9216xi32, #tpu.memory_space<hbm>> -> memref<288xi32, #tpu.memory_space<hbm>>
      tpu.wait_dma2 semaphore(%run_scoped3A : memref<!tpu.dma_semaphore, #tpu.memory_space<semaphore_mem>>) src(%dma_wait3A_294 : memref<288xi32, #tpu.memory_space<hbm>>) dst(%arg6 : memref<288xi32, #tpu.memory_space<vmem>>)
      tpu.yield
    }) : () -> ()
    "tpu.region"() ({
      %run_scoped3A = tpu.sem_alloc : memref<!tpu.dma_semaphore, #tpu.memory_space<semaphore_mem>>
      tpu.enqueue_dma source(%arg3 : memref<32768xf32, #tpu.memory_space<hbm>>) target(%arg7 : memref<32768xf32, #tpu.memory_space<vmem>>) target_semaphore(%run_scoped3A : memref<!tpu.dma_semaphore, #tpu.memory_space<semaphore_mem>>)
      tpu.wait_dma2 semaphore(%run_scoped3A : memref<!tpu.dma_semaphore, #tpu.memory_space<semaphore_mem>>) src(%arg3 : memref<32768xf32, #tpu.memory_space<hbm>>) dst(%arg7 : memref<32768xf32, #tpu.memory_space<vmem>>)
      tpu.yield
    }) : () -> ()
    "tpu.region"() ({
      %run_scoped3A = tpu.sem_alloc : memref<!tpu.dma_semaphore, #tpu.memory_space<semaphore_mem>>
      tpu.enqueue_dma source(%arg3 : memref<32768xf32, #tpu.memory_space<hbm>>) target(%arg8 : memref<32768xf32, #tpu.memory_space<vmem>>) target_semaphore(%run_scoped3A : memref<!tpu.dma_semaphore, #tpu.memory_space<semaphore_mem>>)
      tpu.wait_dma2 semaphore(%run_scoped3A : memref<!tpu.dma_semaphore, #tpu.memory_space<semaphore_mem>>) src(%arg3 : memref<32768xf32, #tpu.memory_space<hbm>>) dst(%arg8 : memref<32768xf32, #tpu.memory_space<vmem>>)
      tpu.yield
    }) : () -> ()
    %broadcast_in_dim3A = arith.constant 1.000000e+00 : f32
    %broadcast_in_dim3A_3 = vector.broadcast %broadcast_in_dim3A : f32 to vector<16xf32>
    %broadcast_in_dim3A_4 = arith.constant 0.000000e+00 : f32
    %broadcast_in_dim3A_5 = vector.broadcast %broadcast_in_dim3A_4 : f32 to vector<16xf32>
    %iota3A = tpu.iota {dimensions = array<i32: 0>} : vector<16xi32>
    %add3A_6 = arith.constant 0 : i32
    %add3A_7 = vector.broadcast %add3A_6 : i32 to vector<16xi32>
    %add3A_8 = arith.addi %add3A_7, %iota3A : vector<16xi32>
    %gather3A = tpu.vector_load_idx %arg6[%add3A_8] : memref<288xi32, #tpu.memory_space<vmem>>[vector<16xi32>], vector<16xi32>,
    %add3A_9 = arith.constant 0 : i32
    %add3A_10 = vector.broadcast %add3A_9 : i32 to vector<16xi32>
    %add3A_11 = arith.addi %add3A_10, %iota3A : vector<16xi32>
    %mul3A_12 = arith.constant 1024 : i32
    %mul3A_13 = vector.broadcast %mul3A_12 : i32 to vector<16xi32>
    %mul3A_14 = arith.muli %add3A_11, %mul3A_13 : vector<16xi32>
    %add3A_15 = arith.addi %mul3A_14, %gather3A : vector<16xi32>
    tpu.vector_store_idx %arg7[%add3A_15], %broadcast_in_dim3A_3 : memref<32768xf32, #tpu.memory_space<vmem>>[vector<16xi32>], vector<16xf32>,
    %add3A_16 = arith.constant 16 : i32
    %add3A_17 = vector.broadcast %add3A_16 : i32 to vector<16xi32>
    %add3A_18 = arith.addi %add3A_17, %iota3A : vector<16xi32>
    %gather3A_19 = tpu.vector_load_idx %arg6[%add3A_18] : memref<288xi32, #tpu.memory_space<vmem>>[vector<16xi32>], vector<16xi32>,
    %add3A_20 = arith.constant 16 : i32
    %add3A_21 = vector.broadcast %add3A_20 : i32 to vector<16xi32>
    %add3A_22 = arith.addi %add3A_21, %iota3A : vector<16xi32>
    %mul3A_23 = arith.constant 1024 : i32
    %mul3A_24 = vector.broadcast %mul3A_23 : i32 to vector<16xi32>
    %mul3A_25 = arith.muli %add3A_22, %mul3A_24 : vector<16xi32>
    %add3A_26 = arith.addi %mul3A_25, %gather3A_19 : vector<16xi32>
    tpu.vector_store_idx %arg7[%add3A_26], %broadcast_in_dim3A_3 : memref<32768xf32, #tpu.memory_space<vmem>>[vector<16xi32>], vector<16xf32>,
    %add3A_27 = arith.constant 18432 : i32
    %add3A_28 = arith.addi %add3A_27, %mul3A_2 : i32
    %add3A_29 = arith.constant 0 : i32
    %add3A_30 = arith.addi %add3A_28, %add3A_29 : i32
    %mul3A_31 = arith.constant 1024 : i32
    %mul3A_32 = arith.muli %add3A_30, %mul3A_31 : i32
    %dma_start3A = tpu.memref_slice %arg4[%mul3A_32] : memref<37748736xf32, #tpu.memory_space<hbm>> -> memref<32768xf32, #tpu.memory_space<hbm>>
    %dma_start3A_33 = tpu.memref_slice %arg4[%mul3A_32] : memref<37748736xf32, #tpu.memory_space<hbm>> -> memref<32768xf32, #tpu.memory_space<hbm>>
    tpu.enqueue_dma source(%arg7 : memref<32768xf32, #tpu.memory_space<vmem>>) target(%dma_start3A_33 : memref<32768xf32, #tpu.memory_space<hbm>>) target_semaphore(%arg9 : memref<!tpu.dma_semaphore, #tpu.memory_space<semaphore_mem>>)
    %add3A_34 = arith.constant 32 : i32
    %add3A_35 = vector.broadcast %add3A_34 : i32 to vector<16xi32>
    %add3A_36 = arith.addi %add3A_35, %iota3A : vector<16xi32>
    %gather3A_37 = tpu.vector_load_idx %arg6[%add3A_36] : memref<288xi32, #tpu.memory_space<vmem>>[vector<16xi32>], vector<16xi32>,
    %add3A_38 = arith.constant 0 : i32
    %add3A_39 = vector.broadcast %add3A_38 : i32 to vector<16xi32>
    %add3A_40 = arith.addi %add3A_39, %iota3A : vector<16xi32>
    %mul3A_41 = arith.constant 1024 : i32
    %mul3A_42 = vector.broadcast %mul3A_41 : i32 to vector<16xi32>
    %mul3A_43 = arith.muli %add3A_40, %mul3A_42 : vector<16xi32>
    %add3A_44 = arith.addi %mul3A_43, %gather3A_37 : vector<16xi32>
    tpu.vector_store_idx %arg8[%add3A_44], %broadcast_in_dim3A_3 : memref<32768xf32, #tpu.memory_space<vmem>>[vector<16xi32>], vector<16xf32>,
    %add3A_45 = arith.constant 48 : i32
    %add3A_46 = vector.broadcast %add3A_45 : i32 to vector<16xi32>
    %add3A_47 = arith.addi %add3A_46, %iota3A : vector<16xi32>
    %gather3A_48 = tpu.vector_load_idx %arg6[%add3A_47] : memref<288xi32, #tpu.memory_space<vmem>>[vector<16xi32>], vector<16xi32>,
    %add3A_49 = arith.constant 16 : i32
    %add3A_50 = vector.broadcast %add3A_49 : i32 to vector<16xi32>
    %add3A_51 = arith.addi %add3A_50, %iota3A : vector<16xi32>
    %mul3A_52 = arith.constant 1024 : i32
    %mul3A_53 = vector.broadcast %mul3A_52 : i32 to vector<16xi32>
    %mul3A_54 = arith.muli %add3A_51, %mul3A_53 : vector<16xi32>
    %add3A_55 = arith.addi %mul3A_54, %gather3A_48 : vector<16xi32>
    tpu.vector_store_idx %arg8[%add3A_55], %broadcast_in_dim3A_3 : memref<32768xf32, #tpu.memory_space<vmem>>[vector<16xi32>], vector<16xf32>,
    %add3A_56 = arith.constant 18432 : i32
    %add3A_57 = arith.addi %add3A_56, %mul3A_2 : i32
    %add3A_58 = arith.constant 32 : i32
    %add3A_59 = arith.addi %add3A_57, %add3A_58 : i32
    %mul3A_60 = arith.constant 1024 : i32
    %mul3A_61 = arith.muli %add3A_59, %mul3A_60 : i32
    %dma_start3A_62 = tpu.memref_slice %arg4[%mul3A_61] : memref<37748736xf32, #tpu.memory_space<hbm>> -> memref<32768xf32, #tpu.memory_space<hbm>>
    %dma_start3A_63 = tpu.memref_slice %arg4[%mul3A_61] : memref<37748736xf32, #tpu.memory_space<hbm>> -> memref<32768xf32, #tpu.memory_space<hbm>>
    tpu.enqueue_dma source(%arg8 : memref<32768xf32, #tpu.memory_space<vmem>>) target(%dma_start3A_63 : memref<32768xf32, #tpu.memory_space<hbm>>) target_semaphore(%arg10 : memref<!tpu.dma_semaphore, #tpu.memory_space<semaphore_mem>>)
    %dma_wait3A = tpu.memref_slice %arg4[%mul3A_32] : memref<37748736xf32, #tpu.memory_space<hbm>> -> memref<32768xf32, #tpu.memory_space<hbm>>
    %dma_wait3A_64 = tpu.memref_slice %arg4[%mul3A_32] : memref<37748736xf32, #tpu.memory_space<hbm>> -> memref<32768xf32, #tpu.memory_space<hbm>>
    tpu.wait_dma2 semaphore(%arg9 : memref<!tpu.dma_semaphore, #tpu.memory_space<semaphore_mem>>) src(%arg7 : memref<32768xf32, #tpu.memory_space<vmem>>) dst(%dma_wait3A_64 : memref<32768xf32, #tpu.memory_space<hbm>>)
    tpu.vector_store_idx %arg7[%add3A_15], %broadcast_in_dim3A_5 : memref<32768xf32, #tpu.memory_space<vmem>>[vector<16xi32>], vector<16xf32>,
    tpu.vector_store_idx %arg7[%add3A_26], %broadcast_in_dim3A_5 : memref<32768xf32, #tpu.memory_space<vmem>>[vector<16xi32>], vector<16xf32>,
    %add3A_65 = arith.constant 64 : i32
    %add3A_66 = vector.broadcast %add3A_65 : i32 to vector<16xi32>
    %add3A_67 = arith.addi %add3A_66, %iota3A : vector<16xi32>
    %gather3A_68 = tpu.vector_load_idx %arg6[%add3A_67] : memref<288xi32, #tpu.memory_space<vmem>>[vector<16xi32>], vector<16xi32>,
    %add3A_69 = arith.constant 0 : i32
    %add3A_70 = vector.broadcast %add3A_69 : i32 to vector<16xi32>
    %add3A_71 = arith.addi %add3A_70, %iota3A : vector<16xi32>
    %mul3A_72 = arith.constant 1024 : i32
    %mul3A_73 = vector.broadcast %mul3A_72 : i32 to vector<16xi32>
    %mul3A_74 = arith.muli %add3A_71, %mul3A_73 : vector<16xi32>
    %add3A_75 = arith.addi %mul3A_74, %gather3A_68 : vector<16xi32>
    tpu.vector_store_idx %arg7[%add3A_75], %broadcast_in_dim3A_3 : memref<32768xf32, #tpu.memory_space<vmem>>[vector<16xi32>], vector<16xf32>,
    %add3A_76 = arith.constant 80 : i32
    %add3A_77 = vector.broadcast %add3A_76 : i32 to vector<16xi32>
    %add3A_78 = arith.addi %add3A_77, %iota3A : vector<16xi32>
    %gather3A_79 = tpu.vector_load_idx %arg6[%add3A_78] : memref<288xi32, #tpu.memory_space<vmem>>[vector<16xi32>], vector<16xi32>,
    %add3A_80 = arith.constant 16 : i32
    %add3A_81 = vector.broadcast %add3A_80 : i32 to vector<16xi32>
    %add3A_82 = arith.addi %add3A_81, %iota3A : vector<16xi32>
    %mul3A_83 = arith.constant 1024 : i32
    %mul3A_84 = vector.broadcast %mul3A_83 : i32 to vector<16xi32>
    %mul3A_85 = arith.muli %add3A_82, %mul3A_84 : vector<16xi32>
    %add3A_86 = arith.addi %mul3A_85, %gather3A_79 : vector<16xi32>
    tpu.vector_store_idx %arg7[%add3A_86], %broadcast_in_dim3A_3 : memref<32768xf32, #tpu.memory_space<vmem>>[vector<16xi32>], vector<16xf32>,
    %add3A_87 = arith.constant 18432 : i32
    %add3A_88 = arith.addi %add3A_87, %mul3A_2 : i32
    %add3A_89 = arith.constant 64 : i32
    %add3A_90 = arith.addi %add3A_88, %add3A_89 : i32
    %mul3A_91 = arith.constant 1024 : i32
    %mul3A_92 = arith.muli %add3A_90, %mul3A_91 : i32
    %dma_start3A_93 = tpu.memref_slice %arg4[%mul3A_92] : memref<37748736xf32, #tpu.memory_space<hbm>> -> memref<32768xf32, #tpu.memory_space<hbm>>
    %dma_start3A_94 = tpu.memref_slice %arg4[%mul3A_92] : memref<37748736xf32, #tpu.memory_space<hbm>> -> memref<32768xf32, #tpu.memory_space<hbm>>
    tpu.enqueue_dma source(%arg7 : memref<32768xf32, #tpu.memory_space<vmem>>) target(%dma_start3A_94 : memref<32768xf32, #tpu.memory_space<hbm>>) target_semaphore(%arg9 : memref<!tpu.dma_semaphore, #tpu.memory_space<semaphore_mem>>)
    %dma_wait3A_95 = tpu.memref_slice %arg4[%mul3A_61] : memref<37748736xf32, #tpu.memory_space<hbm>> -> memref<32768xf32, #tpu.memory_space<hbm>>
    %dma_wait3A_96 = tpu.memref_slice %arg4[%mul3A_61] : memref<37748736xf32, #tpu.memory_space<hbm>> -> memref<32768xf32, #tpu.memory_space<hbm>>
    tpu.wait_dma2 semaphore(%arg10 : memref<!tpu.dma_semaphore, #tpu.memory_space<semaphore_mem>>) src(%arg8 : memref<32768xf32, #tpu.memory_space<vmem>>) dst(%dma_wait3A_96 : memref<32768xf32, #tpu.memory_space<hbm>>)
    tpu.vector_store_idx %arg8[%add3A_44], %broadcast_in_dim3A_5 : memref<32768xf32, #tpu.memory_space<vmem>>[vector<16xi32>], vector<16xf32>,
    tpu.vector_store_idx %arg8[%add3A_55], %broadcast_in_dim3A_5 : memref<32768xf32, #tpu.memory_space<vmem>>[vector<16xi32>], vector<16xf32>,
    %add3A_97 = arith.constant 96 : i32
    %add3A_98 = vector.broadcast %add3A_97 : i32 to vector<16xi32>
    %add3A_99 = arith.addi %add3A_98, %iota3A : vector<16xi32>
    %gather3A_100 = tpu.vector_load_idx %arg6[%add3A_99] : memref<288xi32, #tpu.memory_space<vmem>>[vector<16xi32>], vector<16xi32>,
    %add3A_101 = arith.constant 0 : i32
    %add3A_102 = vector.broadcast %add3A_101 : i32 to vector<16xi32>
    %add3A_103 = arith.addi %add3A_102, %iota3A : vector<16xi32>
    %mul3A_104 = arith.constant 1024 : i32
    %mul3A_105 = vector.broadcast %mul3A_104 : i32 to vector<16xi32>
    %mul3A_106 = arith.muli %add3A_103, %mul3A_105 : vector<16xi32>
    %add3A_107 = arith.addi %mul3A_106, %gather3A_100 : vector<16xi32>
    tpu.vector_store_idx %arg8[%add3A_107], %broadcast_in_dim3A_3 : memref<32768xf32, #tpu.memory_space<vmem>>[vector<16xi32>], vector<16xf32>,
    %add3A_108 = arith.constant 112 : i32
    %add3A_109 = vector.broadcast %add3A_108 : i32 to vector<16xi32>
    %add3A_110 = arith.addi %add3A_109, %iota3A : vector<16xi32>
    %gather3A_111 = tpu.vector_load_idx %arg6[%add3A_110] : memref<288xi32, #tpu.memory_space<vmem>>[vector<16xi32>], vector<16xi32>,
    %add3A_112 = arith.constant 16 : i32
    %add3A_113 = vector.broadcast %add3A_112 : i32 to vector<16xi32>
    %add3A_114 = arith.addi %add3A_113, %iota3A : vector<16xi32>
    %mul3A_115 = arith.constant 1024 : i32
    %mul3A_116 = vector.broadcast %mul3A_115 : i32 to vector<16xi32>
    %mul3A_117 = arith.muli %add3A_114, %mul3A_116 : vector<16xi32>
    %add3A_118 = arith.addi %mul3A_117, %gather3A_111 : vector<16xi32>
    tpu.vector_store_idx %arg8[%add3A_118], %broadcast_in_dim3A_3 : memref<32768xf32, #tpu.memory_space<vmem>>[vector<16xi32>], vector<16xf32>,
    %add3A_119 = arith.constant 18432 : i32
    %add3A_120 = arith.addi %add3A_119, %mul3A_2 : i32
    %add3A_121 = arith.constant 96 : i32
    %add3A_122 = arith.addi %add3A_120, %add3A_121 : i32
    %mul3A_123 = arith.constant 1024 : i32
    %mul3A_124 = arith.muli %add3A_122, %mul3A_123 : i32
    %dma_start3A_125 = tpu.memref_slice %arg4[%mul3A_124] : memref<37748736xf32, #tpu.memory_space<hbm>> -> memref<32768xf32, #tpu.memory_space<hbm>>
    %dma_start3A_126 = tpu.memref_slice %arg4[%mul3A_124] : memref<37748736xf32, #tpu.memory_space<hbm>> -> memref<32768xf32, #tpu.memory_space<hbm>>
    tpu.enqueue_dma source(%arg8 : memref<32768xf32, #tpu.memory_space<vmem>>) target(%dma_start3A_126 : memref<32768xf32, #tpu.memory_space<hbm>>) target_semaphore(%arg10 : memref<!tpu.dma_semaphore, #tpu.memory_space<semaphore_mem>>)
    %dma_wait3A_127 = tpu.memref_slice %arg4[%mul3A_92] : memref<37748736xf32, #tpu.memory_space<hbm>> -> memref<32768xf32, #tpu.memory_space<hbm>>
    %dma_wait3A_128 = tpu.memref_slice %arg4[%mul3A_92] : memref<37748736xf32, #tpu.memory_space<hbm>> -> memref<32768xf32, #tpu.memory_space<hbm>>
    tpu.wait_dma2 semaphore(%arg9 : memref<!tpu.dma_semaphore, #tpu.memory_space<semaphore_mem>>) src(%arg7 : memref<32768xf32, #tpu.memory_space<vmem>>) dst(%dma_wait3A_128 : memref<32768xf32, #tpu.memory_space<hbm>>)
    tpu.vector_store_idx %arg7[%add3A_75], %broadcast_in_dim3A_5 : memref<32768xf32, #tpu.memory_space<vmem>>[vector<16xi32>], vector<16xf32>,
    tpu.vector_store_idx %arg7[%add3A_86], %broadcast_in_dim3A_5 : memref<32768xf32, #tpu.memory_space<vmem>>[vector<16xi32>], vector<16xf32>,
    %add3A_129 = arith.constant 128 : i32
    %add3A_130 = vector.broadcast %add3A_129 : i32 to vector<16xi32>
    %add3A_131 = arith.addi %add3A_130, %iota3A : vector<16xi32>
    %gather3A_132 = tpu.vector_load_idx %arg6[%add3A_131] : memref<288xi32, #tpu.memory_space<vmem>>[vector<16xi32>], vector<16xi32>,
    %add3A_133 = arith.constant 0 : i32
    %add3A_134 = vector.broadcast %add3A_133 : i32 to vector<16xi32>
    %add3A_135 = arith.addi %add3A_134, %iota3A : vector<16xi32>
    %mul3A_136 = arith.constant 1024 : i32
    %mul3A_137 = vector.broadcast %mul3A_136 : i32 to vector<16xi32>
    %mul3A_138 = arith.muli %add3A_135, %mul3A_137 : vector<16xi32>
    %add3A_139 = arith.addi %mul3A_138, %gather3A_132 : vector<16xi32>
    tpu.vector_store_idx %arg7[%add3A_139], %broadcast_in_dim3A_3 : memref<32768xf32, #tpu.memory_space<vmem>>[vector<16xi32>], vector<16xf32>,
    %add3A_140 = arith.constant 144 : i32
    %add3A_141 = vector.broadcast %add3A_140 : i32 to vector<16xi32>
    %add3A_142 = arith.addi %add3A_141, %iota3A : vector<16xi32>
    %gather3A_143 = tpu.vector_load_idx %arg6[%add3A_142] : memref<288xi32, #tpu.memory_space<vmem>>[vector<16xi32>], vector<16xi32>,
    %add3A_144 = arith.constant 16 : i32
    %add3A_145 = vector.broadcast %add3A_144 : i32 to vector<16xi32>
    %add3A_146 = arith.addi %add3A_145, %iota3A : vector<16xi32>
    %mul3A_147 = arith.constant 1024 : i32
    %mul3A_148 = vector.broadcast %mul3A_147 : i32 to vector<16xi32>
    %mul3A_149 = arith.muli %add3A_146, %mul3A_148 : vector<16xi32>
    %add3A_150 = arith.addi %mul3A_149, %gather3A_143 : vector<16xi32>
    tpu.vector_store_idx %arg7[%add3A_150], %broadcast_in_dim3A_3 : memref<32768xf32, #tpu.memory_space<vmem>>[vector<16xi32>], vector<16xf32>,
    %add3A_151 = arith.constant 18432 : i32
    %add3A_152 = arith.addi %add3A_151, %mul3A_2 : i32
    %add3A_153 = arith.constant 128 : i32
    %add3A_154 = arith.addi %add3A_152, %add3A_153 : i32
    %mul3A_155 = arith.constant 1024 : i32
    %mul3A_156 = arith.muli %add3A_154, %mul3A_155 : i32
    %dma_start3A_157 = tpu.memref_slice %arg4[%mul3A_156] : memref<37748736xf32, #tpu.memory_space<hbm>> -> memref<32768xf32, #tpu.memory_space<hbm>>
    %dma_start3A_158 = tpu.memref_slice %arg4[%mul3A_156] : memref<37748736xf32, #tpu.memory_space<hbm>> -> memref<32768xf32, #tpu.memory_space<hbm>>
    tpu.enqueue_dma source(%arg7 : memref<32768xf32, #tpu.memory_space<vmem>>) target(%dma_start3A_158 : memref<32768xf32, #tpu.memory_space<hbm>>) target_semaphore(%arg9 : memref<!tpu.dma_semaphore, #tpu.memory_space<semaphore_mem>>)
    %dma_wait3A_159 = tpu.memref_slice %arg4[%mul3A_124] : memref<37748736xf32, #tpu.memory_space<hbm>> -> memref<32768xf32, #tpu.memory_space<hbm>>
    %dma_wait3A_160 = tpu.memref_slice %arg4[%mul3A_124] : memref<37748736xf32, #tpu.memory_space<hbm>> -> memref<32768xf32, #tpu.memory_space<hbm>>
    tpu.wait_dma2 semaphore(%arg10 : memref<!tpu.dma_semaphore, #tpu.memory_space<semaphore_mem>>) src(%arg8 : memref<32768xf32, #tpu.memory_space<vmem>>) dst(%dma_wait3A_160 : memref<32768xf32, #tpu.memory_space<hbm>>)
    tpu.vector_store_idx %arg8[%add3A_107], %broadcast_in_dim3A_5 : memref<32768xf32, #tpu.memory_space<vmem>>[vector<16xi32>], vector<16xf32>,
    tpu.vector_store_idx %arg8[%add3A_118], %broadcast_in_dim3A_5 : memref<32768xf32, #tpu.memory_space<vmem>>[vector<16xi32>], vector<16xf32>,
    %add3A_161 = arith.constant 160 : i32
    %add3A_162 = vector.broadcast %add3A_161 : i32 to vector<16xi32>
    %add3A_163 = arith.addi %add3A_162, %iota3A : vector<16xi32>
    %gather3A_164 = tpu.vector_load_idx %arg6[%add3A_163] : memref<288xi32, #tpu.memory_space<vmem>>[vector<16xi32>], vector<16xi32>,
    %add3A_165 = arith.constant 0 : i32
    %add3A_166 = vector.broadcast %add3A_165 : i32 to vector<16xi32>
    %add3A_167 = arith.addi %add3A_166, %iota3A : vector<16xi32>
    %mul3A_168 = arith.constant 1024 : i32
    %mul3A_169 = vector.broadcast %mul3A_168 : i32 to vector<16xi32>
    %mul3A_170 = arith.muli %add3A_167, %mul3A_169 : vector<16xi32>
    %add3A_171 = arith.addi %mul3A_170, %gather3A_164 : vector<16xi32>
    tpu.vector_store_idx %arg8[%add3A_171], %broadcast_in_dim3A_3 : memref<32768xf32, #tpu.memory_space<vmem>>[vector<16xi32>], vector<16xf32>,
    %add3A_172 = arith.constant 176 : i32
    %add3A_173 = vector.broadcast %add3A_172 : i32 to vector<16xi32>
    %add3A_174 = arith.addi %add3A_173, %iota3A : vector<16xi32>
    %gather3A_175 = tpu.vector_load_idx %arg6[%add3A_174] : memref<288xi32, #tpu.memory_space<vmem>>[vector<16xi32>], vector<16xi32>,
    %add3A_176 = arith.constant 16 : i32
    %add3A_177 = vector.broadcast %add3A_176 : i32 to vector<16xi32>
    %add3A_178 = arith.addi %add3A_177, %iota3A : vector<16xi32>
    %mul3A_179 = arith.constant 1024 : i32
    %mul3A_180 = vector.broadcast %mul3A_179 : i32 to vector<16xi32>
    %mul3A_181 = arith.muli %add3A_178, %mul3A_180 : vector<16xi32>
    %add3A_182 = arith.addi %mul3A_181, %gather3A_175 : vector<16xi32>
    tpu.vector_store_idx %arg8[%add3A_182], %broadcast_in_dim3A_3 : memref<32768xf32, #tpu.memory_space<vmem>>[vector<16xi32>], vector<16xf32>,
    %add3A_183 = arith.constant 18432 : i32
    %add3A_184 = arith.addi %add3A_183, %mul3A_2 : i32
    %add3A_185 = arith.constant 160 : i32
    %add3A_186 = arith.addi %add3A_184, %add3A_185 : i32
    %mul3A_187 = arith.constant 1024 : i32
    %mul3A_188 = arith.muli %add3A_186, %mul3A_187 : i32
    %dma_start3A_189 = tpu.memref_slice %arg4[%mul3A_188] : memref<37748736xf32, #tpu.memory_space<hbm>> -> memref<32768xf32, #tpu.memory_space<hbm>>
    %dma_start3A_190 = tpu.memref_slice %arg4[%mul3A_188] : memref<37748736xf32, #tpu.memory_space<hbm>> -> memref<32768xf32, #tpu.memory_space<hbm>>
    tpu.enqueue_dma source(%arg8 : memref<32768xf32, #tpu.memory_space<vmem>>) target(%dma_start3A_190 : memref<32768xf32, #tpu.memory_space<hbm>>) target_semaphore(%arg10 : memref<!tpu.dma_semaphore, #tpu.memory_space<semaphore_mem>>)
    %dma_wait3A_191 = tpu.memref_slice %arg4[%mul3A_156] : memref<37748736xf32, #tpu.memory_space<hbm>> -> memref<32768xf32, #tpu.memory_space<hbm>>
    %dma_wait3A_192 = tpu.memref_slice %arg4[%mul3A_156] : memref<37748736xf32, #tpu.memory_space<hbm>> -> memref<32768xf32, #tpu.memory_space<hbm>>
    tpu.wait_dma2 semaphore(%arg9 : memref<!tpu.dma_semaphore, #tpu.memory_space<semaphore_mem>>) src(%arg7 : memref<32768xf32, #tpu.memory_space<vmem>>) dst(%dma_wait3A_192 : memref<32768xf32, #tpu.memory_space<hbm>>)
    tpu.vector_store_idx %arg7[%add3A_139], %broadcast_in_dim3A_5 : memref<32768xf32, #tpu.memory_space<vmem>>[vector<16xi32>], vector<16xf32>,
    tpu.vector_store_idx %arg7[%add3A_150], %broadcast_in_dim3A_5 : memref<32768xf32, #tpu.memory_space<vmem>>[vector<16xi32>], vector<16xf32>,
    %add3A_193 = arith.constant 192 : i32
    %add3A_194 = vector.broadcast %add3A_193 : i32 to vector<16xi32>
    %add3A_195 = arith.addi %add3A_194, %iota3A : vector<16xi32>
    %gather3A_196 = tpu.vector_load_idx %arg6[%add3A_195] : memref<288xi32, #tpu.memory_space<vmem>>[vector<16xi32>], vector<16xi32>,
    %add3A_197 = arith.constant 0 : i32
    %add3A_198 = vector.broadcast %add3A_197 : i32 to vector<16xi32>
    %add3A_199 = arith.addi %add3A_198, %iota3A : vector<16xi32>
    %mul3A_200 = arith.constant 1024 : i32
    %mul3A_201 = vector.broadcast %mul3A_200 : i32 to vector<16xi32>
    %mul3A_202 = arith.muli %add3A_199, %mul3A_201 : vector<16xi32>
    %add3A_203 = arith.addi %mul3A_202, %gather3A_196 : vector<16xi32>
    tpu.vector_store_idx %arg7[%add3A_203], %broadcast_in_dim3A_3 : memref<32768xf32, #tpu.memory_space<vmem>>[vector<16xi32>], vector<16xf32>,
    %add3A_204 = arith.constant 208 : i32
    %add3A_205 = vector.broadcast %add3A_204 : i32 to vector<16xi32>
    %add3A_206 = arith.addi %add3A_205, %iota3A : vector<16xi32>
    %gather3A_207 = tpu.vector_load_idx %arg6[%add3A_206] : memref<288xi32, #tpu.memory_space<vmem>>[vector<16xi32>], vector<16xi32>,
    %add3A_208 = arith.constant 16 : i32
    %add3A_209 = vector.broadcast %add3A_208 : i32 to vector<16xi32>
    %add3A_210 = arith.addi %add3A_209, %iota3A : vector<16xi32>
    %mul3A_211 = arith.constant 1024 : i32
    %mul3A_212 = vector.broadcast %mul3A_211 : i32 to vector<16xi32>
    %mul3A_213 = arith.muli %add3A_210, %mul3A_212 : vector<16xi32>
    %add3A_214 = arith.addi %mul3A_213, %gather3A_207 : vector<16xi32>
    tpu.vector_store_idx %arg7[%add3A_214], %broadcast_in_dim3A_3 : memref<32768xf32, #tpu.memory_space<vmem>>[vector<16xi32>], vector<16xf32>,
    %add3A_215 = arith.constant 18432 : i32
    %add3A_216 = arith.addi %add3A_215, %mul3A_2 : i32
    %add3A_217 = arith.constant 192 : i32
    %add3A_218 = arith.addi %add3A_216, %add3A_217 : i32
    %mul3A_219 = arith.constant 1024 : i32
    %mul3A_220 = arith.muli %add3A_218, %mul3A_219 : i32
    %dma_start3A_221 = tpu.memref_slice %arg4[%mul3A_220] : memref<37748736xf32, #tpu.memory_space<hbm>> -> memref<32768xf32, #tpu.memory_space<hbm>>
    %dma_start3A_222 = tpu.memref_slice %arg4[%mul3A_220] : memref<37748736xf32, #tpu.memory_space<hbm>> -> memref<32768xf32, #tpu.memory_space<hbm>>
    tpu.enqueue_dma source(%arg7 : memref<32768xf32, #tpu.memory_space<vmem>>) target(%dma_start3A_222 : memref<32768xf32, #tpu.memory_space<hbm>>) target_semaphore(%arg9 : memref<!tpu.dma_semaphore, #tpu.memory_space<semaphore_mem>>)
    %dma_wait3A_223 = tpu.memref_slice %arg4[%mul3A_188] : memref<37748736xf32, #tpu.memory_space<hbm>> -> memref<32768xf32, #tpu.memory_space<hbm>>
    %dma_wait3A_224 = tpu.memref_slice %arg4[%mul3A_188] : memref<37748736xf32, #tpu.memory_space<hbm>> -> memref<32768xf32, #tpu.memory_space<hbm>>
    tpu.wait_dma2 semaphore(%arg10 : memref<!tpu.dma_semaphore, #tpu.memory_space<semaphore_mem>>) src(%arg8 : memref<32768xf32, #tpu.memory_space<vmem>>) dst(%dma_wait3A_224 : memref<32768xf32, #tpu.memory_space<hbm>>)
    tpu.vector_store_idx %arg8[%add3A_171], %broadcast_in_dim3A_5 : memref<32768xf32, #tpu.memory_space<vmem>>[vector<16xi32>], vector<16xf32>,
    tpu.vector_store_idx %arg8[%add3A_182], %broadcast_in_dim3A_5 : memref<32768xf32, #tpu.memory_space<vmem>>[vector<16xi32>], vector<16xf32>,
    %add3A_225 = arith.constant 224 : i32
    %add3A_226 = vector.broadcast %add3A_225 : i32 to vector<16xi32>
    %add3A_227 = arith.addi %add3A_226, %iota3A : vector<16xi32>
    %gather3A_228 = tpu.vector_load_idx %arg6[%add3A_227] : memref<288xi32, #tpu.memory_space<vmem>>[vector<16xi32>], vector<16xi32>,
    %add3A_229 = arith.constant 0 : i32
    %add3A_230 = vector.broadcast %add3A_229 : i32 to vector<16xi32>
    %add3A_231 = arith.addi %add3A_230, %iota3A : vector<16xi32>
    %mul3A_232 = arith.constant 1024 : i32
    %mul3A_233 = vector.broadcast %mul3A_232 : i32 to vector<16xi32>
    %mul3A_234 = arith.muli %add3A_231, %mul3A_233 : vector<16xi32>
    %add3A_235 = arith.addi %mul3A_234, %gather3A_228 : vector<16xi32>
    tpu.vector_store_idx %arg8[%add3A_235], %broadcast_in_dim3A_3 : memref<32768xf32, #tpu.memory_space<vmem>>[vector<16xi32>], vector<16xf32>,
    %add3A_236 = arith.constant 240 : i32
    %add3A_237 = vector.broadcast %add3A_236 : i32 to vector<16xi32>
    %add3A_238 = arith.addi %add3A_237, %iota3A : vector<16xi32>
    %gather3A_239 = tpu.vector_load_idx %arg6[%add3A_238] : memref<288xi32, #tpu.memory_space<vmem>>[vector<16xi32>], vector<16xi32>,
    %add3A_240 = arith.constant 16 : i32
    %add3A_241 = vector.broadcast %add3A_240 : i32 to vector<16xi32>
    %add3A_242 = arith.addi %add3A_241, %iota3A : vector<16xi32>
    %mul3A_243 = arith.constant 1024 : i32
    %mul3A_244 = vector.broadcast %mul3A_243 : i32 to vector<16xi32>
    %mul3A_245 = arith.muli %add3A_242, %mul3A_244 : vector<16xi32>
    %add3A_246 = arith.addi %mul3A_245, %gather3A_239 : vector<16xi32>
    tpu.vector_store_idx %arg8[%add3A_246], %broadcast_in_dim3A_3 : memref<32768xf32, #tpu.memory_space<vmem>>[vector<16xi32>], vector<16xf32>,
    %add3A_247 = arith.constant 18432 : i32
    %add3A_248 = arith.addi %add3A_247, %mul3A_2 : i32
    %add3A_249 = arith.constant 224 : i32
    %add3A_250 = arith.addi %add3A_248, %add3A_249 : i32
    %mul3A_251 = arith.constant 1024 : i32
    %mul3A_252 = arith.muli %add3A_250, %mul3A_251 : i32
    %dma_start3A_253 = tpu.memref_slice %arg4[%mul3A_252] : memref<37748736xf32, #tpu.memory_space<hbm>> -> memref<32768xf32, #tpu.memory_space<hbm>>
    %dma_start3A_254 = tpu.memref_slice %arg4[%mul3A_252] : memref<37748736xf32, #tpu.memory_space<hbm>> -> memref<32768xf32, #tpu.memory_space<hbm>>
    tpu.enqueue_dma source(%arg8 : memref<32768xf32, #tpu.memory_space<vmem>>) target(%dma_start3A_254 : memref<32768xf32, #tpu.memory_space<hbm>>) target_semaphore(%arg10 : memref<!tpu.dma_semaphore, #tpu.memory_space<semaphore_mem>>)
    %dma_wait3A_255 = tpu.memref_slice %arg4[%mul3A_220] : memref<37748736xf32, #tpu.memory_space<hbm>> -> memref<32768xf32, #tpu.memory_space<hbm>>
    %dma_wait3A_256 = tpu.memref_slice %arg4[%mul3A_220] : memref<37748736xf32, #tpu.memory_space<hbm>> -> memref<32768xf32, #tpu.memory_space<hbm>>
    tpu.wait_dma2 semaphore(%arg9 : memref<!tpu.dma_semaphore, #tpu.memory_space<semaphore_mem>>) src(%arg7 : memref<32768xf32, #tpu.memory_space<vmem>>) dst(%dma_wait3A_256 : memref<32768xf32, #tpu.memory_space<hbm>>)
    tpu.vector_store_idx %arg7[%add3A_203], %broadcast_in_dim3A_5 : memref<32768xf32, #tpu.memory_space<vmem>>[vector<16xi32>], vector<16xf32>,
    tpu.vector_store_idx %arg7[%add3A_214], %broadcast_in_dim3A_5 : memref<32768xf32, #tpu.memory_space<vmem>>[vector<16xi32>], vector<16xf32>,
    %add3A_257 = arith.constant 256 : i32
    %add3A_258 = vector.broadcast %add3A_257 : i32 to vector<16xi32>
    %add3A_259 = arith.addi %add3A_258, %iota3A : vector<16xi32>
    %gather3A_260 = tpu.vector_load_idx %arg6[%add3A_259] : memref<288xi32, #tpu.memory_space<vmem>>[vector<16xi32>], vector<16xi32>,
    %add3A_261 = arith.constant 0 : i32
    %add3A_262 = vector.broadcast %add3A_261 : i32 to vector<16xi32>
    %add3A_263 = arith.addi %add3A_262, %iota3A : vector<16xi32>
    %mul3A_264 = arith.constant 1024 : i32
    %mul3A_265 = vector.broadcast %mul3A_264 : i32 to vector<16xi32>
    %mul3A_266 = arith.muli %add3A_263, %mul3A_265 : vector<16xi32>
    %add3A_267 = arith.addi %mul3A_266, %gather3A_260 : vector<16xi32>
    tpu.vector_store_idx %arg7[%add3A_267], %broadcast_in_dim3A_3 : memref<32768xf32, #tpu.memory_space<vmem>>[vector<16xi32>], vector<16xf32>,
    %add3A_268 = arith.constant 272 : i32
    %add3A_269 = vector.broadcast %add3A_268 : i32 to vector<16xi32>
    %add3A_270 = arith.addi %add3A_269, %iota3A : vector<16xi32>
    %gather3A_271 = tpu.vector_load_idx %arg6[%add3A_270] : memref<288xi32, #tpu.memory_space<vmem>>[vector<16xi32>], vector<16xi32>,
    %add3A_272 = arith.constant 16 : i32
    %add3A_273 = vector.broadcast %add3A_272 : i32 to vector<16xi32>
    %add3A_274 = arith.addi %add3A_273, %iota3A : vector<16xi32>
    %mul3A_275 = arith.constant 1024 : i32
    %mul3A_276 = vector.broadcast %mul3A_275 : i32 to vector<16xi32>
    %mul3A_277 = arith.muli %add3A_274, %mul3A_276 : vector<16xi32>
    %add3A_278 = arith.addi %mul3A_277, %gather3A_271 : vector<16xi32>
    tpu.vector_store_idx %arg7[%add3A_278], %broadcast_in_dim3A_3 : memref<32768xf32, #tpu.memory_space<vmem>>[vector<16xi32>], vector<16xf32>,
    %add3A_279 = arith.constant 18432 : i32
    %add3A_280 = arith.addi %add3A_279, %mul3A_2 : i32
    %add3A_281 = arith.constant 256 : i32
    %add3A_282 = arith.addi %add3A_280, %add3A_281 : i32
    %mul3A_283 = arith.constant 1024 : i32
    %mul3A_284 = arith.muli %add3A_282, %mul3A_283 : i32
    %dma_start3A_285 = tpu.memref_slice %arg4[%mul3A_284] : memref<37748736xf32, #tpu.memory_space<hbm>> -> memref<32768xf32, #tpu.memory_space<hbm>>
    %dma_start3A_286 = tpu.memref_slice %arg4[%mul3A_284] : memref<37748736xf32, #tpu.memory_space<hbm>> -> memref<32768xf32, #tpu.memory_space<hbm>>
    tpu.enqueue_dma source(%arg7 : memref<32768xf32, #tpu.memory_space<vmem>>) target(%dma_start3A_286 : memref<32768xf32, #tpu.memory_space<hbm>>) target_semaphore(%arg9 : memref<!tpu.dma_semaphore, #tpu.memory_space<semaphore_mem>>)
    %dma_wait3A_287 = tpu.memref_slice %arg4[%mul3A_284] : memref<37748736xf32, #tpu.memory_space<hbm>> -> memref<32768xf32, #tpu.memory_space<hbm>>
    %dma_wait3A_288 = tpu.memref_slice %arg4[%mul3A_284] : memref<37748736xf32, #tpu.memory_space<hbm>> -> memref<32768xf32, #tpu.memory_space<hbm>>
    tpu.wait_dma2 semaphore(%arg9 : memref<!tpu.dma_semaphore, #tpu.memory_space<semaphore_mem>>) src(%arg7 : memref<32768xf32, #tpu.memory_space<vmem>>) dst(%dma_wait3A_288 : memref<32768xf32, #tpu.memory_space<hbm>>)
    %dma_wait3A_289 = tpu.memref_slice %arg4[%mul3A_252] : memref<37748736xf32, #tpu.memory_space<hbm>> -> memref<32768xf32, #tpu.memory_space<hbm>>
    %dma_wait3A_290 = tpu.memref_slice %arg4[%mul3A_252] : memref<37748736xf32, #tpu.memory_space<hbm>> -> memref<32768xf32, #tpu.memory_space<hbm>>
    tpu.wait_dma2 semaphore(%arg10 : memref<!tpu.dma_semaphore, #tpu.memory_space<semaphore_mem>>) src(%arg8 : memref<32768xf32, #tpu.memory_space<vmem>>) dst(%dma_wait3A_290 : memref<32768xf32, #tpu.memory_space<hbm>>)
    return
  }
}

#map = affine_map<(d0, d1) -> (0)>
module attributes {stable_mosaic.version = 14 : i64} {
  func.func @new_body(%arg0: i32, %arg1: i32, %arg2: memref<9216xi32, #tpu.memory_space<hbm>>, %arg3: memref<32768xf32, #tpu.memory_space<hbm>>, %arg4: memref<37748736xf32, #tpu.memory_space<hbm>>, %arg5: memref<37748736xf32, #tpu.memory_space<hbm>>, %arg6: memref<288xi32, #tpu.memory_space<vmem>>, %arg7: memref<32768xf32, #tpu.memory_space<vmem>>, %arg8: memref<32768xf32, #tpu.memory_space<vmem>>, %arg9: memref<!tpu.dma_semaphore, #tpu.memory_space<semaphore_mem>>, %arg10: memref<!tpu.dma_semaphore, #tpu.memory_space<semaphore_mem>>) attributes {dimension_semantics = [#tpu.dimension_semantics<core_parallel>, #tpu.dimension_semantics<subcore_parallel>], iteration_bounds = array<i64: 2, 16>, scalar_prefetch = 0 : i64, scratch_operands = 5 : i64, tpu.core_type = #tpu.core_type<sc_vector_subcore>, window_params = [{transform_indices = #map}, {transform_indices = #map}, {transform_indices = #map}, {transform_indices = #map}]} {
    %mul3A = arith.constant 2 : i32
    %mul3A_0 = arith.muli %arg1, %mul3A : i32
    %add3A = arith.addi %mul3A_0, %arg0 : i32
    %mul3A_1 = arith.constant 288 : i32
    %mul3A_2 = arith.muli %add3A, %mul3A_1 : i32
    "tpu.region"() ({
      %run_scoped3A = tpu.sem_alloc : memref<!tpu.dma_semaphore, #tpu.memory_space<semaphore_mem>>
      %dma_start3A_291 = tpu.memref_slice %arg2[%mul3A_2] : memref<9216xi32, #tpu.memory_space<hbm>> -> memref<288xi32, #tpu.memory_space<hbm>>
      %dma_start3A_292 = tpu.memref_slice %arg2[%mul3A_2] : memref<9216xi32, #tpu.memory_space<hbm>> -> memref<288xi32, #tpu.memory_space<hbm>>
      tpu.enqueue_dma source(%dma_start3A_292 : memref<288xi32, #tpu.memory_space<hbm>>) target(%arg6 : memref<288xi32, #tpu.memory_space<vmem>>) target_semaphore(%run_scoped3A : memref<!tpu.dma_semaphore, #tpu.memory_space<semaphore_mem>>)
      %dma_wait3A_293 = tpu.memref_slice %arg2[%mul3A_2] : memref<9216xi32, #tpu.memory_space<hbm>> -> memref<288xi32, #tpu.memory_space<hbm>>
      %dma_wait3A_294 = tpu.memref_slice %arg2[%mul3A_2] : memref<9216xi32, #tpu.memory_space<hbm>> -> memref<288xi32, #tpu.memory_space<hbm>>
      tpu.wait_dma2 semaphore(%run_scoped3A : memref<!tpu.dma_semaphore, #tpu.memory_space<semaphore_mem>>) src(%dma_wait3A_294 : memref<288xi32, #tpu.memory_space<hbm>>) dst(%arg6 : memref<288xi32, #tpu.memory_space<vmem>>)
      tpu.yield
    }) : () -> ()
    "tpu.region"() ({
      %run_scoped3A = tpu.sem_alloc : memref<!tpu.dma_semaphore, #tpu.memory_space<semaphore_mem>>
      tpu.enqueue_dma source(%arg3 : memref<32768xf32, #tpu.memory_space<hbm>>) target(%arg7 : memref<32768xf32, #tpu.memory_space<vmem>>) target_semaphore(%run_scoped3A : memref<!tpu.dma_semaphore, #tpu.memory_space<semaphore_mem>>)
      tpu.wait_dma2 semaphore(%run_scoped3A : memref<!tpu.dma_semaphore, #tpu.memory_space<semaphore_mem>>) src(%arg3 : memref<32768xf32, #tpu.memory_space<hbm>>) dst(%arg7 : memref<32768xf32, #tpu.memory_space<vmem>>)
      tpu.yield
    }) : () -> ()
    "tpu.region"() ({
      %run_scoped3A = tpu.sem_alloc : memref<!tpu.dma_semaphore, #tpu.memory_space<semaphore_mem>>
      tpu.enqueue_dma source(%arg3 : memref<32768xf32, #tpu.memory_space<hbm>>) target(%arg8 : memref<32768xf32, #tpu.memory_space<vmem>>) target_semaphore(%run_scoped3A : memref<!tpu.dma_semaphore, #tpu.memory_space<semaphore_mem>>)
      tpu.wait_dma2 semaphore(%run_scoped3A : memref<!tpu.dma_semaphore, #tpu.memory_space<semaphore_mem>>) src(%arg3 : memref<32768xf32, #tpu.memory_space<hbm>>) dst(%arg8 : memref<32768xf32, #tpu.memory_space<vmem>>)
      tpu.yield
    }) : () -> ()
    %broadcast_in_dim3A = arith.constant 1.000000e+00 : f32
    %broadcast_in_dim3A_3 = vector.broadcast %broadcast_in_dim3A : f32 to vector<16xf32>
    %broadcast_in_dim3A_4 = arith.constant 0.000000e+00 : f32
    %broadcast_in_dim3A_5 = vector.broadcast %broadcast_in_dim3A_4 : f32 to vector<16xf32>
    %iota3A = tpu.iota {dimensions = array<i32: 0>} : vector<16xi32>
    %add3A_6 = arith.constant 0 : i32
    %add3A_7 = vector.broadcast %add3A_6 : i32 to vector<16xi32>
    %add3A_8 = arith.addi %add3A_7, %iota3A : vector<16xi32>
    %gather3A = tpu.vector_load_idx %arg6[%add3A_8] : memref<288xi32, #tpu.memory_space<vmem>>[vector<16xi32>], vector<16xi32>,
    %add3A_9 = arith.constant 0 : i32
    %add3A_10 = vector.broadcast %add3A_9 : i32 to vector<16xi32>
    %add3A_11 = arith.addi %add3A_10, %iota3A : vector<16xi32>
    %mul3A_12 = arith.constant 1024 : i32
    %mul3A_13 = vector.broadcast %mul3A_12 : i32 to vector<16xi32>
    %mul3A_14 = arith.muli %add3A_11, %mul3A_13 : vector<16xi32>
    %add3A_15 = arith.addi %mul3A_14, %gather3A : vector<16xi32>
    tpu.vector_store_idx %arg7[%add3A_15], %broadcast_in_dim3A_3 : memref<32768xf32, #tpu.memory_space<vmem>>[vector<16xi32>], vector<16xf32>,
    %add3A_16 = arith.constant 16 : i32
    %add3A_17 = vector.broadcast %add3A_16 : i32 to vector<16xi32>
    %add3A_18 = arith.addi %add3A_17, %iota3A : vector<16xi32>
    %gather3A_19 = tpu.vector_load_idx %arg6[%add3A_18] : memref<288xi32, #tpu.memory_space<vmem>>[vector<16xi32>], vector<16xi32>,
    %add3A_20 = arith.constant 16 : i32
    %add3A_21 = vector.broadcast %add3A_20 : i32 to vector<16xi32>
    %add3A_22 = arith.addi %add3A_21, %iota3A : vector<16xi32>
    %mul3A_23 = arith.constant 1024 : i32
    %mul3A_24 = vector.broadcast %mul3A_23 : i32 to vector<16xi32>
    %mul3A_25 = arith.muli %add3A_22, %mul3A_24 : vector<16xi32>
    %add3A_26 = arith.addi %mul3A_25, %gather3A_19 : vector<16xi32>
    tpu.vector_store_idx %arg7[%add3A_26], %broadcast_in_dim3A_3 : memref<32768xf32, #tpu.memory_space<vmem>>[vector<16xi32>], vector<16xf32>,
    %add3A_27 = arith.constant 0 : i32
    %add3A_28 = arith.addi %add3A_27, %mul3A_2 : i32
    %add3A_29 = arith.constant 0 : i32
    %add3A_30 = arith.addi %add3A_28, %add3A_29 : i32
    %mul3A_31 = arith.constant 1024 : i32
    %mul3A_32 = arith.muli %add3A_30, %mul3A_31 : i32
    %dma_start3A = tpu.memref_slice %arg4[%mul3A_32] : memref<37748736xf32, #tpu.memory_space<hbm>> -> memref<32768xf32, #tpu.memory_space<hbm>>
    %dma_start3A_33 = tpu.memref_slice %arg4[%mul3A_32] : memref<37748736xf32, #tpu.memory_space<hbm>> -> memref<32768xf32, #tpu.memory_space<hbm>>
    tpu.enqueue_dma source(%arg7 : memref<32768xf32, #tpu.memory_space<vmem>>) target(%dma_start3A_33 : memref<32768xf32, #tpu.memory_space<hbm>>) target_semaphore(%arg9 : memref<!tpu.dma_semaphore, #tpu.memory_space<semaphore_mem>>)
    %add3A_34 = arith.constant 32 : i32
    %add3A_35 = vector.broadcast %add3A_34 : i32 to vector<16xi32>
    %add3A_36 = arith.addi %add3A_35, %iota3A : vector<16xi32>
    %gather3A_37 = tpu.vector_load_idx %arg6[%add3A_36] : memref<288xi32, #tpu.memory_space<vmem>>[vector<16xi32>], vector<16xi32>,
    %add3A_38 = arith.constant 0 : i32
    %add3A_39 = vector.broadcast %add3A_38 : i32 to vector<16xi32>
    %add3A_40 = arith.addi %add3A_39, %iota3A : vector<16xi32>
    %mul3A_41 = arith.constant 1024 : i32
    %mul3A_42 = vector.broadcast %mul3A_41 : i32 to vector<16xi32>
    %mul3A_43 = arith.muli %add3A_40, %mul3A_42 : vector<16xi32>
    %add3A_44 = arith.addi %mul3A_43, %gather3A_37 : vector<16xi32>
    tpu.vector_store_idx %arg8[%add3A_44], %broadcast_in_dim3A_3 : memref<32768xf32, #tpu.memory_space<vmem>>[vector<16xi32>], vector<16xf32>,
    %add3A_45 = arith.constant 48 : i32
    %add3A_46 = vector.broadcast %add3A_45 : i32 to vector<16xi32>
    %add3A_47 = arith.addi %add3A_46, %iota3A : vector<16xi32>
    %gather3A_48 = tpu.vector_load_idx %arg6[%add3A_47] : memref<288xi32, #tpu.memory_space<vmem>>[vector<16xi32>], vector<16xi32>,
    %add3A_49 = arith.constant 16 : i32
    %add3A_50 = vector.broadcast %add3A_49 : i32 to vector<16xi32>
    %add3A_51 = arith.addi %add3A_50, %iota3A : vector<16xi32>
    %mul3A_52 = arith.constant 1024 : i32
    %mul3A_53 = vector.broadcast %mul3A_52 : i32 to vector<16xi32>
    %mul3A_54 = arith.muli %add3A_51, %mul3A_53 : vector<16xi32>
    %add3A_55 = arith.addi %mul3A_54, %gather3A_48 : vector<16xi32>
    tpu.vector_store_idx %arg8[%add3A_55], %broadcast_in_dim3A_3 : memref<32768xf32, #tpu.memory_space<vmem>>[vector<16xi32>], vector<16xf32>,
    %add3A_56 = arith.constant 0 : i32
    %add3A_57 = arith.addi %add3A_56, %mul3A_2 : i32
    %add3A_58 = arith.constant 32 : i32
    %add3A_59 = arith.addi %add3A_57, %add3A_58 : i32
    %mul3A_60 = arith.constant 1024 : i32
    %mul3A_61 = arith.muli %add3A_59, %mul3A_60 : i32
    %dma_start3A_62 = tpu.memref_slice %arg4[%mul3A_61] : memref<37748736xf32, #tpu.memory_space<hbm>> -> memref<32768xf32, #tpu.memory_space<hbm>>
    %dma_start3A_63 = tpu.memref_slice %arg4[%mul3A_61] : memref<37748736xf32, #tpu.memory_space<hbm>> -> memref<32768xf32, #tpu.memory_space<hbm>>
    tpu.enqueue_dma source(%arg8 : memref<32768xf32, #tpu.memory_space<vmem>>) target(%dma_start3A_63 : memref<32768xf32, #tpu.memory_space<hbm>>) target_semaphore(%arg10 : memref<!tpu.dma_semaphore, #tpu.memory_space<semaphore_mem>>)
    %dma_wait3A = tpu.memref_slice %arg4[%mul3A_32] : memref<37748736xf32, #tpu.memory_space<hbm>> -> memref<32768xf32, #tpu.memory_space<hbm>>
    %dma_wait3A_64 = tpu.memref_slice %arg4[%mul3A_32] : memref<37748736xf32, #tpu.memory_space<hbm>> -> memref<32768xf32, #tpu.memory_space<hbm>>
    tpu.wait_dma2 semaphore(%arg9 : memref<!tpu.dma_semaphore, #tpu.memory_space<semaphore_mem>>) src(%arg7 : memref<32768xf32, #tpu.memory_space<vmem>>) dst(%dma_wait3A_64 : memref<32768xf32, #tpu.memory_space<hbm>>)
    tpu.vector_store_idx %arg7[%add3A_15], %broadcast_in_dim3A_5 : memref<32768xf32, #tpu.memory_space<vmem>>[vector<16xi32>], vector<16xf32>,
    tpu.vector_store_idx %arg7[%add3A_26], %broadcast_in_dim3A_5 : memref<32768xf32, #tpu.memory_space<vmem>>[vector<16xi32>], vector<16xf32>,
    %add3A_65 = arith.constant 64 : i32
    %add3A_66 = vector.broadcast %add3A_65 : i32 to vector<16xi32>
    %add3A_67 = arith.addi %add3A_66, %iota3A : vector<16xi32>
    %gather3A_68 = tpu.vector_load_idx %arg6[%add3A_67] : memref<288xi32, #tpu.memory_space<vmem>>[vector<16xi32>], vector<16xi32>,
    %add3A_69 = arith.constant 0 : i32
    %add3A_70 = vector.broadcast %add3A_69 : i32 to vector<16xi32>
    %add3A_71 = arith.addi %add3A_70, %iota3A : vector<16xi32>
    %mul3A_72 = arith.constant 1024 : i32
    %mul3A_73 = vector.broadcast %mul3A_72 : i32 to vector<16xi32>
    %mul3A_74 = arith.muli %add3A_71, %mul3A_73 : vector<16xi32>
    %add3A_75 = arith.addi %mul3A_74, %gather3A_68 : vector<16xi32>
    tpu.vector_store_idx %arg7[%add3A_75], %broadcast_in_dim3A_3 : memref<32768xf32, #tpu.memory_space<vmem>>[vector<16xi32>], vector<16xf32>,
    %add3A_76 = arith.constant 80 : i32
    %add3A_77 = vector.broadcast %add3A_76 : i32 to vector<16xi32>
    %add3A_78 = arith.addi %add3A_77, %iota3A : vector<16xi32>
    %gather3A_79 = tpu.vector_load_idx %arg6[%add3A_78] : memref<288xi32, #tpu.memory_space<vmem>>[vector<16xi32>], vector<16xi32>,
    %add3A_80 = arith.constant 16 : i32
    %add3A_81 = vector.broadcast %add3A_80 : i32 to vector<16xi32>
    %add3A_82 = arith.addi %add3A_81, %iota3A : vector<16xi32>
    %mul3A_83 = arith.constant 1024 : i32
    %mul3A_84 = vector.broadcast %mul3A_83 : i32 to vector<16xi32>
    %mul3A_85 = arith.muli %add3A_82, %mul3A_84 : vector<16xi32>
    %add3A_86 = arith.addi %mul3A_85, %gather3A_79 : vector<16xi32>
    tpu.vector_store_idx %arg7[%add3A_86], %broadcast_in_dim3A_3 : memref<32768xf32, #tpu.memory_space<vmem>>[vector<16xi32>], vector<16xf32>,
    %add3A_87 = arith.constant 0 : i32
    %add3A_88 = arith.addi %add3A_87, %mul3A_2 : i32
    %add3A_89 = arith.constant 64 : i32
    %add3A_90 = arith.addi %add3A_88, %add3A_89 : i32
    %mul3A_91 = arith.constant 1024 : i32
    %mul3A_92 = arith.muli %add3A_90, %mul3A_91 : i32
    %dma_start3A_93 = tpu.memref_slice %arg4[%mul3A_92] : memref<37748736xf32, #tpu.memory_space<hbm>> -> memref<32768xf32, #tpu.memory_space<hbm>>
    %dma_start3A_94 = tpu.memref_slice %arg4[%mul3A_92] : memref<37748736xf32, #tpu.memory_space<hbm>> -> memref<32768xf32, #tpu.memory_space<hbm>>
    tpu.enqueue_dma source(%arg7 : memref<32768xf32, #tpu.memory_space<vmem>>) target(%dma_start3A_94 : memref<32768xf32, #tpu.memory_space<hbm>>) target_semaphore(%arg9 : memref<!tpu.dma_semaphore, #tpu.memory_space<semaphore_mem>>)
    %dma_wait3A_95 = tpu.memref_slice %arg4[%mul3A_61] : memref<37748736xf32, #tpu.memory_space<hbm>> -> memref<32768xf32, #tpu.memory_space<hbm>>
    %dma_wait3A_96 = tpu.memref_slice %arg4[%mul3A_61] : memref<37748736xf32, #tpu.memory_space<hbm>> -> memref<32768xf32, #tpu.memory_space<hbm>>
    tpu.wait_dma2 semaphore(%arg10 : memref<!tpu.dma_semaphore, #tpu.memory_space<semaphore_mem>>) src(%arg8 : memref<32768xf32, #tpu.memory_space<vmem>>) dst(%dma_wait3A_96 : memref<32768xf32, #tpu.memory_space<hbm>>)
    tpu.vector_store_idx %arg8[%add3A_44], %broadcast_in_dim3A_5 : memref<32768xf32, #tpu.memory_space<vmem>>[vector<16xi32>], vector<16xf32>,
    tpu.vector_store_idx %arg8[%add3A_55], %broadcast_in_dim3A_5 : memref<32768xf32, #tpu.memory_space<vmem>>[vector<16xi32>], vector<16xf32>,
    %add3A_97 = arith.constant 96 : i32
    %add3A_98 = vector.broadcast %add3A_97 : i32 to vector<16xi32>
    %add3A_99 = arith.addi %add3A_98, %iota3A : vector<16xi32>
    %gather3A_100 = tpu.vector_load_idx %arg6[%add3A_99] : memref<288xi32, #tpu.memory_space<vmem>>[vector<16xi32>], vector<16xi32>,
    %add3A_101 = arith.constant 0 : i32
    %add3A_102 = vector.broadcast %add3A_101 : i32 to vector<16xi32>
    %add3A_103 = arith.addi %add3A_102, %iota3A : vector<16xi32>
    %mul3A_104 = arith.constant 1024 : i32
    %mul3A_105 = vector.broadcast %mul3A_104 : i32 to vector<16xi32>
    %mul3A_106 = arith.muli %add3A_103, %mul3A_105 : vector<16xi32>
    %add3A_107 = arith.addi %mul3A_106, %gather3A_100 : vector<16xi32>
    tpu.vector_store_idx %arg8[%add3A_107], %broadcast_in_dim3A_3 : memref<32768xf32, #tpu.memory_space<vmem>>[vector<16xi32>], vector<16xf32>,
    %add3A_108 = arith.constant 112 : i32
    %add3A_109 = vector.broadcast %add3A_108 : i32 to vector<16xi32>
    %add3A_110 = arith.addi %add3A_109, %iota3A : vector<16xi32>
    %gather3A_111 = tpu.vector_load_idx %arg6[%add3A_110] : memref<288xi32, #tpu.memory_space<vmem>>[vector<16xi32>], vector<16xi32>,
    %add3A_112 = arith.constant 16 : i32
    %add3A_113 = vector.broadcast %add3A_112 : i32 to vector<16xi32>
    %add3A_114 = arith.addi %add3A_113, %iota3A : vector<16xi32>
    %mul3A_115 = arith.constant 1024 : i32
    %mul3A_116 = vector.broadcast %mul3A_115 : i32 to vector<16xi32>
    %mul3A_117 = arith.muli %add3A_114, %mul3A_116 : vector<16xi32>
    %add3A_118 = arith.addi %mul3A_117, %gather3A_111 : vector<16xi32>
    tpu.vector_store_idx %arg8[%add3A_118], %broadcast_in_dim3A_3 : memref<32768xf32, #tpu.memory_space<vmem>>[vector<16xi32>], vector<16xf32>,
    %add3A_119 = arith.constant 0 : i32
    %add3A_120 = arith.addi %add3A_119, %mul3A_2 : i32
    %add3A_121 = arith.constant 96 : i32
    %add3A_122 = arith.addi %add3A_120, %add3A_121 : i32
    %mul3A_123 = arith.constant 1024 : i32
    %mul3A_124 = arith.muli %add3A_122, %mul3A_123 : i32
    %dma_start3A_125 = tpu.memref_slice %arg4[%mul3A_124] : memref<37748736xf32, #tpu.memory_space<hbm>> -> memref<32768xf32, #tpu.memory_space<hbm>>
    %dma_start3A_126 = tpu.memref_slice %arg4[%mul3A_124] : memref<37748736xf32, #tpu.memory_space<hbm>> -> memref<32768xf32, #tpu.memory_space<hbm>>
    tpu.enqueue_dma source(%arg8 : memref<32768xf32, #tpu.memory_space<vmem>>) target(%dma_start3A_126 : memref<32768xf32, #tpu.memory_space<hbm>>) target_semaphore(%arg10 : memref<!tpu.dma_semaphore, #tpu.memory_space<semaphore_mem>>)
    %dma_wait3A_127 = tpu.memref_slice %arg4[%mul3A_92] : memref<37748736xf32, #tpu.memory_space<hbm>> -> memref<32768xf32, #tpu.memory_space<hbm>>
    %dma_wait3A_128 = tpu.memref_slice %arg4[%mul3A_92] : memref<37748736xf32, #tpu.memory_space<hbm>> -> memref<32768xf32, #tpu.memory_space<hbm>>
    tpu.wait_dma2 semaphore(%arg9 : memref<!tpu.dma_semaphore, #tpu.memory_space<semaphore_mem>>) src(%arg7 : memref<32768xf32, #tpu.memory_space<vmem>>) dst(%dma_wait3A_128 : memref<32768xf32, #tpu.memory_space<hbm>>)
    tpu.vector_store_idx %arg7[%add3A_75], %broadcast_in_dim3A_5 : memref<32768xf32, #tpu.memory_space<vmem>>[vector<16xi32>], vector<16xf32>,
    tpu.vector_store_idx %arg7[%add3A_86], %broadcast_in_dim3A_5 : memref<32768xf32, #tpu.memory_space<vmem>>[vector<16xi32>], vector<16xf32>,
    %add3A_129 = arith.constant 128 : i32
    %add3A_130 = vector.broadcast %add3A_129 : i32 to vector<16xi32>
    %add3A_131 = arith.addi %add3A_130, %iota3A : vector<16xi32>
    %gather3A_132 = tpu.vector_load_idx %arg6[%add3A_131] : memref<288xi32, #tpu.memory_space<vmem>>[vector<16xi32>], vector<16xi32>,
    %add3A_133 = arith.constant 0 : i32
    %add3A_134 = vector.broadcast %add3A_133 : i32 to vector<16xi32>
    %add3A_135 = arith.addi %add3A_134, %iota3A : vector<16xi32>
    %mul3A_136 = arith.constant 1024 : i32
    %mul3A_137 = vector.broadcast %mul3A_136 : i32 to vector<16xi32>
    %mul3A_138 = arith.muli %add3A_135, %mul3A_137 : vector<16xi32>
    %add3A_139 = arith.addi %mul3A_138, %gather3A_132 : vector<16xi32>
    tpu.vector_store_idx %arg7[%add3A_139], %broadcast_in_dim3A_3 : memref<32768xf32, #tpu.memory_space<vmem>>[vector<16xi32>], vector<16xf32>,
    %add3A_140 = arith.constant 144 : i32
    %add3A_141 = vector.broadcast %add3A_140 : i32 to vector<16xi32>
    %add3A_142 = arith.addi %add3A_141, %iota3A : vector<16xi32>
    %gather3A_143 = tpu.vector_load_idx %arg6[%add3A_142] : memref<288xi32, #tpu.memory_space<vmem>>[vector<16xi32>], vector<16xi32>,
    %add3A_144 = arith.constant 16 : i32
    %add3A_145 = vector.broadcast %add3A_144 : i32 to vector<16xi32>
    %add3A_146 = arith.addi %add3A_145, %iota3A : vector<16xi32>
    %mul3A_147 = arith.constant 1024 : i32
    %mul3A_148 = vector.broadcast %mul3A_147 : i32 to vector<16xi32>
    %mul3A_149 = arith.muli %add3A_146, %mul3A_148 : vector<16xi32>
    %add3A_150 = arith.addi %mul3A_149, %gather3A_143 : vector<16xi32>
    tpu.vector_store_idx %arg7[%add3A_150], %broadcast_in_dim3A_3 : memref<32768xf32, #tpu.memory_space<vmem>>[vector<16xi32>], vector<16xf32>,
    %add3A_151 = arith.constant 0 : i32
    %add3A_152 = arith.addi %add3A_151, %mul3A_2 : i32
    %add3A_153 = arith.constant 128 : i32
    %add3A_154 = arith.addi %add3A_152, %add3A_153 : i32
    %mul3A_155 = arith.constant 1024 : i32
    %mul3A_156 = arith.muli %add3A_154, %mul3A_155 : i32
    %dma_start3A_157 = tpu.memref_slice %arg4[%mul3A_156] : memref<37748736xf32, #tpu.memory_space<hbm>> -> memref<32768xf32, #tpu.memory_space<hbm>>
    %dma_start3A_158 = tpu.memref_slice %arg4[%mul3A_156] : memref<37748736xf32, #tpu.memory_space<hbm>> -> memref<32768xf32, #tpu.memory_space<hbm>>
    tpu.enqueue_dma source(%arg7 : memref<32768xf32, #tpu.memory_space<vmem>>) target(%dma_start3A_158 : memref<32768xf32, #tpu.memory_space<hbm>>) target_semaphore(%arg9 : memref<!tpu.dma_semaphore, #tpu.memory_space<semaphore_mem>>)
    %dma_wait3A_159 = tpu.memref_slice %arg4[%mul3A_124] : memref<37748736xf32, #tpu.memory_space<hbm>> -> memref<32768xf32, #tpu.memory_space<hbm>>
    %dma_wait3A_160 = tpu.memref_slice %arg4[%mul3A_124] : memref<37748736xf32, #tpu.memory_space<hbm>> -> memref<32768xf32, #tpu.memory_space<hbm>>
    tpu.wait_dma2 semaphore(%arg10 : memref<!tpu.dma_semaphore, #tpu.memory_space<semaphore_mem>>) src(%arg8 : memref<32768xf32, #tpu.memory_space<vmem>>) dst(%dma_wait3A_160 : memref<32768xf32, #tpu.memory_space<hbm>>)
    tpu.vector_store_idx %arg8[%add3A_107], %broadcast_in_dim3A_5 : memref<32768xf32, #tpu.memory_space<vmem>>[vector<16xi32>], vector<16xf32>,
    tpu.vector_store_idx %arg8[%add3A_118], %broadcast_in_dim3A_5 : memref<32768xf32, #tpu.memory_space<vmem>>[vector<16xi32>], vector<16xf32>,
    %add3A_161 = arith.constant 160 : i32
    %add3A_162 = vector.broadcast %add3A_161 : i32 to vector<16xi32>
    %add3A_163 = arith.addi %add3A_162, %iota3A : vector<16xi32>
    %gather3A_164 = tpu.vector_load_idx %arg6[%add3A_163] : memref<288xi32, #tpu.memory_space<vmem>>[vector<16xi32>], vector<16xi32>,
    %add3A_165 = arith.constant 0 : i32
    %add3A_166 = vector.broadcast %add3A_165 : i32 to vector<16xi32>
    %add3A_167 = arith.addi %add3A_166, %iota3A : vector<16xi32>
    %mul3A_168 = arith.constant 1024 : i32
    %mul3A_169 = vector.broadcast %mul3A_168 : i32 to vector<16xi32>
    %mul3A_170 = arith.muli %add3A_167, %mul3A_169 : vector<16xi32>
    %add3A_171 = arith.addi %mul3A_170, %gather3A_164 : vector<16xi32>
    tpu.vector_store_idx %arg8[%add3A_171], %broadcast_in_dim3A_3 : memref<32768xf32, #tpu.memory_space<vmem>>[vector<16xi32>], vector<16xf32>,
    %add3A_172 = arith.constant 176 : i32
    %add3A_173 = vector.broadcast %add3A_172 : i32 to vector<16xi32>
    %add3A_174 = arith.addi %add3A_173, %iota3A : vector<16xi32>
    %gather3A_175 = tpu.vector_load_idx %arg6[%add3A_174] : memref<288xi32, #tpu.memory_space<vmem>>[vector<16xi32>], vector<16xi32>,
    %add3A_176 = arith.constant 16 : i32
    %add3A_177 = vector.broadcast %add3A_176 : i32 to vector<16xi32>
    %add3A_178 = arith.addi %add3A_177, %iota3A : vector<16xi32>
    %mul3A_179 = arith.constant 1024 : i32
    %mul3A_180 = vector.broadcast %mul3A_179 : i32 to vector<16xi32>
    %mul3A_181 = arith.muli %add3A_178, %mul3A_180 : vector<16xi32>
    %add3A_182 = arith.addi %mul3A_181, %gather3A_175 : vector<16xi32>
    tpu.vector_store_idx %arg8[%add3A_182], %broadcast_in_dim3A_3 : memref<32768xf32, #tpu.memory_space<vmem>>[vector<16xi32>], vector<16xf32>,
    %add3A_183 = arith.constant 0 : i32
    %add3A_184 = arith.addi %add3A_183, %mul3A_2 : i32
    %add3A_185 = arith.constant 160 : i32
    %add3A_186 = arith.addi %add3A_184, %add3A_185 : i32
    %mul3A_187 = arith.constant 1024 : i32
    %mul3A_188 = arith.muli %add3A_186, %mul3A_187 : i32
    %dma_start3A_189 = tpu.memref_slice %arg4[%mul3A_188] : memref<37748736xf32, #tpu.memory_space<hbm>> -> memref<32768xf32, #tpu.memory_space<hbm>>
    %dma_start3A_190 = tpu.memref_slice %arg4[%mul3A_188] : memref<37748736xf32, #tpu.memory_space<hbm>> -> memref<32768xf32, #tpu.memory_space<hbm>>
    tpu.enqueue_dma source(%arg8 : memref<32768xf32, #tpu.memory_space<vmem>>) target(%dma_start3A_190 : memref<32768xf32, #tpu.memory_space<hbm>>) target_semaphore(%arg10 : memref<!tpu.dma_semaphore, #tpu.memory_space<semaphore_mem>>)
    %dma_wait3A_191 = tpu.memref_slice %arg4[%mul3A_156] : memref<37748736xf32, #tpu.memory_space<hbm>> -> memref<32768xf32, #tpu.memory_space<hbm>>
    %dma_wait3A_192 = tpu.memref_slice %arg4[%mul3A_156] : memref<37748736xf32, #tpu.memory_space<hbm>> -> memref<32768xf32, #tpu.memory_space<hbm>>
    tpu.wait_dma2 semaphore(%arg9 : memref<!tpu.dma_semaphore, #tpu.memory_space<semaphore_mem>>) src(%arg7 : memref<32768xf32, #tpu.memory_space<vmem>>) dst(%dma_wait3A_192 : memref<32768xf32, #tpu.memory_space<hbm>>)
    tpu.vector_store_idx %arg7[%add3A_139], %broadcast_in_dim3A_5 : memref<32768xf32, #tpu.memory_space<vmem>>[vector<16xi32>], vector<16xf32>,
    tpu.vector_store_idx %arg7[%add3A_150], %broadcast_in_dim3A_5 : memref<32768xf32, #tpu.memory_space<vmem>>[vector<16xi32>], vector<16xf32>,
    %add3A_193 = arith.constant 192 : i32
    %add3A_194 = vector.broadcast %add3A_193 : i32 to vector<16xi32>
    %add3A_195 = arith.addi %add3A_194, %iota3A : vector<16xi32>
    %gather3A_196 = tpu.vector_load_idx %arg6[%add3A_195] : memref<288xi32, #tpu.memory_space<vmem>>[vector<16xi32>], vector<16xi32>,
    %add3A_197 = arith.constant 0 : i32
    %add3A_198 = vector.broadcast %add3A_197 : i32 to vector<16xi32>
    %add3A_199 = arith.addi %add3A_198, %iota3A : vector<16xi32>
    %mul3A_200 = arith.constant 1024 : i32
    %mul3A_201 = vector.broadcast %mul3A_200 : i32 to vector<16xi32>
    %mul3A_202 = arith.muli %add3A_199, %mul3A_201 : vector<16xi32>
    %add3A_203 = arith.addi %mul3A_202, %gather3A_196 : vector<16xi32>
    tpu.vector_store_idx %arg7[%add3A_203], %broadcast_in_dim3A_3 : memref<32768xf32, #tpu.memory_space<vmem>>[vector<16xi32>], vector<16xf32>,
    %add3A_204 = arith.constant 208 : i32
    %add3A_205 = vector.broadcast %add3A_204 : i32 to vector<16xi32>
    %add3A_206 = arith.addi %add3A_205, %iota3A : vector<16xi32>
    %gather3A_207 = tpu.vector_load_idx %arg6[%add3A_206] : memref<288xi32, #tpu.memory_space<vmem>>[vector<16xi32>], vector<16xi32>,
    %add3A_208 = arith.constant 16 : i32
    %add3A_209 = vector.broadcast %add3A_208 : i32 to vector<16xi32>
    %add3A_210 = arith.addi %add3A_209, %iota3A : vector<16xi32>
    %mul3A_211 = arith.constant 1024 : i32
    %mul3A_212 = vector.broadcast %mul3A_211 : i32 to vector<16xi32>
    %mul3A_213 = arith.muli %add3A_210, %mul3A_212 : vector<16xi32>
    %add3A_214 = arith.addi %mul3A_213, %gather3A_207 : vector<16xi32>
    tpu.vector_store_idx %arg7[%add3A_214], %broadcast_in_dim3A_3 : memref<32768xf32, #tpu.memory_space<vmem>>[vector<16xi32>], vector<16xf32>,
    %add3A_215 = arith.constant 0 : i32
    %add3A_216 = arith.addi %add3A_215, %mul3A_2 : i32
    %add3A_217 = arith.constant 192 : i32
    %add3A_218 = arith.addi %add3A_216, %add3A_217 : i32
    %mul3A_219 = arith.constant 1024 : i32
    %mul3A_220 = arith.muli %add3A_218, %mul3A_219 : i32
    %dma_start3A_221 = tpu.memref_slice %arg4[%mul3A_220] : memref<37748736xf32, #tpu.memory_space<hbm>> -> memref<32768xf32, #tpu.memory_space<hbm>>
    %dma_start3A_222 = tpu.memref_slice %arg4[%mul3A_220] : memref<37748736xf32, #tpu.memory_space<hbm>> -> memref<32768xf32, #tpu.memory_space<hbm>>
    tpu.enqueue_dma source(%arg7 : memref<32768xf32, #tpu.memory_space<vmem>>) target(%dma_start3A_222 : memref<32768xf32, #tpu.memory_space<hbm>>) target_semaphore(%arg9 : memref<!tpu.dma_semaphore, #tpu.memory_space<semaphore_mem>>)
    %dma_wait3A_223 = tpu.memref_slice %arg4[%mul3A_188] : memref<37748736xf32, #tpu.memory_space<hbm>> -> memref<32768xf32, #tpu.memory_space<hbm>>
    %dma_wait3A_224 = tpu.memref_slice %arg4[%mul3A_188] : memref<37748736xf32, #tpu.memory_space<hbm>> -> memref<32768xf32, #tpu.memory_space<hbm>>
    tpu.wait_dma2 semaphore(%arg10 : memref<!tpu.dma_semaphore, #tpu.memory_space<semaphore_mem>>) src(%arg8 : memref<32768xf32, #tpu.memory_space<vmem>>) dst(%dma_wait3A_224 : memref<32768xf32, #tpu.memory_space<hbm>>)
    tpu.vector_store_idx %arg8[%add3A_171], %broadcast_in_dim3A_5 : memref<32768xf32, #tpu.memory_space<vmem>>[vector<16xi32>], vector<16xf32>,
    tpu.vector_store_idx %arg8[%add3A_182], %broadcast_in_dim3A_5 : memref<32768xf32, #tpu.memory_space<vmem>>[vector<16xi32>], vector<16xf32>,
    %add3A_225 = arith.constant 224 : i32
    %add3A_226 = vector.broadcast %add3A_225 : i32 to vector<16xi32>
    %add3A_227 = arith.addi %add3A_226, %iota3A : vector<16xi32>
    %gather3A_228 = tpu.vector_load_idx %arg6[%add3A_227] : memref<288xi32, #tpu.memory_space<vmem>>[vector<16xi32>], vector<16xi32>,
    %add3A_229 = arith.constant 0 : i32
    %add3A_230 = vector.broadcast %add3A_229 : i32 to vector<16xi32>
    %add3A_231 = arith.addi %add3A_230, %iota3A : vector<16xi32>
    %mul3A_232 = arith.constant 1024 : i32
    %mul3A_233 = vector.broadcast %mul3A_232 : i32 to vector<16xi32>
    %mul3A_234 = arith.muli %add3A_231, %mul3A_233 : vector<16xi32>
    %add3A_235 = arith.addi %mul3A_234, %gather3A_228 : vector<16xi32>
    tpu.vector_store_idx %arg8[%add3A_235], %broadcast_in_dim3A_3 : memref<32768xf32, #tpu.memory_space<vmem>>[vector<16xi32>], vector<16xf32>,
    %add3A_236 = arith.constant 240 : i32
    %add3A_237 = vector.broadcast %add3A_236 : i32 to vector<16xi32>
    %add3A_238 = arith.addi %add3A_237, %iota3A : vector<16xi32>
    %gather3A_239 = tpu.vector_load_idx %arg6[%add3A_238] : memref<288xi32, #tpu.memory_space<vmem>>[vector<16xi32>], vector<16xi32>,
    %add3A_240 = arith.constant 16 : i32
    %add3A_241 = vector.broadcast %add3A_240 : i32 to vector<16xi32>
    %add3A_242 = arith.addi %add3A_241, %iota3A : vector<16xi32>
    %mul3A_243 = arith.constant 1024 : i32
    %mul3A_244 = vector.broadcast %mul3A_243 : i32 to vector<16xi32>
    %mul3A_245 = arith.muli %add3A_242, %mul3A_244 : vector<16xi32>
    %add3A_246 = arith.addi %mul3A_245, %gather3A_239 : vector<16xi32>
    tpu.vector_store_idx %arg8[%add3A_246], %broadcast_in_dim3A_3 : memref<32768xf32, #tpu.memory_space<vmem>>[vector<16xi32>], vector<16xf32>,
    %add3A_247 = arith.constant 0 : i32
    %add3A_248 = arith.addi %add3A_247, %mul3A_2 : i32
    %add3A_249 = arith.constant 224 : i32
    %add3A_250 = arith.addi %add3A_248, %add3A_249 : i32
    %mul3A_251 = arith.constant 1024 : i32
    %mul3A_252 = arith.muli %add3A_250, %mul3A_251 : i32
    %dma_start3A_253 = tpu.memref_slice %arg4[%mul3A_252] : memref<37748736xf32, #tpu.memory_space<hbm>> -> memref<32768xf32, #tpu.memory_space<hbm>>
    %dma_start3A_254 = tpu.memref_slice %arg4[%mul3A_252] : memref<37748736xf32, #tpu.memory_space<hbm>> -> memref<32768xf32, #tpu.memory_space<hbm>>
    tpu.enqueue_dma source(%arg8 : memref<32768xf32, #tpu.memory_space<vmem>>) target(%dma_start3A_254 : memref<32768xf32, #tpu.memory_space<hbm>>) target_semaphore(%arg10 : memref<!tpu.dma_semaphore, #tpu.memory_space<semaphore_mem>>)
    %dma_wait3A_255 = tpu.memref_slice %arg4[%mul3A_220] : memref<37748736xf32, #tpu.memory_space<hbm>> -> memref<32768xf32, #tpu.memory_space<hbm>>
    %dma_wait3A_256 = tpu.memref_slice %arg4[%mul3A_220] : memref<37748736xf32, #tpu.memory_space<hbm>> -> memref<32768xf32, #tpu.memory_space<hbm>>
    tpu.wait_dma2 semaphore(%arg9 : memref<!tpu.dma_semaphore, #tpu.memory_space<semaphore_mem>>) src(%arg7 : memref<32768xf32, #tpu.memory_space<vmem>>) dst(%dma_wait3A_256 : memref<32768xf32, #tpu.memory_space<hbm>>)
    tpu.vector_store_idx %arg7[%add3A_203], %broadcast_in_dim3A_5 : memref<32768xf32, #tpu.memory_space<vmem>>[vector<16xi32>], vector<16xf32>,
    tpu.vector_store_idx %arg7[%add3A_214], %broadcast_in_dim3A_5 : memref<32768xf32, #tpu.memory_space<vmem>>[vector<16xi32>], vector<16xf32>,
    %add3A_257 = arith.constant 256 : i32
    %add3A_258 = vector.broadcast %add3A_257 : i32 to vector<16xi32>
    %add3A_259 = arith.addi %add3A_258, %iota3A : vector<16xi32>
    %gather3A_260 = tpu.vector_load_idx %arg6[%add3A_259] : memref<288xi32, #tpu.memory_space<vmem>>[vector<16xi32>], vector<16xi32>,
    %add3A_261 = arith.constant 0 : i32
    %add3A_262 = vector.broadcast %add3A_261 : i32 to vector<16xi32>
    %add3A_263 = arith.addi %add3A_262, %iota3A : vector<16xi32>
    %mul3A_264 = arith.constant 1024 : i32
    %mul3A_265 = vector.broadcast %mul3A_264 : i32 to vector<16xi32>
    %mul3A_266 = arith.muli %add3A_263, %mul3A_265 : vector<16xi32>
    %add3A_267 = arith.addi %mul3A_266, %gather3A_260 : vector<16xi32>
    tpu.vector_store_idx %arg7[%add3A_267], %broadcast_in_dim3A_3 : memref<32768xf32, #tpu.memory_space<vmem>>[vector<16xi32>], vector<16xf32>,
    %add3A_268 = arith.constant 272 : i32
    %add3A_269 = vector.broadcast %add3A_268 : i32 to vector<16xi32>
    %add3A_270 = arith.addi %add3A_269, %iota3A : vector<16xi32>
    %gather3A_271 = tpu.vector_load_idx %arg6[%add3A_270] : memref<288xi32, #tpu.memory_space<vmem>>[vector<16xi32>], vector<16xi32>,
    %add3A_272 = arith.constant 16 : i32
    %add3A_273 = vector.broadcast %add3A_272 : i32 to vector<16xi32>
    %add3A_274 = arith.addi %add3A_273, %iota3A : vector<16xi32>
    %mul3A_275 = arith.constant 1024 : i32
    %mul3A_276 = vector.broadcast %mul3A_275 : i32 to vector<16xi32>
    %mul3A_277 = arith.muli %add3A_274, %mul3A_276 : vector<16xi32>
    %add3A_278 = arith.addi %mul3A_277, %gather3A_271 : vector<16xi32>
    tpu.vector_store_idx %arg7[%add3A_278], %broadcast_in_dim3A_3 : memref<32768xf32, #tpu.memory_space<vmem>>[vector<16xi32>], vector<16xf32>,
    %add3A_279 = arith.constant 0 : i32
    %add3A_280 = arith.addi %add3A_279, %mul3A_2 : i32
    %add3A_281 = arith.constant 256 : i32
    %add3A_282 = arith.addi %add3A_280, %add3A_281 : i32
    %mul3A_283 = arith.constant 1024 : i32
    %mul3A_284 = arith.muli %add3A_282, %mul3A_283 : i32
    %dma_start3A_285 = tpu.memref_slice %arg4[%mul3A_284] : memref<37748736xf32, #tpu.memory_space<hbm>> -> memref<32768xf32, #tpu.memory_space<hbm>>
    %dma_start3A_286 = tpu.memref_slice %arg4[%mul3A_284] : memref<37748736xf32, #tpu.memory_space<hbm>> -> memref<32768xf32, #tpu.memory_space<hbm>>
    tpu.enqueue_dma source(%arg7 : memref<32768xf32, #tpu.memory_space<vmem>>) target(%dma_start3A_286 : memref<32768xf32, #tpu.memory_space<hbm>>) target_semaphore(%arg9 : memref<!tpu.dma_semaphore, #tpu.memory_space<semaphore_mem>>)
    %dma_wait3A_287 = tpu.memref_slice %arg4[%mul3A_284] : memref<37748736xf32, #tpu.memory_space<hbm>> -> memref<32768xf32, #tpu.memory_space<hbm>>
    %dma_wait3A_288 = tpu.memref_slice %arg4[%mul3A_284] : memref<37748736xf32, #tpu.memory_space<hbm>> -> memref<32768xf32, #tpu.memory_space<hbm>>
    tpu.wait_dma2 semaphore(%arg9 : memref<!tpu.dma_semaphore, #tpu.memory_space<semaphore_mem>>) src(%arg7 : memref<32768xf32, #tpu.memory_space<vmem>>) dst(%dma_wait3A_288 : memref<32768xf32, #tpu.memory_space<hbm>>)
    %dma_wait3A_289 = tpu.memref_slice %arg4[%mul3A_252] : memref<37748736xf32, #tpu.memory_space<hbm>> -> memref<32768xf32, #tpu.memory_space<hbm>>
    %dma_wait3A_290 = tpu.memref_slice %arg4[%mul3A_252] : memref<37748736xf32, #tpu.memory_space<hbm>> -> memref<32768xf32, #tpu.memory_space<hbm>>
    tpu.wait_dma2 semaphore(%arg10 : memref<!tpu.dma_semaphore, #tpu.memory_space<semaphore_mem>>) src(%arg8 : memref<32768xf32, #tpu.memory_space<vmem>>) dst(%dma_wait3A_290 : memref<32768xf32, #tpu.memory_space<hbm>>)
    return
  }
}

#map = affine_map<(d0, d1) -> (0)>
module attributes {stable_mosaic.version = 14 : i64} {
  func.func @new_body(%arg0: i32, %arg1: i32, %arg2: memref<9216xi32, #tpu.memory_space<hbm>>, %arg3: memref<32768xf32, #tpu.memory_space<hbm>>, %arg4: memref<37748736xf32, #tpu.memory_space<hbm>>, %arg5: memref<37748736xf32, #tpu.memory_space<hbm>>, %arg6: memref<288xi32, #tpu.memory_space<vmem>>, %arg7: memref<32768xf32, #tpu.memory_space<vmem>>, %arg8: memref<32768xf32, #tpu.memory_space<vmem>>, %arg9: memref<!tpu.dma_semaphore, #tpu.memory_space<semaphore_mem>>, %arg10: memref<!tpu.dma_semaphore, #tpu.memory_space<semaphore_mem>>) attributes {dimension_semantics = [#tpu.dimension_semantics<core_parallel>, #tpu.dimension_semantics<subcore_parallel>], iteration_bounds = array<i64: 2, 16>, scalar_prefetch = 0 : i64, scratch_operands = 5 : i64, tpu.core_type = #tpu.core_type<sc_vector_subcore>, window_params = [{transform_indices = #map}, {transform_indices = #map}, {transform_indices = #map}, {transform_indices = #map}]} {
    %mul3A = arith.constant 2 : i32
    %mul3A_0 = arith.muli %arg1, %mul3A : i32
    %add3A = arith.addi %mul3A_0, %arg0 : i32
    %mul3A_1 = arith.constant 288 : i32
    %mul3A_2 = arith.muli %add3A, %mul3A_1 : i32
    "tpu.region"() ({
      %run_scoped3A = tpu.sem_alloc : memref<!tpu.dma_semaphore, #tpu.memory_space<semaphore_mem>>
      %dma_start3A_291 = tpu.memref_slice %arg2[%mul3A_2] : memref<9216xi32, #tpu.memory_space<hbm>> -> memref<288xi32, #tpu.memory_space<hbm>>
      %dma_start3A_292 = tpu.memref_slice %arg2[%mul3A_2] : memref<9216xi32, #tpu.memory_space<hbm>> -> memref<288xi32, #tpu.memory_space<hbm>>
      tpu.enqueue_dma source(%dma_start3A_292 : memref<288xi32, #tpu.memory_space<hbm>>) target(%arg6 : memref<288xi32, #tpu.memory_space<vmem>>) target_semaphore(%run_scoped3A : memref<!tpu.dma_semaphore, #tpu.memory_space<semaphore_mem>>)
      %dma_wait3A_293 = tpu.memref_slice %arg2[%mul3A_2] : memref<9216xi32, #tpu.memory_space<hbm>> -> memref<288xi32, #tpu.memory_space<hbm>>
      %dma_wait3A_294 = tpu.memref_slice %arg2[%mul3A_2] : memref<9216xi32, #tpu.memory_space<hbm>> -> memref<288xi32, #tpu.memory_space<hbm>>
      tpu.wait_dma2 semaphore(%run_scoped3A : memref<!tpu.dma_semaphore, #tpu.memory_space<semaphore_mem>>) src(%dma_wait3A_294 : memref<288xi32, #tpu.memory_space<hbm>>) dst(%arg6 : memref<288xi32, #tpu.memory_space<vmem>>)
      tpu.yield
    }) : () -> ()
    "tpu.region"() ({
      %run_scoped3A = tpu.sem_alloc : memref<!tpu.dma_semaphore, #tpu.memory_space<semaphore_mem>>
      tpu.enqueue_dma source(%arg3 : memref<32768xf32, #tpu.memory_space<hbm>>) target(%arg7 : memref<32768xf32, #tpu.memory_space<vmem>>) target_semaphore(%run_scoped3A : memref<!tpu.dma_semaphore, #tpu.memory_space<semaphore_mem>>)
      tpu.wait_dma2 semaphore(%run_scoped3A : memref<!tpu.dma_semaphore, #tpu.memory_space<semaphore_mem>>) src(%arg3 : memref<32768xf32, #tpu.memory_space<hbm>>) dst(%arg7 : memref<32768xf32, #tpu.memory_space<vmem>>)
      tpu.yield
    }) : () -> ()
    "tpu.region"() ({
      %run_scoped3A = tpu.sem_alloc : memref<!tpu.dma_semaphore, #tpu.memory_space<semaphore_mem>>
      tpu.enqueue_dma source(%arg3 : memref<32768xf32, #tpu.memory_space<hbm>>) target(%arg8 : memref<32768xf32, #tpu.memory_space<vmem>>) target_semaphore(%run_scoped3A : memref<!tpu.dma_semaphore, #tpu.memory_space<semaphore_mem>>)
      tpu.wait_dma2 semaphore(%run_scoped3A : memref<!tpu.dma_semaphore, #tpu.memory_space<semaphore_mem>>) src(%arg3 : memref<32768xf32, #tpu.memory_space<hbm>>) dst(%arg8 : memref<32768xf32, #tpu.memory_space<vmem>>)
      tpu.yield
    }) : () -> ()
    %broadcast_in_dim3A = arith.constant 1.000000e+00 : f32
    %broadcast_in_dim3A_3 = vector.broadcast %broadcast_in_dim3A : f32 to vector<16xf32>
    %broadcast_in_dim3A_4 = arith.constant 0.000000e+00 : f32
    %broadcast_in_dim3A_5 = vector.broadcast %broadcast_in_dim3A_4 : f32 to vector<16xf32>
    %iota3A = tpu.iota {dimensions = array<i32: 0>} : vector<16xi32>
    %add3A_6 = arith.constant 0 : i32
    %add3A_7 = vector.broadcast %add3A_6 : i32 to vector<16xi32>
    %add3A_8 = arith.addi %add3A_7, %iota3A : vector<16xi32>
    %gather3A = tpu.vector_load_idx %arg6[%add3A_8] : memref<288xi32, #tpu.memory_space<vmem>>[vector<16xi32>], vector<16xi32>,
    %add3A_9 = arith.constant 0 : i32
    %add3A_10 = vector.broadcast %add3A_9 : i32 to vector<16xi32>
    %add3A_11 = arith.addi %add3A_10, %iota3A : vector<16xi32>
    %mul3A_12 = arith.constant 1024 : i32
    %mul3A_13 = vector.broadcast %mul3A_12 : i32 to vector<16xi32>
    %mul3A_14 = arith.muli %add3A_11, %mul3A_13 : vector<16xi32>
    %add3A_15 = arith.addi %mul3A_14, %gather3A : vector<16xi32>
    tpu.vector_store_idx %arg7[%add3A_15], %broadcast_in_dim3A_3 : memref<32768xf32, #tpu.memory_space<vmem>>[vector<16xi32>], vector<16xf32>,
    %add3A_16 = arith.constant 16 : i32
    %add3A_17 = vector.broadcast %add3A_16 : i32 to vector<16xi32>
    %add3A_18 = arith.addi %add3A_17, %iota3A : vector<16xi32>
    %gather3A_19 = tpu.vector_load_idx %arg6[%add3A_18] : memref<288xi32, #tpu.memory_space<vmem>>[vector<16xi32>], vector<16xi32>,
    %add3A_20 = arith.constant 16 : i32
    %add3A_21 = vector.broadcast %add3A_20 : i32 to vector<16xi32>
    %add3A_22 = arith.addi %add3A_21, %iota3A : vector<16xi32>
    %mul3A_23 = arith.constant 1024 : i32
    %mul3A_24 = vector.broadcast %mul3A_23 : i32 to vector<16xi32>
    %mul3A_25 = arith.muli %add3A_22, %mul3A_24 : vector<16xi32>
    %add3A_26 = arith.addi %mul3A_25, %gather3A_19 : vector<16xi32>
    tpu.vector_store_idx %arg7[%add3A_26], %broadcast_in_dim3A_3 : memref<32768xf32, #tpu.memory_space<vmem>>[vector<16xi32>], vector<16xf32>,
    %add3A_27 = arith.constant 27648 : i32
    %add3A_28 = arith.addi %add3A_27, %mul3A_2 : i32
    %add3A_29 = arith.constant 0 : i32
    %add3A_30 = arith.addi %add3A_28, %add3A_29 : i32
    %mul3A_31 = arith.constant 1024 : i32
    %mul3A_32 = arith.muli %add3A_30, %mul3A_31 : i32
    %dma_start3A = tpu.memref_slice %arg4[%mul3A_32] : memref<37748736xf32, #tpu.memory_space<hbm>> -> memref<32768xf32, #tpu.memory_space<hbm>>
    %dma_start3A_33 = tpu.memref_slice %arg4[%mul3A_32] : memref<37748736xf32, #tpu.memory_space<hbm>> -> memref<32768xf32, #tpu.memory_space<hbm>>
    tpu.enqueue_dma source(%arg7 : memref<32768xf32, #tpu.memory_space<vmem>>) target(%dma_start3A_33 : memref<32768xf32, #tpu.memory_space<hbm>>) target_semaphore(%arg9 : memref<!tpu.dma_semaphore, #tpu.memory_space<semaphore_mem>>)
    %add3A_34 = arith.constant 32 : i32
    %add3A_35 = vector.broadcast %add3A_34 : i32 to vector<16xi32>
    %add3A_36 = arith.addi %add3A_35, %iota3A : vector<16xi32>
    %gather3A_37 = tpu.vector_load_idx %arg6[%add3A_36] : memref<288xi32, #tpu.memory_space<vmem>>[vector<16xi32>], vector<16xi32>,
    %add3A_38 = arith.constant 0 : i32
    %add3A_39 = vector.broadcast %add3A_38 : i32 to vector<16xi32>
    %add3A_40 = arith.addi %add3A_39, %iota3A : vector<16xi32>
    %mul3A_41 = arith.constant 1024 : i32
    %mul3A_42 = vector.broadcast %mul3A_41 : i32 to vector<16xi32>
    %mul3A_43 = arith.muli %add3A_40, %mul3A_42 : vector<16xi32>
    %add3A_44 = arith.addi %mul3A_43, %gather3A_37 : vector<16xi32>
    tpu.vector_store_idx %arg8[%add3A_44], %broadcast_in_dim3A_3 : memref<32768xf32, #tpu.memory_space<vmem>>[vector<16xi32>], vector<16xf32>,
    %add3A_45 = arith.constant 48 : i32
    %add3A_46 = vector.broadcast %add3A_45 : i32 to vector<16xi32>
    %add3A_47 = arith.addi %add3A_46, %iota3A : vector<16xi32>
    %gather3A_48 = tpu.vector_load_idx %arg6[%add3A_47] : memref<288xi32, #tpu.memory_space<vmem>>[vector<16xi32>], vector<16xi32>,
    %add3A_49 = arith.constant 16 : i32
    %add3A_50 = vector.broadcast %add3A_49 : i32 to vector<16xi32>
    %add3A_51 = arith.addi %add3A_50, %iota3A : vector<16xi32>
    %mul3A_52 = arith.constant 1024 : i32
    %mul3A_53 = vector.broadcast %mul3A_52 : i32 to vector<16xi32>
    %mul3A_54 = arith.muli %add3A_51, %mul3A_53 : vector<16xi32>
    %add3A_55 = arith.addi %mul3A_54, %gather3A_48 : vector<16xi32>
    tpu.vector_store_idx %arg8[%add3A_55], %broadcast_in_dim3A_3 : memref<32768xf32, #tpu.memory_space<vmem>>[vector<16xi32>], vector<16xf32>,
    %add3A_56 = arith.constant 27648 : i32
    %add3A_57 = arith.addi %add3A_56, %mul3A_2 : i32
    %add3A_58 = arith.constant 32 : i32
    %add3A_59 = arith.addi %add3A_57, %add3A_58 : i32
    %mul3A_60 = arith.constant 1024 : i32
    %mul3A_61 = arith.muli %add3A_59, %mul3A_60 : i32
    %dma_start3A_62 = tpu.memref_slice %arg4[%mul3A_61] : memref<37748736xf32, #tpu.memory_space<hbm>> -> memref<32768xf32, #tpu.memory_space<hbm>>
    %dma_start3A_63 = tpu.memref_slice %arg4[%mul3A_61] : memref<37748736xf32, #tpu.memory_space<hbm>> -> memref<32768xf32, #tpu.memory_space<hbm>>
    tpu.enqueue_dma source(%arg8 : memref<32768xf32, #tpu.memory_space<vmem>>) target(%dma_start3A_63 : memref<32768xf32, #tpu.memory_space<hbm>>) target_semaphore(%arg10 : memref<!tpu.dma_semaphore, #tpu.memory_space<semaphore_mem>>)
    %dma_wait3A = tpu.memref_slice %arg4[%mul3A_32] : memref<37748736xf32, #tpu.memory_space<hbm>> -> memref<32768xf32, #tpu.memory_space<hbm>>
    %dma_wait3A_64 = tpu.memref_slice %arg4[%mul3A_32] : memref<37748736xf32, #tpu.memory_space<hbm>> -> memref<32768xf32, #tpu.memory_space<hbm>>
    tpu.wait_dma2 semaphore(%arg9 : memref<!tpu.dma_semaphore, #tpu.memory_space<semaphore_mem>>) src(%arg7 : memref<32768xf32, #tpu.memory_space<vmem>>) dst(%dma_wait3A_64 : memref<32768xf32, #tpu.memory_space<hbm>>)
    tpu.vector_store_idx %arg7[%add3A_15], %broadcast_in_dim3A_5 : memref<32768xf32, #tpu.memory_space<vmem>>[vector<16xi32>], vector<16xf32>,
    tpu.vector_store_idx %arg7[%add3A_26], %broadcast_in_dim3A_5 : memref<32768xf32, #tpu.memory_space<vmem>>[vector<16xi32>], vector<16xf32>,
    %add3A_65 = arith.constant 64 : i32
    %add3A_66 = vector.broadcast %add3A_65 : i32 to vector<16xi32>
    %add3A_67 = arith.addi %add3A_66, %iota3A : vector<16xi32>
    %gather3A_68 = tpu.vector_load_idx %arg6[%add3A_67] : memref<288xi32, #tpu.memory_space<vmem>>[vector<16xi32>], vector<16xi32>,
    %add3A_69 = arith.constant 0 : i32
    %add3A_70 = vector.broadcast %add3A_69 : i32 to vector<16xi32>
    %add3A_71 = arith.addi %add3A_70, %iota3A : vector<16xi32>
    %mul3A_72 = arith.constant 1024 : i32
    %mul3A_73 = vector.broadcast %mul3A_72 : i32 to vector<16xi32>
    %mul3A_74 = arith.muli %add3A_71, %mul3A_73 : vector<16xi32>
    %add3A_75 = arith.addi %mul3A_74, %gather3A_68 : vector<16xi32>
    tpu.vector_store_idx %arg7[%add3A_75], %broadcast_in_dim3A_3 : memref<32768xf32, #tpu.memory_space<vmem>>[vector<16xi32>], vector<16xf32>,
    %add3A_76 = arith.constant 80 : i32
    %add3A_77 = vector.broadcast %add3A_76 : i32 to vector<16xi32>
    %add3A_78 = arith.addi %add3A_77, %iota3A : vector<16xi32>
    %gather3A_79 = tpu.vector_load_idx %arg6[%add3A_78] : memref<288xi32, #tpu.memory_space<vmem>>[vector<16xi32>], vector<16xi32>,
    %add3A_80 = arith.constant 16 : i32
    %add3A_81 = vector.broadcast %add3A_80 : i32 to vector<16xi32>
    %add3A_82 = arith.addi %add3A_81, %iota3A : vector<16xi32>
    %mul3A_83 = arith.constant 1024 : i32
    %mul3A_84 = vector.broadcast %mul3A_83 : i32 to vector<16xi32>
    %mul3A_85 = arith.muli %add3A_82, %mul3A_84 : vector<16xi32>
    %add3A_86 = arith.addi %mul3A_85, %gather3A_79 : vector<16xi32>
    tpu.vector_store_idx %arg7[%add3A_86], %broadcast_in_dim3A_3 : memref<32768xf32, #tpu.memory_space<vmem>>[vector<16xi32>], vector<16xf32>,
    %add3A_87 = arith.constant 27648 : i32
    %add3A_88 = arith.addi %add3A_87, %mul3A_2 : i32
    %add3A_89 = arith.constant 64 : i32
    %add3A_90 = arith.addi %add3A_88, %add3A_89 : i32
    %mul3A_91 = arith.constant 1024 : i32
    %mul3A_92 = arith.muli %add3A_90, %mul3A_91 : i32
    %dma_start3A_93 = tpu.memref_slice %arg4[%mul3A_92] : memref<37748736xf32, #tpu.memory_space<hbm>> -> memref<32768xf32, #tpu.memory_space<hbm>>
    %dma_start3A_94 = tpu.memref_slice %arg4[%mul3A_92] : memref<37748736xf32, #tpu.memory_space<hbm>> -> memref<32768xf32, #tpu.memory_space<hbm>>
    tpu.enqueue_dma source(%arg7 : memref<32768xf32, #tpu.memory_space<vmem>>) target(%dma_start3A_94 : memref<32768xf32, #tpu.memory_space<hbm>>) target_semaphore(%arg9 : memref<!tpu.dma_semaphore, #tpu.memory_space<semaphore_mem>>)
    %dma_wait3A_95 = tpu.memref_slice %arg4[%mul3A_61] : memref<37748736xf32, #tpu.memory_space<hbm>> -> memref<32768xf32, #tpu.memory_space<hbm>>
    %dma_wait3A_96 = tpu.memref_slice %arg4[%mul3A_61] : memref<37748736xf32, #tpu.memory_space<hbm>> -> memref<32768xf32, #tpu.memory_space<hbm>>
    tpu.wait_dma2 semaphore(%arg10 : memref<!tpu.dma_semaphore, #tpu.memory_space<semaphore_mem>>) src(%arg8 : memref<32768xf32, #tpu.memory_space<vmem>>) dst(%dma_wait3A_96 : memref<32768xf32, #tpu.memory_space<hbm>>)
    tpu.vector_store_idx %arg8[%add3A_44], %broadcast_in_dim3A_5 : memref<32768xf32, #tpu.memory_space<vmem>>[vector<16xi32>], vector<16xf32>,
    tpu.vector_store_idx %arg8[%add3A_55], %broadcast_in_dim3A_5 : memref<32768xf32, #tpu.memory_space<vmem>>[vector<16xi32>], vector<16xf32>,
    %add3A_97 = arith.constant 96 : i32
    %add3A_98 = vector.broadcast %add3A_97 : i32 to vector<16xi32>
    %add3A_99 = arith.addi %add3A_98, %iota3A : vector<16xi32>
    %gather3A_100 = tpu.vector_load_idx %arg6[%add3A_99] : memref<288xi32, #tpu.memory_space<vmem>>[vector<16xi32>], vector<16xi32>,
    %add3A_101 = arith.constant 0 : i32
    %add3A_102 = vector.broadcast %add3A_101 : i32 to vector<16xi32>
    %add3A_103 = arith.addi %add3A_102, %iota3A : vector<16xi32>
    %mul3A_104 = arith.constant 1024 : i32
    %mul3A_105 = vector.broadcast %mul3A_104 : i32 to vector<16xi32>
    %mul3A_106 = arith.muli %add3A_103, %mul3A_105 : vector<16xi32>
    %add3A_107 = arith.addi %mul3A_106, %gather3A_100 : vector<16xi32>
    tpu.vector_store_idx %arg8[%add3A_107], %broadcast_in_dim3A_3 : memref<32768xf32, #tpu.memory_space<vmem>>[vector<16xi32>], vector<16xf32>,
    %add3A_108 = arith.constant 112 : i32
    %add3A_109 = vector.broadcast %add3A_108 : i32 to vector<16xi32>
    %add3A_110 = arith.addi %add3A_109, %iota3A : vector<16xi32>
    %gather3A_111 = tpu.vector_load_idx %arg6[%add3A_110] : memref<288xi32, #tpu.memory_space<vmem>>[vector<16xi32>], vector<16xi32>,
    %add3A_112 = arith.constant 16 : i32
    %add3A_113 = vector.broadcast %add3A_112 : i32 to vector<16xi32>
    %add3A_114 = arith.addi %add3A_113, %iota3A : vector<16xi32>
    %mul3A_115 = arith.constant 1024 : i32
    %mul3A_116 = vector.broadcast %mul3A_115 : i32 to vector<16xi32>
    %mul3A_117 = arith.muli %add3A_114, %mul3A_116 : vector<16xi32>
    %add3A_118 = arith.addi %mul3A_117, %gather3A_111 : vector<16xi32>
    tpu.vector_store_idx %arg8[%add3A_118], %broadcast_in_dim3A_3 : memref<32768xf32, #tpu.memory_space<vmem>>[vector<16xi32>], vector<16xf32>,
    %add3A_119 = arith.constant 27648 : i32
    %add3A_120 = arith.addi %add3A_119, %mul3A_2 : i32
    %add3A_121 = arith.constant 96 : i32
    %add3A_122 = arith.addi %add3A_120, %add3A_121 : i32
    %mul3A_123 = arith.constant 1024 : i32
    %mul3A_124 = arith.muli %add3A_122, %mul3A_123 : i32
    %dma_start3A_125 = tpu.memref_slice %arg4[%mul3A_124] : memref<37748736xf32, #tpu.memory_space<hbm>> -> memref<32768xf32, #tpu.memory_space<hbm>>
    %dma_start3A_126 = tpu.memref_slice %arg4[%mul3A_124] : memref<37748736xf32, #tpu.memory_space<hbm>> -> memref<32768xf32, #tpu.memory_space<hbm>>
    tpu.enqueue_dma source(%arg8 : memref<32768xf32, #tpu.memory_space<vmem>>) target(%dma_start3A_126 : memref<32768xf32, #tpu.memory_space<hbm>>) target_semaphore(%arg10 : memref<!tpu.dma_semaphore, #tpu.memory_space<semaphore_mem>>)
    %dma_wait3A_127 = tpu.memref_slice %arg4[%mul3A_92] : memref<37748736xf32, #tpu.memory_space<hbm>> -> memref<32768xf32, #tpu.memory_space<hbm>>
    %dma_wait3A_128 = tpu.memref_slice %arg4[%mul3A_92] : memref<37748736xf32, #tpu.memory_space<hbm>> -> memref<32768xf32, #tpu.memory_space<hbm>>
    tpu.wait_dma2 semaphore(%arg9 : memref<!tpu.dma_semaphore, #tpu.memory_space<semaphore_mem>>) src(%arg7 : memref<32768xf32, #tpu.memory_space<vmem>>) dst(%dma_wait3A_128 : memref<32768xf32, #tpu.memory_space<hbm>>)
    tpu.vector_store_idx %arg7[%add3A_75], %broadcast_in_dim3A_5 : memref<32768xf32, #tpu.memory_space<vmem>>[vector<16xi32>], vector<16xf32>,
    tpu.vector_store_idx %arg7[%add3A_86], %broadcast_in_dim3A_5 : memref<32768xf32, #tpu.memory_space<vmem>>[vector<16xi32>], vector<16xf32>,
    %add3A_129 = arith.constant 128 : i32
    %add3A_130 = vector.broadcast %add3A_129 : i32 to vector<16xi32>
    %add3A_131 = arith.addi %add3A_130, %iota3A : vector<16xi32>
    %gather3A_132 = tpu.vector_load_idx %arg6[%add3A_131] : memref<288xi32, #tpu.memory_space<vmem>>[vector<16xi32>], vector<16xi32>,
    %add3A_133 = arith.constant 0 : i32
    %add3A_134 = vector.broadcast %add3A_133 : i32 to vector<16xi32>
    %add3A_135 = arith.addi %add3A_134, %iota3A : vector<16xi32>
    %mul3A_136 = arith.constant 1024 : i32
    %mul3A_137 = vector.broadcast %mul3A_136 : i32 to vector<16xi32>
    %mul3A_138 = arith.muli %add3A_135, %mul3A_137 : vector<16xi32>
    %add3A_139 = arith.addi %mul3A_138, %gather3A_132 : vector<16xi32>
    tpu.vector_store_idx %arg7[%add3A_139], %broadcast_in_dim3A_3 : memref<32768xf32, #tpu.memory_space<vmem>>[vector<16xi32>], vector<16xf32>,
    %add3A_140 = arith.constant 144 : i32
    %add3A_141 = vector.broadcast %add3A_140 : i32 to vector<16xi32>
    %add3A_142 = arith.addi %add3A_141, %iota3A : vector<16xi32>
    %gather3A_143 = tpu.vector_load_idx %arg6[%add3A_142] : memref<288xi32, #tpu.memory_space<vmem>>[vector<16xi32>], vector<16xi32>,
    %add3A_144 = arith.constant 16 : i32
    %add3A_145 = vector.broadcast %add3A_144 : i32 to vector<16xi32>
    %add3A_146 = arith.addi %add3A_145, %iota3A : vector<16xi32>
    %mul3A_147 = arith.constant 1024 : i32
    %mul3A_148 = vector.broadcast %mul3A_147 : i32 to vector<16xi32>
    %mul3A_149 = arith.muli %add3A_146, %mul3A_148 : vector<16xi32>
    %add3A_150 = arith.addi %mul3A_149, %gather3A_143 : vector<16xi32>
    tpu.vector_store_idx %arg7[%add3A_150], %broadcast_in_dim3A_3 : memref<32768xf32, #tpu.memory_space<vmem>>[vector<16xi32>], vector<16xf32>,
    %add3A_151 = arith.constant 27648 : i32
    %add3A_152 = arith.addi %add3A_151, %mul3A_2 : i32
    %add3A_153 = arith.constant 128 : i32
    %add3A_154 = arith.addi %add3A_152, %add3A_153 : i32
    %mul3A_155 = arith.constant 1024 : i32
    %mul3A_156 = arith.muli %add3A_154, %mul3A_155 : i32
    %dma_start3A_157 = tpu.memref_slice %arg4[%mul3A_156] : memref<37748736xf32, #tpu.memory_space<hbm>> -> memref<32768xf32, #tpu.memory_space<hbm>>
    %dma_start3A_158 = tpu.memref_slice %arg4[%mul3A_156] : memref<37748736xf32, #tpu.memory_space<hbm>> -> memref<32768xf32, #tpu.memory_space<hbm>>
    tpu.enqueue_dma source(%arg7 : memref<32768xf32, #tpu.memory_space<vmem>>) target(%dma_start3A_158 : memref<32768xf32, #tpu.memory_space<hbm>>) target_semaphore(%arg9 : memref<!tpu.dma_semaphore, #tpu.memory_space<semaphore_mem>>)
    %dma_wait3A_159 = tpu.memref_slice %arg4[%mul3A_124] : memref<37748736xf32, #tpu.memory_space<hbm>> -> memref<32768xf32, #tpu.memory_space<hbm>>
    %dma_wait3A_160 = tpu.memref_slice %arg4[%mul3A_124] : memref<37748736xf32, #tpu.memory_space<hbm>> -> memref<32768xf32, #tpu.memory_space<hbm>>
    tpu.wait_dma2 semaphore(%arg10 : memref<!tpu.dma_semaphore, #tpu.memory_space<semaphore_mem>>) src(%arg8 : memref<32768xf32, #tpu.memory_space<vmem>>) dst(%dma_wait3A_160 : memref<32768xf32, #tpu.memory_space<hbm>>)
    tpu.vector_store_idx %arg8[%add3A_107], %broadcast_in_dim3A_5 : memref<32768xf32, #tpu.memory_space<vmem>>[vector<16xi32>], vector<16xf32>,
    tpu.vector_store_idx %arg8[%add3A_118], %broadcast_in_dim3A_5 : memref<32768xf32, #tpu.memory_space<vmem>>[vector<16xi32>], vector<16xf32>,
    %add3A_161 = arith.constant 160 : i32
    %add3A_162 = vector.broadcast %add3A_161 : i32 to vector<16xi32>
    %add3A_163 = arith.addi %add3A_162, %iota3A : vector<16xi32>
    %gather3A_164 = tpu.vector_load_idx %arg6[%add3A_163] : memref<288xi32, #tpu.memory_space<vmem>>[vector<16xi32>], vector<16xi32>,
    %add3A_165 = arith.constant 0 : i32
    %add3A_166 = vector.broadcast %add3A_165 : i32 to vector<16xi32>
    %add3A_167 = arith.addi %add3A_166, %iota3A : vector<16xi32>
    %mul3A_168 = arith.constant 1024 : i32
    %mul3A_169 = vector.broadcast %mul3A_168 : i32 to vector<16xi32>
    %mul3A_170 = arith.muli %add3A_167, %mul3A_169 : vector<16xi32>
    %add3A_171 = arith.addi %mul3A_170, %gather3A_164 : vector<16xi32>
    tpu.vector_store_idx %arg8[%add3A_171], %broadcast_in_dim3A_3 : memref<32768xf32, #tpu.memory_space<vmem>>[vector<16xi32>], vector<16xf32>,
    %add3A_172 = arith.constant 176 : i32
    %add3A_173 = vector.broadcast %add3A_172 : i32 to vector<16xi32>
    %add3A_174 = arith.addi %add3A_173, %iota3A : vector<16xi32>
    %gather3A_175 = tpu.vector_load_idx %arg6[%add3A_174] : memref<288xi32, #tpu.memory_space<vmem>>[vector<16xi32>], vector<16xi32>,
    %add3A_176 = arith.constant 16 : i32
    %add3A_177 = vector.broadcast %add3A_176 : i32 to vector<16xi32>
    %add3A_178 = arith.addi %add3A_177, %iota3A : vector<16xi32>
    %mul3A_179 = arith.constant 1024 : i32
    %mul3A_180 = vector.broadcast %mul3A_179 : i32 to vector<16xi32>
    %mul3A_181 = arith.muli %add3A_178, %mul3A_180 : vector<16xi32>
    %add3A_182 = arith.addi %mul3A_181, %gather3A_175 : vector<16xi32>
    tpu.vector_store_idx %arg8[%add3A_182], %broadcast_in_dim3A_3 : memref<32768xf32, #tpu.memory_space<vmem>>[vector<16xi32>], vector<16xf32>,
    %add3A_183 = arith.constant 27648 : i32
    %add3A_184 = arith.addi %add3A_183, %mul3A_2 : i32
    %add3A_185 = arith.constant 160 : i32
    %add3A_186 = arith.addi %add3A_184, %add3A_185 : i32
    %mul3A_187 = arith.constant 1024 : i32
    %mul3A_188 = arith.muli %add3A_186, %mul3A_187 : i32
    %dma_start3A_189 = tpu.memref_slice %arg4[%mul3A_188] : memref<37748736xf32, #tpu.memory_space<hbm>> -> memref<32768xf32, #tpu.memory_space<hbm>>
    %dma_start3A_190 = tpu.memref_slice %arg4[%mul3A_188] : memref<37748736xf32, #tpu.memory_space<hbm>> -> memref<32768xf32, #tpu.memory_space<hbm>>
    tpu.enqueue_dma source(%arg8 : memref<32768xf32, #tpu.memory_space<vmem>>) target(%dma_start3A_190 : memref<32768xf32, #tpu.memory_space<hbm>>) target_semaphore(%arg10 : memref<!tpu.dma_semaphore, #tpu.memory_space<semaphore_mem>>)
    %dma_wait3A_191 = tpu.memref_slice %arg4[%mul3A_156] : memref<37748736xf32, #tpu.memory_space<hbm>> -> memref<32768xf32, #tpu.memory_space<hbm>>
    %dma_wait3A_192 = tpu.memref_slice %arg4[%mul3A_156] : memref<37748736xf32, #tpu.memory_space<hbm>> -> memref<32768xf32, #tpu.memory_space<hbm>>
    tpu.wait_dma2 semaphore(%arg9 : memref<!tpu.dma_semaphore, #tpu.memory_space<semaphore_mem>>) src(%arg7 : memref<32768xf32, #tpu.memory_space<vmem>>) dst(%dma_wait3A_192 : memref<32768xf32, #tpu.memory_space<hbm>>)
    tpu.vector_store_idx %arg7[%add3A_139], %broadcast_in_dim3A_5 : memref<32768xf32, #tpu.memory_space<vmem>>[vector<16xi32>], vector<16xf32>,
    tpu.vector_store_idx %arg7[%add3A_150], %broadcast_in_dim3A_5 : memref<32768xf32, #tpu.memory_space<vmem>>[vector<16xi32>], vector<16xf32>,
    %add3A_193 = arith.constant 192 : i32
    %add3A_194 = vector.broadcast %add3A_193 : i32 to vector<16xi32>
    %add3A_195 = arith.addi %add3A_194, %iota3A : vector<16xi32>
    %gather3A_196 = tpu.vector_load_idx %arg6[%add3A_195] : memref<288xi32, #tpu.memory_space<vmem>>[vector<16xi32>], vector<16xi32>,
    %add3A_197 = arith.constant 0 : i32
    %add3A_198 = vector.broadcast %add3A_197 : i32 to vector<16xi32>
    %add3A_199 = arith.addi %add3A_198, %iota3A : vector<16xi32>
    %mul3A_200 = arith.constant 1024 : i32
    %mul3A_201 = vector.broadcast %mul3A_200 : i32 to vector<16xi32>
    %mul3A_202 = arith.muli %add3A_199, %mul3A_201 : vector<16xi32>
    %add3A_203 = arith.addi %mul3A_202, %gather3A_196 : vector<16xi32>
    tpu.vector_store_idx %arg7[%add3A_203], %broadcast_in_dim3A_3 : memref<32768xf32, #tpu.memory_space<vmem>>[vector<16xi32>], vector<16xf32>,
    %add3A_204 = arith.constant 208 : i32
    %add3A_205 = vector.broadcast %add3A_204 : i32 to vector<16xi32>
    %add3A_206 = arith.addi %add3A_205, %iota3A : vector<16xi32>
    %gather3A_207 = tpu.vector_load_idx %arg6[%add3A_206] : memref<288xi32, #tpu.memory_space<vmem>>[vector<16xi32>], vector<16xi32>,
    %add3A_208 = arith.constant 16 : i32
    %add3A_209 = vector.broadcast %add3A_208 : i32 to vector<16xi32>
    %add3A_210 = arith.addi %add3A_209, %iota3A : vector<16xi32>
    %mul3A_211 = arith.constant 1024 : i32
    %mul3A_212 = vector.broadcast %mul3A_211 : i32 to vector<16xi32>
    %mul3A_213 = arith.muli %add3A_210, %mul3A_212 : vector<16xi32>
    %add3A_214 = arith.addi %mul3A_213, %gather3A_207 : vector<16xi32>
    tpu.vector_store_idx %arg7[%add3A_214], %broadcast_in_dim3A_3 : memref<32768xf32, #tpu.memory_space<vmem>>[vector<16xi32>], vector<16xf32>,
    %add3A_215 = arith.constant 27648 : i32
    %add3A_216 = arith.addi %add3A_215, %mul3A_2 : i32
    %add3A_217 = arith.constant 192 : i32
    %add3A_218 = arith.addi %add3A_216, %add3A_217 : i32
    %mul3A_219 = arith.constant 1024 : i32
    %mul3A_220 = arith.muli %add3A_218, %mul3A_219 : i32
    %dma_start3A_221 = tpu.memref_slice %arg4[%mul3A_220] : memref<37748736xf32, #tpu.memory_space<hbm>> -> memref<32768xf32, #tpu.memory_space<hbm>>
    %dma_start3A_222 = tpu.memref_slice %arg4[%mul3A_220] : memref<37748736xf32, #tpu.memory_space<hbm>> -> memref<32768xf32, #tpu.memory_space<hbm>>
    tpu.enqueue_dma source(%arg7 : memref<32768xf32, #tpu.memory_space<vmem>>) target(%dma_start3A_222 : memref<32768xf32, #tpu.memory_space<hbm>>) target_semaphore(%arg9 : memref<!tpu.dma_semaphore, #tpu.memory_space<semaphore_mem>>)
    %dma_wait3A_223 = tpu.memref_slice %arg4[%mul3A_188] : memref<37748736xf32, #tpu.memory_space<hbm>> -> memref<32768xf32, #tpu.memory_space<hbm>>
    %dma_wait3A_224 = tpu.memref_slice %arg4[%mul3A_188] : memref<37748736xf32, #tpu.memory_space<hbm>> -> memref<32768xf32, #tpu.memory_space<hbm>>
    tpu.wait_dma2 semaphore(%arg10 : memref<!tpu.dma_semaphore, #tpu.memory_space<semaphore_mem>>) src(%arg8 : memref<32768xf32, #tpu.memory_space<vmem>>) dst(%dma_wait3A_224 : memref<32768xf32, #tpu.memory_space<hbm>>)
    tpu.vector_store_idx %arg8[%add3A_171], %broadcast_in_dim3A_5 : memref<32768xf32, #tpu.memory_space<vmem>>[vector<16xi32>], vector<16xf32>,
    tpu.vector_store_idx %arg8[%add3A_182], %broadcast_in_dim3A_5 : memref<32768xf32, #tpu.memory_space<vmem>>[vector<16xi32>], vector<16xf32>,
    %add3A_225 = arith.constant 224 : i32
    %add3A_226 = vector.broadcast %add3A_225 : i32 to vector<16xi32>
    %add3A_227 = arith.addi %add3A_226, %iota3A : vector<16xi32>
    %gather3A_228 = tpu.vector_load_idx %arg6[%add3A_227] : memref<288xi32, #tpu.memory_space<vmem>>[vector<16xi32>], vector<16xi32>,
    %add3A_229 = arith.constant 0 : i32
    %add3A_230 = vector.broadcast %add3A_229 : i32 to vector<16xi32>
    %add3A_231 = arith.addi %add3A_230, %iota3A : vector<16xi32>
    %mul3A_232 = arith.constant 1024 : i32
    %mul3A_233 = vector.broadcast %mul3A_232 : i32 to vector<16xi32>
    %mul3A_234 = arith.muli %add3A_231, %mul3A_233 : vector<16xi32>
    %add3A_235 = arith.addi %mul3A_234, %gather3A_228 : vector<16xi32>
    tpu.vector_store_idx %arg8[%add3A_235], %broadcast_in_dim3A_3 : memref<32768xf32, #tpu.memory_space<vmem>>[vector<16xi32>], vector<16xf32>,
    %add3A_236 = arith.constant 240 : i32
    %add3A_237 = vector.broadcast %add3A_236 : i32 to vector<16xi32>
    %add3A_238 = arith.addi %add3A_237, %iota3A : vector<16xi32>
    %gather3A_239 = tpu.vector_load_idx %arg6[%add3A_238] : memref<288xi32, #tpu.memory_space<vmem>>[vector<16xi32>], vector<16xi32>,
    %add3A_240 = arith.constant 16 : i32
    %add3A_241 = vector.broadcast %add3A_240 : i32 to vector<16xi32>
    %add3A_242 = arith.addi %add3A_241, %iota3A : vector<16xi32>
    %mul3A_243 = arith.constant 1024 : i32
    %mul3A_244 = vector.broadcast %mul3A_243 : i32 to vector<16xi32>
    %mul3A_245 = arith.muli %add3A_242, %mul3A_244 : vector<16xi32>
    %add3A_246 = arith.addi %mul3A_245, %gather3A_239 : vector<16xi32>
    tpu.vector_store_idx %arg8[%add3A_246], %broadcast_in_dim3A_3 : memref<32768xf32, #tpu.memory_space<vmem>>[vector<16xi32>], vector<16xf32>,
    %add3A_247 = arith.constant 27648 : i32
    %add3A_248 = arith.addi %add3A_247, %mul3A_2 : i32
    %add3A_249 = arith.constant 224 : i32
    %add3A_250 = arith.addi %add3A_248, %add3A_249 : i32
    %mul3A_251 = arith.constant 1024 : i32
    %mul3A_252 = arith.muli %add3A_250, %mul3A_251 : i32
    %dma_start3A_253 = tpu.memref_slice %arg4[%mul3A_252] : memref<37748736xf32, #tpu.memory_space<hbm>> -> memref<32768xf32, #tpu.memory_space<hbm>>
    %dma_start3A_254 = tpu.memref_slice %arg4[%mul3A_252] : memref<37748736xf32, #tpu.memory_space<hbm>> -> memref<32768xf32, #tpu.memory_space<hbm>>
    tpu.enqueue_dma source(%arg8 : memref<32768xf32, #tpu.memory_space<vmem>>) target(%dma_start3A_254 : memref<32768xf32, #tpu.memory_space<hbm>>) target_semaphore(%arg10 : memref<!tpu.dma_semaphore, #tpu.memory_space<semaphore_mem>>)
    %dma_wait3A_255 = tpu.memref_slice %arg4[%mul3A_220] : memref<37748736xf32, #tpu.memory_space<hbm>> -> memref<32768xf32, #tpu.memory_space<hbm>>
    %dma_wait3A_256 = tpu.memref_slice %arg4[%mul3A_220] : memref<37748736xf32, #tpu.memory_space<hbm>> -> memref<32768xf32, #tpu.memory_space<hbm>>
    tpu.wait_dma2 semaphore(%arg9 : memref<!tpu.dma_semaphore, #tpu.memory_space<semaphore_mem>>) src(%arg7 : memref<32768xf32, #tpu.memory_space<vmem>>) dst(%dma_wait3A_256 : memref<32768xf32, #tpu.memory_space<hbm>>)
    tpu.vector_store_idx %arg7[%add3A_203], %broadcast_in_dim3A_5 : memref<32768xf32, #tpu.memory_space<vmem>>[vector<16xi32>], vector<16xf32>,
    tpu.vector_store_idx %arg7[%add3A_214], %broadcast_in_dim3A_5 : memref<32768xf32, #tpu.memory_space<vmem>>[vector<16xi32>], vector<16xf32>,
    %add3A_257 = arith.constant 256 : i32
    %add3A_258 = vector.broadcast %add3A_257 : i32 to vector<16xi32>
    %add3A_259 = arith.addi %add3A_258, %iota3A : vector<16xi32>
    %gather3A_260 = tpu.vector_load_idx %arg6[%add3A_259] : memref<288xi32, #tpu.memory_space<vmem>>[vector<16xi32>], vector<16xi32>,
    %add3A_261 = arith.constant 0 : i32
    %add3A_262 = vector.broadcast %add3A_261 : i32 to vector<16xi32>
    %add3A_263 = arith.addi %add3A_262, %iota3A : vector<16xi32>
    %mul3A_264 = arith.constant 1024 : i32
    %mul3A_265 = vector.broadcast %mul3A_264 : i32 to vector<16xi32>
    %mul3A_266 = arith.muli %add3A_263, %mul3A_265 : vector<16xi32>
    %add3A_267 = arith.addi %mul3A_266, %gather3A_260 : vector<16xi32>
    tpu.vector_store_idx %arg7[%add3A_267], %broadcast_in_dim3A_3 : memref<32768xf32, #tpu.memory_space<vmem>>[vector<16xi32>], vector<16xf32>,
    %add3A_268 = arith.constant 272 : i32
    %add3A_269 = vector.broadcast %add3A_268 : i32 to vector<16xi32>
    %add3A_270 = arith.addi %add3A_269, %iota3A : vector<16xi32>
    %gather3A_271 = tpu.vector_load_idx %arg6[%add3A_270] : memref<288xi32, #tpu.memory_space<vmem>>[vector<16xi32>], vector<16xi32>,
    %add3A_272 = arith.constant 16 : i32
    %add3A_273 = vector.broadcast %add3A_272 : i32 to vector<16xi32>
    %add3A_274 = arith.addi %add3A_273, %iota3A : vector<16xi32>
    %mul3A_275 = arith.constant 1024 : i32
    %mul3A_276 = vector.broadcast %mul3A_275 : i32 to vector<16xi32>
    %mul3A_277 = arith.muli %add3A_274, %mul3A_276 : vector<16xi32>
    %add3A_278 = arith.addi %mul3A_277, %gather3A_271 : vector<16xi32>
    tpu.vector_store_idx %arg7[%add3A_278], %broadcast_in_dim3A_3 : memref<32768xf32, #tpu.memory_space<vmem>>[vector<16xi32>], vector<16xf32>,
    %add3A_279 = arith.constant 27648 : i32
    %add3A_280 = arith.addi %add3A_279, %mul3A_2 : i32
    %add3A_281 = arith.constant 256 : i32
    %add3A_282 = arith.addi %add3A_280, %add3A_281 : i32
    %mul3A_283 = arith.constant 1024 : i32
    %mul3A_284 = arith.muli %add3A_282, %mul3A_283 : i32
    %dma_start3A_285 = tpu.memref_slice %arg4[%mul3A_284] : memref<37748736xf32, #tpu.memory_space<hbm>> -> memref<32768xf32, #tpu.memory_space<hbm>>
    %dma_start3A_286 = tpu.memref_slice %arg4[%mul3A_284] : memref<37748736xf32, #tpu.memory_space<hbm>> -> memref<32768xf32, #tpu.memory_space<hbm>>
    tpu.enqueue_dma source(%arg7 : memref<32768xf32, #tpu.memory_space<vmem>>) target(%dma_start3A_286 : memref<32768xf32, #tpu.memory_space<hbm>>) target_semaphore(%arg9 : memref<!tpu.dma_semaphore, #tpu.memory_space<semaphore_mem>>)
    %dma_wait3A_287 = tpu.memref_slice %arg4[%mul3A_284] : memref<37748736xf32, #tpu.memory_space<hbm>> -> memref<32768xf32, #tpu.memory_space<hbm>>
    %dma_wait3A_288 = tpu.memref_slice %arg4[%mul3A_284] : memref<37748736xf32, #tpu.memory_space<hbm>> -> memref<32768xf32, #tpu.memory_space<hbm>>
    tpu.wait_dma2 semaphore(%arg9 : memref<!tpu.dma_semaphore, #tpu.memory_space<semaphore_mem>>) src(%arg7 : memref<32768xf32, #tpu.memory_space<vmem>>) dst(%dma_wait3A_288 : memref<32768xf32, #tpu.memory_space<hbm>>)
    %dma_wait3A_289 = tpu.memref_slice %arg4[%mul3A_252] : memref<37748736xf32, #tpu.memory_space<hbm>> -> memref<32768xf32, #tpu.memory_space<hbm>>
    %dma_wait3A_290 = tpu.memref_slice %arg4[%mul3A_252] : memref<37748736xf32, #tpu.memory_space<hbm>> -> memref<32768xf32, #tpu.memory_space<hbm>>
    tpu.wait_dma2 semaphore(%arg10 : memref<!tpu.dma_semaphore, #tpu.memory_space<semaphore_mem>>) src(%arg8 : memref<32768xf32, #tpu.memory_space<vmem>>) dst(%dma_wait3A_290 : memref<32768xf32, #tpu.memory_space<hbm>>)
    return
  }
}

module attributes {stable_mosaic.version = 14 : i64} {
  func.func @_tc_slice_kernel(%arg0: i32, %arg1: memref<1024x256xf32, #tpu.memory_space<vmem>>, %arg2: memref<1024x256xf32, #tpu.memory_space<vmem>>, %arg3: memref<36864x256xf32, #tpu.memory_space<any>>, %arg4: memref<1024x256xf32, #tpu.memory_space<vmem>>, %arg5: memref<1024x1xi32, #tpu.memory_space<vmem>>) attributes {dimension_semantics = [#tpu.dimension_semantics<arbitrary>], iteration_bounds = array<i64: 9>, scalar_prefetch = 0 : i64, scratch_operands = 0 : i64, tpu.core_type = #tpu.core_type<tc>, window_params = [{transform_indices = @transform_0, window_bounds = array<i64: 1024, 256>}, {pipeline_mode = #tpu.pipeline_mode<synchronous>, transform_indices = @transform_1, window_bounds = array<i64: 1024, 256>}, {}, {transform_indices = @transform_3, window_bounds = array<i64: 1024, 256>}, {transform_indices = @transform_4, window_bounds = array<i64: 1024, 1>}]} {
    %get3A = arith.constant 0 : index
    %get3A_0 = arith.constant 0 : index
    %get3A_1 = vector.load %arg1[%get3A, %get3A_0] : memref<1024x256xf32, #tpu.memory_space<vmem>>, vector<1024x256xf32>
    %get3A_2 = arith.constant 0 : index
    %get3A_3 = arith.constant 0 : index
    %get3A_4 = vector.load %arg2[%get3A_2, %get3A_3] : memref<1024x256xf32, #tpu.memory_space<vmem>>, vector<1024x256xf32>
    %square3A = arith.mulf %get3A_1, %get3A_1 : vector<1024x256xf32>
    %reduce_sum3A = arith.constant dense<0.000000e+00> : vector<1024xf32>
    %reduce_sum3A_5 = vector.multi_reduction <add>, %square3A, %reduce_sum3A [1] : vector<1024x256xf32> to vector<1024xf32>
    %broadcast_in_dim3A = vector.shape_cast %reduce_sum3A_5 : vector<1024xf32> to vector<1024x1xf32>
    %square3A_6 = arith.mulf %get3A_4, %get3A_4 : vector<1024x256xf32>
    %reduce_sum3A_7 = arith.constant dense<0.000000e+00> : vector<1024xf32>
    %reduce_sum3A_8 = vector.multi_reduction <add>, %square3A_6, %reduce_sum3A_7 [1] : vector<1024x256xf32> to vector<1024xf32>
    %broadcast_in_dim3A_9 = vector.shape_cast %reduce_sum3A_8 : vector<1024xf32> to vector<1x1024xf32>
    %dot_general3A = arith.constant dense<0.000000e+00> : vector<1024x1024xf32>
    %dot_general3A_10 = tpu.matmul %get3A_1, %get3A_4, %dot_general3A {dimension_numbers = #tpu.dot_dimension_numbers<[1], [1], [0], [0], [0, 0, 1, 0], [], []>, transpose_lhs_hint = false} : vector<1024x256xf32>, vector<1024x256xf32>, vector<1024x1024xf32> -> vector<1024x1024xf32>
    %add3A = vector.broadcast %broadcast_in_dim3A : vector<1024x1xf32> to vector<1024x1024xf32>
    %add3A_11 = vector.broadcast %broadcast_in_dim3A_9 : vector<1x1024xf32> to vector<1024x1024xf32>
    %add3A_12 = arith.addf %add3A, %add3A_11 : vector<1024x1024xf32>
    %mul3A = arith.constant 2.000000e+00 : f32
    %mul3A_13 = vector.broadcast %mul3A : f32 to vector<1024x1024xf32>
    %mul3A_14 = arith.mulf %mul3A_13, %dot_general3A_10 : vector<1024x1024xf32>
    %sub3A = arith.subf %add3A_12, %mul3A_14 : vector<1024x1024xf32>
    %reduce_min3A = arith.constant dense<0x7F800000> : vector<1024xf32>
    %reduce_min3A_15 = vector.multi_reduction <minimumf>, %sub3A, %reduce_min3A [1] : vector<1024x1024xf32> to vector<1024xf32>
    %broadcast_in_dim3A_16 = vector.shape_cast %reduce_min3A_15 : vector<1024xf32> to vector<1024x1xf32>
    %iota3A = tpu.iota {dimensions = array<i32: 1>} : vector<1024x1024xi32>
    %eq3A = vector.broadcast %broadcast_in_dim3A_16 : vector<1024x1xf32> to vector<1024x1024xf32>
    %eq3A_17 = arith.cmpf oeq, %sub3A, %eq3A : vector<1024x1024xf32>
    %jit3A = arith.constant 1024 : i32
    %broadcast_in_dim3A_18 = vector.broadcast %jit3A : i32 to vector<1024x1024xi32>
    %select_n3A = arith.select %eq3A_17, %iota3A, %broadcast_in_dim3A_18 : vector<1024x1024xi1>, vector<1024x1024xi32>
    %reduce_min3A_19 = arith.constant dense<2147483647> : vector<1024xi32>
    %reduce_min3A_20 = vector.multi_reduction <minsi>, %select_n3A, %reduce_min3A_19 [1] : vector<1024x1024xi32> to vector<1024xi32>
    %broadcast_in_dim3A_21 = vector.shape_cast %reduce_min3A_20 : vector<1024xi32> to vector<1024x1xi32>
    %swap3A = arith.constant 0 : index
    %swap3A_22 = arith.constant 0 : index
    %swap3A_23 = vector.load %arg5[%swap3A, %swap3A_22] : memref<1024x1xi32, #tpu.memory_space<vmem>>, vector<1024x1xi32>
    tpu.vector_store %arg5[%swap3A, %swap3A_22], %broadcast_in_dim3A_21 {strides = array<i32>} : memref<1024x1xi32, #tpu.memory_space<vmem>>, vector<1024x1xi32>,
    %eq3A_24 = vector.broadcast %broadcast_in_dim3A_21 : vector<1024x1xi32> to vector<1024x1024xi32>
    %eq3A_25 = arith.cmpi eq, %iota3A, %eq3A_24 : vector<1024x1024xi32>
    %convert_element_type3A = arith.extui %eq3A_25 : vector<1024x1024xi1> to vector<1024x1024xi32>
    %convert_element_type3A_26 = arith.sitofp %convert_element_type3A : vector<1024x1024xi32> to vector<1024x1024xf32>
    %dot_general3A_27 = arith.constant dense<0.000000e+00> : vector<1024x256xf32>
    %dot_general3A_28 = tpu.matmul %convert_element_type3A_26, %get3A_4, %dot_general3A_27 {dimension_numbers = #tpu.dot_dimension_numbers<[1], [0], [0], [1], [0, 0, 1, 1], [], []>, transpose_lhs_hint = false} : vector<1024x1024xf32>, vector<1024x256xf32>, vector<1024x256xf32> -> vector<1024x256xf32>
    %swap3A_29 = arith.constant 0 : index
    %swap3A_30 = arith.constant 0 : index
    %swap3A_31 = vector.load %arg4[%swap3A_29, %swap3A_30] : memref<1024x256xf32, #tpu.memory_space<vmem>>, vector<1024x256xf32>
    tpu.vector_store %arg4[%swap3A_29, %swap3A_30], %dot_general3A_28 {strides = array<i32>} : memref<1024x256xf32, #tpu.memory_space<vmem>>, vector<1024x256xf32>,
    return
  }
  func.func @transform_0(%arg0: i32) -> (i32, i32) {
    %add3A = arith.constant 0 : i32
    %add3A_0 = arith.addi %add3A, %arg0 : i32
    %c0_i32 = arith.constant 0 : i32
    %c0_i32_1 = arith.constant 0 : i32
    return %add3A_0, %c0_i32 : i32, i32
  }
  func.func @transform_1(%arg0: i32) -> (i32, i32) {
    %c0_i32 = arith.constant 0 : i32
    %c0_i32_0 = arith.constant 0 : i32
    %c0_i32_1 = arith.constant 0 : i32
    return %c0_i32, %c0_i32_0 : i32, i32
  }
  func.func @transform_3(%arg0: i32) -> (i32, i32) {
    %add3A = arith.constant 0 : i32
    %add3A_0 = arith.addi %add3A, %arg0 : i32
    %c0_i32 = arith.constant 0 : i32
    %c0_i32_1 = arith.constant 0 : i32
    return %add3A_0, %c0_i32 : i32, i32
  }
  func.func @transform_4(%arg0: i32) -> (i32, i32) {
    %c0_i32 = arith.constant 0 : i32
    %c0_i32_0 = arith.constant 0 : i32
    return %arg0, %c0_i32 : i32, i32
  }
}

module attributes {stable_mosaic.version = 14 : i64} {
  func.func @_tc_slice_kernel(%arg0: i32, %arg1: memref<1024x256xf32, #tpu.memory_space<vmem>>, %arg2: memref<1024x256xf32, #tpu.memory_space<vmem>>, %arg3: memref<36864x256xf32, #tpu.memory_space<any>>, %arg4: memref<1024x256xf32, #tpu.memory_space<vmem>>, %arg5: memref<1024x1xi32, #tpu.memory_space<vmem>>) attributes {dimension_semantics = [#tpu.dimension_semantics<arbitrary>], iteration_bounds = array<i64: 9>, scalar_prefetch = 0 : i64, scratch_operands = 0 : i64, tpu.core_type = #tpu.core_type<tc>, window_params = [{transform_indices = @transform_0, window_bounds = array<i64: 1024, 256>}, {pipeline_mode = #tpu.pipeline_mode<synchronous>, transform_indices = @transform_1, window_bounds = array<i64: 1024, 256>}, {}, {transform_indices = @transform_3, window_bounds = array<i64: 1024, 256>}, {transform_indices = @transform_4, window_bounds = array<i64: 1024, 1>}]} {
    %get3A = arith.constant 0 : index
    %get3A_0 = arith.constant 0 : index
    %get3A_1 = vector.load %arg1[%get3A, %get3A_0] : memref<1024x256xf32, #tpu.memory_space<vmem>>, vector<1024x256xf32>
    %get3A_2 = arith.constant 0 : index
    %get3A_3 = arith.constant 0 : index
    %get3A_4 = vector.load %arg2[%get3A_2, %get3A_3] : memref<1024x256xf32, #tpu.memory_space<vmem>>, vector<1024x256xf32>
    %square3A = arith.mulf %get3A_1, %get3A_1 : vector<1024x256xf32>
    %reduce_sum3A = arith.constant dense<0.000000e+00> : vector<1024xf32>
    %reduce_sum3A_5 = vector.multi_reduction <add>, %square3A, %reduce_sum3A [1] : vector<1024x256xf32> to vector<1024xf32>
    %broadcast_in_dim3A = vector.shape_cast %reduce_sum3A_5 : vector<1024xf32> to vector<1024x1xf32>
    %square3A_6 = arith.mulf %get3A_4, %get3A_4 : vector<1024x256xf32>
    %reduce_sum3A_7 = arith.constant dense<0.000000e+00> : vector<1024xf32>
    %reduce_sum3A_8 = vector.multi_reduction <add>, %square3A_6, %reduce_sum3A_7 [1] : vector<1024x256xf32> to vector<1024xf32>
    %broadcast_in_dim3A_9 = vector.shape_cast %reduce_sum3A_8 : vector<1024xf32> to vector<1x1024xf32>
    %dot_general3A = arith.constant dense<0.000000e+00> : vector<1024x1024xf32>
    %dot_general3A_10 = tpu.matmul %get3A_1, %get3A_4, %dot_general3A {dimension_numbers = #tpu.dot_dimension_numbers<[1], [1], [0], [0], [0, 0, 1, 0], [], []>, transpose_lhs_hint = false} : vector<1024x256xf32>, vector<1024x256xf32>, vector<1024x1024xf32> -> vector<1024x1024xf32>
    %add3A = vector.broadcast %broadcast_in_dim3A : vector<1024x1xf32> to vector<1024x1024xf32>
    %add3A_11 = vector.broadcast %broadcast_in_dim3A_9 : vector<1x1024xf32> to vector<1024x1024xf32>
    %add3A_12 = arith.addf %add3A, %add3A_11 : vector<1024x1024xf32>
    %mul3A = arith.constant 2.000000e+00 : f32
    %mul3A_13 = vector.broadcast %mul3A : f32 to vector<1024x1024xf32>
    %mul3A_14 = arith.mulf %mul3A_13, %dot_general3A_10 : vector<1024x1024xf32>
    %sub3A = arith.subf %add3A_12, %mul3A_14 : vector<1024x1024xf32>
    %reduce_min3A = arith.constant dense<0x7F800000> : vector<1024xf32>
    %reduce_min3A_15 = vector.multi_reduction <minimumf>, %sub3A, %reduce_min3A [1] : vector<1024x1024xf32> to vector<1024xf32>
    %broadcast_in_dim3A_16 = vector.shape_cast %reduce_min3A_15 : vector<1024xf32> to vector<1024x1xf32>
    %iota3A = tpu.iota {dimensions = array<i32: 1>} : vector<1024x1024xi32>
    %eq3A = vector.broadcast %broadcast_in_dim3A_16 : vector<1024x1xf32> to vector<1024x1024xf32>
    %eq3A_17 = arith.cmpf oeq, %sub3A, %eq3A : vector<1024x1024xf32>
    %jit3A = arith.constant 1024 : i32
    %broadcast_in_dim3A_18 = vector.broadcast %jit3A : i32 to vector<1024x1024xi32>
    %select_n3A = arith.select %eq3A_17, %iota3A, %broadcast_in_dim3A_18 : vector<1024x1024xi1>, vector<1024x1024xi32>
    %reduce_min3A_19 = arith.constant dense<2147483647> : vector<1024xi32>
    %reduce_min3A_20 = vector.multi_reduction <minsi>, %select_n3A, %reduce_min3A_19 [1] : vector<1024x1024xi32> to vector<1024xi32>
    %broadcast_in_dim3A_21 = vector.shape_cast %reduce_min3A_20 : vector<1024xi32> to vector<1024x1xi32>
    %swap3A = arith.constant 0 : index
    %swap3A_22 = arith.constant 0 : index
    %swap3A_23 = vector.load %arg5[%swap3A, %swap3A_22] : memref<1024x1xi32, #tpu.memory_space<vmem>>, vector<1024x1xi32>
    tpu.vector_store %arg5[%swap3A, %swap3A_22], %broadcast_in_dim3A_21 {strides = array<i32>} : memref<1024x1xi32, #tpu.memory_space<vmem>>, vector<1024x1xi32>,
    %eq3A_24 = vector.broadcast %broadcast_in_dim3A_21 : vector<1024x1xi32> to vector<1024x1024xi32>
    %eq3A_25 = arith.cmpi eq, %iota3A, %eq3A_24 : vector<1024x1024xi32>
    %convert_element_type3A = arith.extui %eq3A_25 : vector<1024x1024xi1> to vector<1024x1024xi32>
    %convert_element_type3A_26 = arith.sitofp %convert_element_type3A : vector<1024x1024xi32> to vector<1024x1024xf32>
    %dot_general3A_27 = arith.constant dense<0.000000e+00> : vector<1024x256xf32>
    %dot_general3A_28 = tpu.matmul %convert_element_type3A_26, %get3A_4, %dot_general3A_27 {dimension_numbers = #tpu.dot_dimension_numbers<[1], [0], [0], [1], [0, 0, 1, 1], [], []>, transpose_lhs_hint = false} : vector<1024x1024xf32>, vector<1024x256xf32>, vector<1024x256xf32> -> vector<1024x256xf32>
    %swap3A_29 = arith.constant 0 : index
    %swap3A_30 = arith.constant 0 : index
    %swap3A_31 = vector.load %arg4[%swap3A_29, %swap3A_30] : memref<1024x256xf32, #tpu.memory_space<vmem>>, vector<1024x256xf32>
    tpu.vector_store %arg4[%swap3A_29, %swap3A_30], %dot_general3A_28 {strides = array<i32>} : memref<1024x256xf32, #tpu.memory_space<vmem>>, vector<1024x256xf32>,
    return
  }
  func.func @transform_0(%arg0: i32) -> (i32, i32) {
    %add3A = arith.constant 9 : i32
    %add3A_0 = arith.addi %add3A, %arg0 : i32
    %c0_i32 = arith.constant 0 : i32
    %c0_i32_1 = arith.constant 0 : i32
    return %add3A_0, %c0_i32 : i32, i32
  }
  func.func @transform_1(%arg0: i32) -> (i32, i32) {
    %c0_i32 = arith.constant 0 : i32
    %c0_i32_0 = arith.constant 0 : i32
    %c0_i32_1 = arith.constant 0 : i32
    return %c0_i32, %c0_i32_0 : i32, i32
  }
  func.func @transform_3(%arg0: i32) -> (i32, i32) {
    %add3A = arith.constant 9 : i32
    %add3A_0 = arith.addi %add3A, %arg0 : i32
    %c0_i32 = arith.constant 0 : i32
    %c0_i32_1 = arith.constant 0 : i32
    return %add3A_0, %c0_i32 : i32, i32
  }
  func.func @transform_4(%arg0: i32) -> (i32, i32) {
    %c0_i32 = arith.constant 0 : i32
    %c0_i32_0 = arith.constant 0 : i32
    return %arg0, %c0_i32 : i32, i32
  }
}

module attributes {stable_mosaic.version = 14 : i64} {
  func.func @_tc_slice_kernel(%arg0: i32, %arg1: memref<1024x256xf32, #tpu.memory_space<vmem>>, %arg2: memref<1024x256xf32, #tpu.memory_space<vmem>>, %arg3: memref<36864x256xf32, #tpu.memory_space<any>>, %arg4: memref<1024x256xf32, #tpu.memory_space<vmem>>, %arg5: memref<1024x1xi32, #tpu.memory_space<vmem>>) attributes {dimension_semantics = [#tpu.dimension_semantics<arbitrary>], iteration_bounds = array<i64: 9>, scalar_prefetch = 0 : i64, scratch_operands = 0 : i64, tpu.core_type = #tpu.core_type<tc>, window_params = [{transform_indices = @transform_0, window_bounds = array<i64: 1024, 256>}, {pipeline_mode = #tpu.pipeline_mode<synchronous>, transform_indices = @transform_1, window_bounds = array<i64: 1024, 256>}, {}, {transform_indices = @transform_3, window_bounds = array<i64: 1024, 256>}, {transform_indices = @transform_4, window_bounds = array<i64: 1024, 1>}]} {
    %get3A = arith.constant 0 : index
    %get3A_0 = arith.constant 0 : index
    %get3A_1 = vector.load %arg1[%get3A, %get3A_0] : memref<1024x256xf32, #tpu.memory_space<vmem>>, vector<1024x256xf32>
    %get3A_2 = arith.constant 0 : index
    %get3A_3 = arith.constant 0 : index
    %get3A_4 = vector.load %arg2[%get3A_2, %get3A_3] : memref<1024x256xf32, #tpu.memory_space<vmem>>, vector<1024x256xf32>
    %square3A = arith.mulf %get3A_1, %get3A_1 : vector<1024x256xf32>
    %reduce_sum3A = arith.constant dense<0.000000e+00> : vector<1024xf32>
    %reduce_sum3A_5 = vector.multi_reduction <add>, %square3A, %reduce_sum3A [1] : vector<1024x256xf32> to vector<1024xf32>
    %broadcast_in_dim3A = vector.shape_cast %reduce_sum3A_5 : vector<1024xf32> to vector<1024x1xf32>
    %square3A_6 = arith.mulf %get3A_4, %get3A_4 : vector<1024x256xf32>
    %reduce_sum3A_7 = arith.constant dense<0.000000e+00> : vector<1024xf32>
    %reduce_sum3A_8 = vector.multi_reduction <add>, %square3A_6, %reduce_sum3A_7 [1] : vector<1024x256xf32> to vector<1024xf32>
    %broadcast_in_dim3A_9 = vector.shape_cast %reduce_sum3A_8 : vector<1024xf32> to vector<1x1024xf32>
    %dot_general3A = arith.constant dense<0.000000e+00> : vector<1024x1024xf32>
    %dot_general3A_10 = tpu.matmul %get3A_1, %get3A_4, %dot_general3A {dimension_numbers = #tpu.dot_dimension_numbers<[1], [1], [0], [0], [0, 0, 1, 0], [], []>, transpose_lhs_hint = false} : vector<1024x256xf32>, vector<1024x256xf32>, vector<1024x1024xf32> -> vector<1024x1024xf32>
    %add3A = vector.broadcast %broadcast_in_dim3A : vector<1024x1xf32> to vector<1024x1024xf32>
    %add3A_11 = vector.broadcast %broadcast_in_dim3A_9 : vector<1x1024xf32> to vector<1024x1024xf32>
    %add3A_12 = arith.addf %add3A, %add3A_11 : vector<1024x1024xf32>
    %mul3A = arith.constant 2.000000e+00 : f32
    %mul3A_13 = vector.broadcast %mul3A : f32 to vector<1024x1024xf32>
    %mul3A_14 = arith.mulf %mul3A_13, %dot_general3A_10 : vector<1024x1024xf32>
    %sub3A = arith.subf %add3A_12, %mul3A_14 : vector<1024x1024xf32>
    %reduce_min3A = arith.constant dense<0x7F800000> : vector<1024xf32>
    %reduce_min3A_15 = vector.multi_reduction <minimumf>, %sub3A, %reduce_min3A [1] : vector<1024x1024xf32> to vector<1024xf32>
    %broadcast_in_dim3A_16 = vector.shape_cast %reduce_min3A_15 : vector<1024xf32> to vector<1024x1xf32>
    %iota3A = tpu.iota {dimensions = array<i32: 1>} : vector<1024x1024xi32>
    %eq3A = vector.broadcast %broadcast_in_dim3A_16 : vector<1024x1xf32> to vector<1024x1024xf32>
    %eq3A_17 = arith.cmpf oeq, %sub3A, %eq3A : vector<1024x1024xf32>
    %jit3A = arith.constant 1024 : i32
    %broadcast_in_dim3A_18 = vector.broadcast %jit3A : i32 to vector<1024x1024xi32>
    %select_n3A = arith.select %eq3A_17, %iota3A, %broadcast_in_dim3A_18 : vector<1024x1024xi1>, vector<1024x1024xi32>
    %reduce_min3A_19 = arith.constant dense<2147483647> : vector<1024xi32>
    %reduce_min3A_20 = vector.multi_reduction <minsi>, %select_n3A, %reduce_min3A_19 [1] : vector<1024x1024xi32> to vector<1024xi32>
    %broadcast_in_dim3A_21 = vector.shape_cast %reduce_min3A_20 : vector<1024xi32> to vector<1024x1xi32>
    %swap3A = arith.constant 0 : index
    %swap3A_22 = arith.constant 0 : index
    %swap3A_23 = vector.load %arg5[%swap3A, %swap3A_22] : memref<1024x1xi32, #tpu.memory_space<vmem>>, vector<1024x1xi32>
    tpu.vector_store %arg5[%swap3A, %swap3A_22], %broadcast_in_dim3A_21 {strides = array<i32>} : memref<1024x1xi32, #tpu.memory_space<vmem>>, vector<1024x1xi32>,
    %eq3A_24 = vector.broadcast %broadcast_in_dim3A_21 : vector<1024x1xi32> to vector<1024x1024xi32>
    %eq3A_25 = arith.cmpi eq, %iota3A, %eq3A_24 : vector<1024x1024xi32>
    %convert_element_type3A = arith.extui %eq3A_25 : vector<1024x1024xi1> to vector<1024x1024xi32>
    %convert_element_type3A_26 = arith.sitofp %convert_element_type3A : vector<1024x1024xi32> to vector<1024x1024xf32>
    %dot_general3A_27 = arith.constant dense<0.000000e+00> : vector<1024x256xf32>
    %dot_general3A_28 = tpu.matmul %convert_element_type3A_26, %get3A_4, %dot_general3A_27 {dimension_numbers = #tpu.dot_dimension_numbers<[1], [0], [0], [1], [0, 0, 1, 1], [], []>, transpose_lhs_hint = false} : vector<1024x1024xf32>, vector<1024x256xf32>, vector<1024x256xf32> -> vector<1024x256xf32>
    %swap3A_29 = arith.constant 0 : index
    %swap3A_30 = arith.constant 0 : index
    %swap3A_31 = vector.load %arg4[%swap3A_29, %swap3A_30] : memref<1024x256xf32, #tpu.memory_space<vmem>>, vector<1024x256xf32>
    tpu.vector_store %arg4[%swap3A_29, %swap3A_30], %dot_general3A_28 {strides = array<i32>} : memref<1024x256xf32, #tpu.memory_space<vmem>>, vector<1024x256xf32>,
    return
  }
  func.func @transform_0(%arg0: i32) -> (i32, i32) {
    %add3A = arith.constant 18 : i32
    %add3A_0 = arith.addi %add3A, %arg0 : i32
    %c0_i32 = arith.constant 0 : i32
    %c0_i32_1 = arith.constant 0 : i32
    return %add3A_0, %c0_i32 : i32, i32
  }
  func.func @transform_1(%arg0: i32) -> (i32, i32) {
    %c0_i32 = arith.constant 0 : i32
    %c0_i32_0 = arith.constant 0 : i32
    %c0_i32_1 = arith.constant 0 : i32
    return %c0_i32, %c0_i32_0 : i32, i32
  }
  func.func @transform_3(%arg0: i32) -> (i32, i32) {
    %add3A = arith.constant 18 : i32
    %add3A_0 = arith.addi %add3A, %arg0 : i32
    %c0_i32 = arith.constant 0 : i32
    %c0_i32_1 = arith.constant 0 : i32
    return %add3A_0, %c0_i32 : i32, i32
  }
  func.func @transform_4(%arg0: i32) -> (i32, i32) {
    %c0_i32 = arith.constant 0 : i32
    %c0_i32_0 = arith.constant 0 : i32
    return %arg0, %c0_i32 : i32, i32
  }
}

module attributes {stable_mosaic.version = 14 : i64} {
  func.func @_tc_slice_kernel(%arg0: i32, %arg1: memref<1024x256xf32, #tpu.memory_space<vmem>>, %arg2: memref<1024x256xf32, #tpu.memory_space<vmem>>, %arg3: memref<36864x256xf32, #tpu.memory_space<any>>, %arg4: memref<1024x256xf32, #tpu.memory_space<vmem>>, %arg5: memref<1024x1xi32, #tpu.memory_space<vmem>>) attributes {dimension_semantics = [#tpu.dimension_semantics<arbitrary>], iteration_bounds = array<i64: 9>, scalar_prefetch = 0 : i64, scratch_operands = 0 : i64, tpu.core_type = #tpu.core_type<tc>, window_params = [{transform_indices = @transform_0, window_bounds = array<i64: 1024, 256>}, {pipeline_mode = #tpu.pipeline_mode<synchronous>, transform_indices = @transform_1, window_bounds = array<i64: 1024, 256>}, {}, {transform_indices = @transform_3, window_bounds = array<i64: 1024, 256>}, {transform_indices = @transform_4, window_bounds = array<i64: 1024, 1>}]} {
    %get3A = arith.constant 0 : index
    %get3A_0 = arith.constant 0 : index
    %get3A_1 = vector.load %arg1[%get3A, %get3A_0] : memref<1024x256xf32, #tpu.memory_space<vmem>>, vector<1024x256xf32>
    %get3A_2 = arith.constant 0 : index
    %get3A_3 = arith.constant 0 : index
    %get3A_4 = vector.load %arg2[%get3A_2, %get3A_3] : memref<1024x256xf32, #tpu.memory_space<vmem>>, vector<1024x256xf32>
    %square3A = arith.mulf %get3A_1, %get3A_1 : vector<1024x256xf32>
    %reduce_sum3A = arith.constant dense<0.000000e+00> : vector<1024xf32>
    %reduce_sum3A_5 = vector.multi_reduction <add>, %square3A, %reduce_sum3A [1] : vector<1024x256xf32> to vector<1024xf32>
    %broadcast_in_dim3A = vector.shape_cast %reduce_sum3A_5 : vector<1024xf32> to vector<1024x1xf32>
    %square3A_6 = arith.mulf %get3A_4, %get3A_4 : vector<1024x256xf32>
    %reduce_sum3A_7 = arith.constant dense<0.000000e+00> : vector<1024xf32>
    %reduce_sum3A_8 = vector.multi_reduction <add>, %square3A_6, %reduce_sum3A_7 [1] : vector<1024x256xf32> to vector<1024xf32>
    %broadcast_in_dim3A_9 = vector.shape_cast %reduce_sum3A_8 : vector<1024xf32> to vector<1x1024xf32>
    %dot_general3A = arith.constant dense<0.000000e+00> : vector<1024x1024xf32>
    %dot_general3A_10 = tpu.matmul %get3A_1, %get3A_4, %dot_general3A {dimension_numbers = #tpu.dot_dimension_numbers<[1], [1], [0], [0], [0, 0, 1, 0], [], []>, transpose_lhs_hint = false} : vector<1024x256xf32>, vector<1024x256xf32>, vector<1024x1024xf32> -> vector<1024x1024xf32>
    %add3A = vector.broadcast %broadcast_in_dim3A : vector<1024x1xf32> to vector<1024x1024xf32>
    %add3A_11 = vector.broadcast %broadcast_in_dim3A_9 : vector<1x1024xf32> to vector<1024x1024xf32>
    %add3A_12 = arith.addf %add3A, %add3A_11 : vector<1024x1024xf32>
    %mul3A = arith.constant 2.000000e+00 : f32
    %mul3A_13 = vector.broadcast %mul3A : f32 to vector<1024x1024xf32>
    %mul3A_14 = arith.mulf %mul3A_13, %dot_general3A_10 : vector<1024x1024xf32>
    %sub3A = arith.subf %add3A_12, %mul3A_14 : vector<1024x1024xf32>
    %reduce_min3A = arith.constant dense<0x7F800000> : vector<1024xf32>
    %reduce_min3A_15 = vector.multi_reduction <minimumf>, %sub3A, %reduce_min3A [1] : vector<1024x1024xf32> to vector<1024xf32>
    %broadcast_in_dim3A_16 = vector.shape_cast %reduce_min3A_15 : vector<1024xf32> to vector<1024x1xf32>
    %iota3A = tpu.iota {dimensions = array<i32: 1>} : vector<1024x1024xi32>
    %eq3A = vector.broadcast %broadcast_in_dim3A_16 : vector<1024x1xf32> to vector<1024x1024xf32>
    %eq3A_17 = arith.cmpf oeq, %sub3A, %eq3A : vector<1024x1024xf32>
    %jit3A = arith.constant 1024 : i32
    %broadcast_in_dim3A_18 = vector.broadcast %jit3A : i32 to vector<1024x1024xi32>
    %select_n3A = arith.select %eq3A_17, %iota3A, %broadcast_in_dim3A_18 : vector<1024x1024xi1>, vector<1024x1024xi32>
    %reduce_min3A_19 = arith.constant dense<2147483647> : vector<1024xi32>
    %reduce_min3A_20 = vector.multi_reduction <minsi>, %select_n3A, %reduce_min3A_19 [1] : vector<1024x1024xi32> to vector<1024xi32>
    %broadcast_in_dim3A_21 = vector.shape_cast %reduce_min3A_20 : vector<1024xi32> to vector<1024x1xi32>
    %swap3A = arith.constant 0 : index
    %swap3A_22 = arith.constant 0 : index
    %swap3A_23 = vector.load %arg5[%swap3A, %swap3A_22] : memref<1024x1xi32, #tpu.memory_space<vmem>>, vector<1024x1xi32>
    tpu.vector_store %arg5[%swap3A, %swap3A_22], %broadcast_in_dim3A_21 {strides = array<i32>} : memref<1024x1xi32, #tpu.memory_space<vmem>>, vector<1024x1xi32>,
    %eq3A_24 = vector.broadcast %broadcast_in_dim3A_21 : vector<1024x1xi32> to vector<1024x1024xi32>
    %eq3A_25 = arith.cmpi eq, %iota3A, %eq3A_24 : vector<1024x1024xi32>
    %convert_element_type3A = arith.extui %eq3A_25 : vector<1024x1024xi1> to vector<1024x1024xi32>
    %convert_element_type3A_26 = arith.sitofp %convert_element_type3A : vector<1024x1024xi32> to vector<1024x1024xf32>
    %dot_general3A_27 = arith.constant dense<0.000000e+00> : vector<1024x256xf32>
    %dot_general3A_28 = tpu.matmul %convert_element_type3A_26, %get3A_4, %dot_general3A_27 {dimension_numbers = #tpu.dot_dimension_numbers<[1], [0], [0], [1], [0, 0, 1, 1], [], []>, transpose_lhs_hint = false} : vector<1024x1024xf32>, vector<1024x256xf32>, vector<1024x256xf32> -> vector<1024x256xf32>
    %swap3A_29 = arith.constant 0 : index
    %swap3A_30 = arith.constant 0 : index
    %swap3A_31 = vector.load %arg4[%swap3A_29, %swap3A_30] : memref<1024x256xf32, #tpu.memory_space<vmem>>, vector<1024x256xf32>
    tpu.vector_store %arg4[%swap3A_29, %swap3A_30], %dot_general3A_28 {strides = array<i32>} : memref<1024x256xf32, #tpu.memory_space<vmem>>, vector<1024x256xf32>,
    return
  }
  func.func @transform_0(%arg0: i32) -> (i32, i32) {
    %add3A = arith.constant 27 : i32
    %add3A_0 = arith.addi %add3A, %arg0 : i32
    %c0_i32 = arith.constant 0 : i32
    %c0_i32_1 = arith.constant 0 : i32
    return %add3A_0, %c0_i32 : i32, i32
  }
  func.func @transform_1(%arg0: i32) -> (i32, i32) {
    %c0_i32 = arith.constant 0 : i32
    %c0_i32_0 = arith.constant 0 : i32
    %c0_i32_1 = arith.constant 0 : i32
    return %c0_i32, %c0_i32_0 : i32, i32
  }
  func.func @transform_3(%arg0: i32) -> (i32, i32) {
    %add3A = arith.constant 27 : i32
    %add3A_0 = arith.addi %add3A, %arg0 : i32
    %c0_i32 = arith.constant 0 : i32
    %c0_i32_1 = arith.constant 0 : i32
    return %add3A_0, %c0_i32 : i32, i32
  }
  func.func @transform_4(%arg0: i32) -> (i32, i32) {
    %c0_i32 = arith.constant 0 : i32
    %c0_i32_0 = arith.constant 0 : i32
    return %arg0, %c0_i32 : i32, i32
  }
}

</mosaic_0001>

<sc_bundles>
// kernel: kernel.10.cloned.1.call-start
scs
__scs_entry_jumppad:
0x0: {  	(pc) =	sbr.rel $0x88, $3  }
0x1: {  	(tag) =	ssettag $0x0;
	lr =	simm.s32 $0x1  }
0x2: {  	[smem:$0x3F9F] =	sst lr;
	_ =	strace $0xD0000000  }
0x3: {  	_ = 	snop  }
0x4: {  	_ = 	snop  }
0x5: {  	_ = 	snop  }
0x6: {  	_ = 	snop  }
0x7: {  	_ = 	snop  }
__scs_overlays_trampoline_lowered:
0x8: {  	[smem:$0x3FAE] =	sst s0  }
0x9: {  	[smem:$0x3FAF] =	sst s1  }
0xa: {  	[smem:$0x3FB0] =	sst s2  }
0xb: {  	[smem:$0x3FB1] =	sst s3  }
0xc: {  	[smem:$0x3FB2] =	sst s4  }
0xd: {  	[smem:$0x3FB3] =	sst s5  }
0xe: {  	[smem:$0x3FB4] =	sst s6  }
0xf: {  	[smem:$0x3FB5] =	sst s7  }
0x10: {  	[smem:$0x3FB6] =	sst s8  }
0x11: {  	[smem:$0x3FB7] =	sst s9;
	s0 =	simm.s32 @!p0 $0x0  }
0x12: {  	s1 =	sld [smem:$0x3F9D];
	s0 =	simm.s32 @p0 $0x1  }
0x13: {  	[smem:$0x3FB8] =	sst s0;
	s0 =	simm.s32 @!p1 $0x0  }
0x14: {  	s2 =	sld [smem:$0x3F9C];
	s0 =	simm.s32 @p1 $0x1  }
0x15: {  	[smem:$0x3FB9] =	sst s0;
	s0 =	simm.s32 @!p2 $0x0  }
0x16: {  	s3 =	sld [smem:$0x3FDB];
	s0 =	simm.s32 @p2 $0x1  }
0x17: {  	s4 =	simm.s32 $0x1BF5;
	[smem:$0x3FBB] =	sst s0  }
0x18: {  	s0 =	sld [smem:$0x3F9E];
	_ =	swait.ge [sflag:s4], $0x0  }
0x19: {  	s7 =	sld [smem:$0x3F9F]  }
0x1a: {  	s8 =	sadd.s32 $0xFFFFE003, lr  }
0x1b: {  	s9 =	sadd.s32 $0xFFFFFEF7, lr;
	s5 =	simm.s32 $0xFFFFFFFF;
	p2 =	slt.u32 s8, $0xFFFFF086  }
0x1c: {  	p1 =	slt.u32 s9, $0xF7A;
	s5 =	simm.s32 @!p2 $0x0  }
0x1d: {  	s5 =	simm.s32 @p1 $0x1;
	p0 =	seq.s32 s7, s2  }
0x1e: {  	s7 =	smul.u32 @!p0 $0xF7A, s2;
	p2 =	seq.s32 @!p0 s5, $0x0  }
0x1f: {  	s9 =	smul.u32 $0xF7A, s1;
	s8 =	simm.s32 @!p0 $0x1BF5;
	p2 =	por !p2, p0  }
0x20: {  	[sflag:s8] =	ssyncset.s32 @!p0 $0xFFFFF086;
	s6 =	sadd.s32 @!p0 s3, s7;
	s7 =	simm.s32 @!p0 $0x108  }
0x21: {  	s3 =	sadd.s32 s3, s9;
	s6 =	sadd.s32 @!p0 $0x88, s6;
	s7 =	simm.s32 @p2 $0x1082  }
0x22: {  	[simem:s7], [sflag:s8] =	dma.local @!p0 [hbm:s6], $0xF7A  }
0x23: {  	s9 =	sor.u32 $0xD0000000, s2;
	s6 =	simm.s32 $0x108;
	_ =	swait.ge @!p0 [sflag:s8], $0x0  }
0x24: {  	s3 =	sadd.s32 $0x88, s3;
	s6 =	simm.s32 @!p1 $0x1082;
	[sflag:s4] =	ssyncset.s32 $0xFFFFF086  }
0x25: {  	[simem:s6], [sflag:s4] =	dma.local [hbm:s3], $0xF7A  }
0x26: {  	[smem:$0x3F9F] =	sst s1;
	(tag) =	ssettag s2;
	_ =	strace s9  }
0x27: {  	s1 =	sld [smem:$0x3FAF]  }
0x28: {  	s2 =	sld [smem:$0x3FB0]  }
0x29: {  	s4 =	sld [smem:$0x3FB2]  }
0x2a: {  	p0 =	seq.s32 s5, $0x0;
	s5 =	sld [smem:$0x3FB3]  }
0x2b: {  	s6 =	sld [smem:$0x3FB4]  }
0x2c: {  	s7 =	sld [smem:$0x3FB5]  }
0x2d: {  	s3 =	simm.s32 $0x108;
	s8 =	sld [smem:$0x3FB6]  }
0x2e: {  	s3 =	simm.s32 @!p0 $0x1082;
	s9 =	sld [smem:$0x3FB7]  }
0x2f: {  	lr =	sadd.s32 s0, s3;
	s0 =	sld [smem:$0x3FAE]  }
0x30: {  	s3 =	sld [smem:$0x3FB1]  }
0x31: {  	[smem:$0x3FBA] =	sst s10  }
0x32: {  	s10 =	sld [smem:$0x3FB8];
	_ =	sdelay $0x3  }
0x33: {  	p0 =	seq.s32 s10, $0x1;
	s10 =	sld [smem:$0x3FBA];
	_ =	sdelay $0x3  }
0x34: {  	[smem:$0x3FBA] =	sst s10  }
0x35: {  	s10 =	sld [smem:$0x3FB9];
	_ =	sdelay $0x3  }
0x36: {  	p1 =	seq.s32 s10, $0x1;
	s10 =	sld [smem:$0x3FBA];
	_ =	sdelay $0x3  }
0x37: {  	[smem:$0x3FBA] =	sst s10  }
0x38: {  	s10 =	sld [smem:$0x3FBB]  }
0x39: {  	_ = 	snop;
	(pc) =	sbr.ind lr, $3  }
0x3a: {  	_ = 	snop  }
0x3b: {  	_ = 	snop  }
0x3c: {  	p2 =	seq.s32 s10, $0x1;
	s10 =	sld [smem:$0x3FBA]  }
0x3d: {  	_ =	shalt  }
0x3e: {  	_ =	shalt  }
0x3f: {  	_ =	shalt  }
0x40: {  	_ =	shalt  }
0x41: {  	_ =	shalt  }
0x42: {  	_ =	shalt  }
0x43: {  	_ =	shalt  }
0x44: {  	_ =	shalt  }
0x45: {  	_ =	shalt  }
0x46: {  	_ =	shalt  }
0x47: {  	_ =	shalt  }
0x48: {  	_ =	shalt  }
0x49: {  	_ =	shalt  }
0x4a: {  	_ =	shalt  }
0x4b: {  	_ =	shalt  }
0x4c: {  	_ =	shalt  }
0x4d: {  	_ =	shalt  }
0x4e: {  	_ =	shalt  }
0x4f: {  	_ =	shalt  }
0x50: {  	_ =	shalt  }
0x51: {  	_ =	shalt  }
0x52: {  	_ =	shalt  }
0x53: {  	_ =	shalt  }
0x54: {  	_ =	shalt  }
0x55: {  	_ =	shalt  }
0x56: {  	_ =	shalt  }
0x57: {  	_ =	shalt  }
0x58: {  	_ =	shalt  }
0x59: {  	_ =	shalt  }
0x5a: {  	_ =	shalt  }
0x5b: {  	_ =	shalt  }
0x5c: {  	_ =	shalt  }
0x5d: {  	_ =	shalt  }
0x5e: {  	_ =	shalt  }
0x5f: {  	_ =	shalt  }
0x60: {  	_ =	shalt  }
0x61: {  	_ =	shalt  }
0x62: {  	_ =	shalt  }
0x63: {  	_ =	shalt  }
0x64: {  	_ =	shalt  }
0x65: {  	_ =	shalt  }
0x66: {  	_ =	shalt  }
0x67: {  	_ =	shalt  }
0x68: {  	_ =	shalt  }
0x69: {  	_ =	shalt  }
0x6a: {  	_ =	shalt  }
0x6b: {  	_ =	shalt  }
0x6c: {  	_ =	shalt  }
0x6d: {  	_ =	shalt  }
0x6e: {  	_ =	shalt  }
0x6f: {  	_ =	shalt  }
0x70: {  	_ =	shalt  }
0x71: {  	_ =	shalt  }
0x72: {  	_ =	shalt  }
0x73: {  	_ =	shalt  }
0x74: {  	_ =	shalt  }
0x75: {  	_ =	shalt  }
0x76: {  	_ =	shalt  }
0x77: {  	_ =	shalt  }
0x78: {  	_ =	shalt  }
0x79: {  	_ =	shalt  }
0x7a: {  	_ =	shalt  }
0x7b: {  	_ =	shalt  }
0x7c: {  	_ =	shalt  }
0x7d: {  	_ =	shalt  }
0x7e: {  	_ =	shalt  }
0x7f: {  	_ =	shalt  }
0x80: {  	_ =	shalt  }
0x81: {  	_ =	shalt  }
0x82: {  	_ =	shalt  }
0x83: {  	_ =	shalt  }
0x84: {  	_ =	shalt  }
0x85: {  	_ =	shalt  }
0x86: {  	_ =	shalt  }
0x87: {  	_ =	shalt  }
.Lfunc_end0:
.L_simem_size_0:
called_computation_lowered:
.L_overlay_start_0:
0x88: {  	s2 =	sld [smem:$0x3FD9]  }
0x89: {  	s3 =	sld [smem:$0x3FFE];
	_ =	sdelay $0x1  }
0x8a: {  	s1 =	srdreg.scid  }
0x8b: {  	s0 =	sand.u32 $0x1, s1  }
0x8c: {  	s14 =	sshll.u32 s0, $0xA;
	s2 =	sadd.s32 s3, s2  }
0x8d: {  	s2 =	sadd.s32 s2, s14  }
0x8e: {  	[smem:$0x3FC6] =	sst s2  }
0x8f: {  	_ = 	snop  }
0x90: {  	s2 =	sld [smem:$0x3FD0];
	_ =	sdelay $0x2  }
0x91: {  	s15 =	simm.s32 $0xA;
	s4 =	simm.s32 $0x10  }
0x92: {  	[smem:s4], [sflag:s15] =	dma.local [hbm:s2], $0x1  }
0x93: {  	_ =	swait.eq [sflag:s15], $0x1  }
0x94: {  	[sflag:s15] =	ssyncset.done $0x0  }
0x95: {  	[sflag:s15] =	ssyncadd.s32 $0xFFFFFFFF  }
0x96: {  	s16 =	sld [smem:$0x11];
	(tm) =	ssettm $0x1  }
0x97: {  	s17 =	sld [smem:$0x3FFB];
	_ =	sdelay $0x3  }
0x98: {  	_ =	strace s17  }
0x99: {  	s3 =	sld [smem:$0x3FFC];
	_ =	sdelay $0x3  }
0x9a: {  	_ =	strace s3  }
0x9b: {  	s3 =	sld [smem:$0x3FFD];
	_ =	sdelay $0x3  }
0x9c: {  	_ =	strace s3  }
0x9d: {  	_ =	strace $0x8FFFFFFF  }
0x9e: {  	s18 =	sld [smem:$0x3FDB];
	_ =	sdelay $0x1  }
0x9f: {  	s19 =	simm.s32 $_scs_section_size  }
0xa0: {  	s5 =	simm.s32 $_size__tile_overlayer_lowered;
	s6 =	simm.s32 $_tile_overlayer_lowered  }
0xa1: {  	s22 =	simm.s32 $0x1BFF;
	s21 =	sshll.u32 s6, $0x1;
	s3 =	sadd.s32 s19, s18  }
0xa2: {  	s7 =	simm.s32 $0x0;
	s20 =	sshll.u32 s5, $0x1;
	s5 =	sadd.s32 s21, s3  }
0xa3: {  	[timem:s7], [sflag:s22] =	dma.local [hbm:s5], s20  }
0xa4: {  	_ =	swait.ge [sflag:s22], s20  }
0xa5: {  	s4 =	ssub.s32 $0x0, s20;
	[sflag:s22] =	ssyncset.done $0x0  }
0xa6: {  	[sflag:s22] =	ssyncadd.s32 s4;
	_ =	sdelay $0x1  }
0xa7: {  	s23 =	simm.s32 $0x1B8B  }
0xa8: {  	_ =	swait.ge [sflag:s23], $0x1  }
0xa9: {  	[sflag:s23] =	ssyncset.done $0x0  }
0xaa: {  	s25 =	simm.s32 $0x1B8E;
	s24 =	sld [smem:$0x3FFE];
	[sflag:s23] =	ssyncadd.s32 $0xFFFFFFFF  }
0xab: {  	s26 =	simm.s32 $execute0_lowered;
	[smem:$0x3FD2] =	sst s25  }
0xac: {  	s5 =	sshll.u32 s26, $0x1;
	_ =	strace $0x80000046;
	[dreg:$0x1] =	wrdreg $0xFFFFFFFF  }
0xad: {  	s28 =	simm.s32 $_size_execute0_lowered;
	s3 =	sadd.s32 s3, s5;
	[dreg:$0x0] =	wrdreg $0x0  }
0xae: {  	s5 =	sshll.u32 s28, $0x1;
	[dreg:$0x2] =	wrdreg s3  }
0xaf: {  	[dreg:$0x3] =	wrdreg s5  }
0xb0: {  	[dreg:$0x4] =	wrdreg $0xC0  }
0xb1: {  	_ =	task [dreg:s7], $0x5FFFF  }
0xb2: {  	[dreg:$0x1] =	wrdreg $0xFFFFFFFF  }
0xb3: {  	[dreg:$0x0] =	wrdreg $0x60  }
0xb4: {  	[dreg:$0x2] =	wrdreg s24  }
0xb5: {  	[dreg:$0x3] =	wrdreg s16  }
0xb6: {  	[dreg:$0x4] =	wrdreg $0x9  }
0xb7: {  	_ =	task.clear_ibuf [dreg:s7], $0x5FFFF;
	_ =	strace $0x90000046  }
0xb8: {  	s29 =	simm.s32 $0x9;
	_ =	strace $0x80000048  }
0xb9: {  	_ =	swait.ge [sflag:s29], $0x1  }
0xba: {  	[sflag:s29] =	ssyncadd.s32 $0xFFFFFFFF  }
0xbb: {  	_ =	strace $0x90000048  }
0xbc: {  	_ =	sfence  }
0xbd: {  	s30 =	sld [smem:$0x0];
	_ =	sdelay $0x2  }
0xbe: {  	s31 =	sshll.u32 s1, $0xD;
	s1 =	sshrl.u32 s1, $0x2  }
0xbf: {  	s3 =	sand.u32 $0x4000, s31;
	s1 =	sadd.s32 s1, s30  }
0xc0: {  	s0 =	sor.u32 s3, s0;
	s1 =	sshll.u32 s1, $0x11  }
0xc1: {  	s0 =	sor.u32 s1, s0  }
0xc2: {  	s0 =	sadd.s32 $0x8F2B, s0  }
0xc3: {  	[sflag:s0] =	ssyncadd.remote.s32 $0x1  }
0xc4: {  	_ =	sfence.sel $0xFFFF  }
0xc5: {  	[dreg:$0x0] =	wrdreg $0xFFFFFFFF;
	(pc) =	sbr.abs _section_cstart, $3  }
0xc6: {  	[dreg:$0x1] =	wrdreg $0xFFFFFFFF  }
0xc7: {  	_ =	task.clear_ibuf [dreg:s7], $0x2FFFF;
	_ =	strace $0x9FFFFFFF  }
0xc8: {  	(tm) =	ssettm $0x7FFFFFFF  }
0xc9: {  	_ =	shalt  }
tec
execute0_lowered:
.L_overlay_start_1:
0x0: {  	(tag) =	ssettag $0x1  }
0x1: {  	s4 =	rddreg [dreg:$0x0];
	s1 =	srdreg.scid  }
0x2: {  	s0 =	stileid.u32;
	s2 =	rddreg [dreg:$0x1]  }
0x3: {  	s3 =	simm.s32 $0x0;
	s15 =	simm.s32 $0x3;
	s16 =	simm.s32 $0x180  }
0x4: {  	s17 =	simm.s32 $0x8180;
	s5 =	sand.u32 $0x1, s1;
	s6 =	sshll.u32 s0, $0x1  }
0x5: {  	s18 =	simm.s32 $0x1;
	s1 =	rddreg [dreg:$0x2];
	s6 =	sor.u32 s5, s6  }
0x6: {  	v0 =	vlaneseq.u32;
	s19 =	simm.s32 $0x2;
	[smem:$0x7FF] =	sst s3;
	s7 =	smul.u32 $0x24, s6  }
0x7: {  	v2 =	vimm.f32 $1.000000000e+00;
	v7 =	vimm.f32 $0.0e+00;
	s9 =	sadd.s32 $0x1000, s4;
	v1 =	vmul.u32 $0x400, v0;
	s31 =	ssub.s32 $0x2, s5;
	s8 =	smul.u32 $0x48000, s6  }
0x8: {  	v3 =	vor.u32 $0x10, v0;
	v5 =	vor.u32 $0x20, v0;
	v6 =	vor.u32 $0x30, v0;
	_ =	strace $0x80000047;
	s5 =	sshrl.u32 s31, $0x1;
	s6 =	smul.u32 $0x9000, s6  }
0x9: {  	v8 =	vor.u32 $0x40, v0;
	v9 =	vor.u32 $0x50, v0;
	v10 =	vor.u32 $0x60, v0;
	s14 =	ssub.s32 s31, s5;
	s7 =	sadd.s32 s7, s4;
	s8 =	sshrl.u32 s8, $0x3  }
0xa: {  	v11 =	vor.u32 $0x70, v0;
	v12 =	vor.u32 $0x80, v0;
	v13 =	vor.u32 $0x90, v0;
	s5 =	sadd.s32 s9, s6;
	s14 =	smax.u32 s14, $0x1;
	s13 =	sadd.s32 s9, s8  }
0xb: {  	v14 =	vor.u32 $0xA0, v0;
	v15 =	vor.u32 $0xB0, v0;
	v16 =	vor.u32 $0xC0, v0;
	s4 =	sadd.s32 $0xA00, s7;
	s6 =	sadd.s32 $0x1000, s13;
	s7 =	sadd.s32 $0x2000, s13  }
0xc: {  	v17 =	vor.u32 $0xD0, v0;
	v18 =	vor.u32 $0xE0, v0;
	v19 =	vor.u32 $0xF0, v0;
	s8 =	sadd.s32 $0x3000, s13;
	s9 =	sadd.s32 $0x4000, s13;
	s10 =	sadd.s32 $0x5000, s13  }
0xd: {  	v20 =	vor.u32 $0x100, v0;
	v21 =	vor.u32 $0x110, v0;
	v4 =	vor.u32 $0x4000, v1;
	s11 =	sadd.s32 $0x6000, s13;
	s12 =	sadd.s32 $0x7000, s13;
	s13 =	sadd.s32 $0x8000, s13  }
.LBB2_1:
0xe: {  	[tilespmem:s3], [sflag:$0x3] =	stream.linear.gather [hbm4b:s4+s3], $0x120, $0x38;
	[tilespmem:$0x10180] =	vst v63  }
0xf: {  	_ =	swait.ge [sflag:s15], $0x120  }
0x10: {  	[sflag:s15] =	ssyncset.done $0x0  }
0x11: {  	[sflag:s15] =	ssyncadd.s32 $0xFFFFFEE0  }
0x12: {  	[tilespmem:s16], [sflag:$0x3] =	stream.linear.gather [hbm4b:s2+s3], $0x8000, $0x38;
	[tilespmem:$0x10180] =	vst v63  }
0x13: {  	_ =	swait.ge [sflag:s15], $0x8000  }
0x14: {  	[sflag:s15] =	ssyncset.done $0x0  }
0x15: {  	[sflag:s15] =	ssyncadd.s32 $0xFFFF8000  }
0x16: {  	[tilespmem:s17], [sflag:$0x3] =	stream.linear.gather [hbm4b:s2+s3], $0x8000, $0x38;
	[tilespmem:$0x10180] =	vst v63  }
0x17: {  	_ =	swait.ge [sflag:s15], $0x8000  }
0x18: {  	[sflag:s15] =	ssyncset.done $0x0  }
0x19: {  	[sflag:s15] =	ssyncadd.s32 $0xFFFF8000  }
0x1a: {  	v22 =	vld.idx.msk [tilespmem:v0+s3+$0x0], $0xffff;
	_ =	sdelay $0x4  }
0x1b: {  	v22 =	vadd.s32 v1, v22;
	_ =	sdelay $0x4  }
0x1c: {  	[tilespmem:v22+s16+$0x0] =	vst.idx.msk $0xffff, v2  }
0x1d: {  	v23 =	vld.idx.msk [tilespmem:v3+s3+$0x0], $0xffff;
	_ =	sdelay $0x4  }
0x1e: {  	v23 =	vadd.s32 v4, v23;
	_ =	sdelay $0x4  }
0x1f: {  	[tilespmem:v23+s16+$0x0] =	vst.idx.msk $0xffff, v2  }
0x20: {  	[hbm4b:s5+s3] =	stream.linear.scatter [tilespmem:s16], [sflag:$0x1], $0x8000, $0x38;
	[tilespmem:$0x10180] =	vst v63  }
0x21: {  	v24 =	vld.idx.msk [tilespmem:v5+s3+$0x0], $0xffff;
	_ =	sdelay $0x4  }
0x22: {  	v24 =	vadd.s32 v1, v24;
	_ =	sdelay $0x4  }
0x23: {  	[tilespmem:v24+s17+$0x0] =	vst.idx.msk $0xffff, v2  }
0x24: {  	v25 =	vld.idx.msk [tilespmem:v6+s3+$0x0], $0xffff;
	_ =	sdelay $0x4  }
0x25: {  	v25 =	vadd.s32 v4, v25;
	_ =	sdelay $0x4  }
0x26: {  	[tilespmem:v25+s17+$0x0] =	vst.idx.msk $0xffff, v2  }
0x27: {  	[hbm4b:s6+s3] =	stream.linear.scatter [tilespmem:s17], [sflag:$0x2], $0x8000, $0x38;
	[tilespmem:$0x10180] =	vst v63  }
0x28: {  	_ =	swait.ge [sflag:s18], $0x8000  }
0x29: {  	[sflag:s18] =	ssyncset.done $0x0  }
0x2a: {  	[sflag:s18] =	ssyncadd.s32 $0xFFFF8000  }
0x2b: {  	[tilespmem:v22+s16+$0x0] =	vst.idx.msk $0xffff, v7  }
0x2c: {  	[tilespmem:v23+s16+$0x0] =	vst.idx.msk $0xffff, v7  }
0x2d: {  	v22 =	vld.idx.msk [tilespmem:v8+s3+$0x0], $0xffff;
	_ =	sdelay $0x4  }
0x2e: {  	v22 =	vadd.s32 v1, v22;
	_ =	sdelay $0x4  }
0x2f: {  	[tilespmem:v22+s16+$0x0] =	vst.idx.msk $0xffff, v2  }
0x30: {  	v23 =	vld.idx.msk [tilespmem:v9+s3+$0x0], $0xffff;
	_ =	sdelay $0x4  }
0x31: {  	v23 =	vadd.s32 v4, v23;
	_ =	sdelay $0x4  }
0x32: {  	[tilespmem:v23+s16+$0x0] =	vst.idx.msk $0xffff, v2  }
0x33: {  	[hbm4b:s7+s3] =	stream.linear.scatter [tilespmem:s16], [sflag:$0x1], $0x8000, $0x38;
	[tilespmem:$0x10180] =	vst v63  }
0x34: {  	_ =	swait.ge [sflag:s19], $0x8000  }
0x35: {  	[sflag:s19] =	ssyncset.done $0x0  }
0x36: {  	[sflag:s19] =	ssyncadd.s32 $0xFFFF8000  }
0x37: {  	[tilespmem:v24+s17+$0x0] =	vst.idx.msk $0xffff, v7  }
0x38: {  	[tilespmem:v25+s17+$0x0] =	vst.idx.msk $0xffff, v7  }
0x39: {  	v24 =	vld.idx.msk [tilespmem:v10+s3+$0x0], $0xffff;
	_ =	sdelay $0x4  }
0x3a: {  	v24 =	vadd.s32 v1, v24;
	_ =	sdelay $0x4  }
0x3b: {  	[tilespmem:v24+s17+$0x0] =	vst.idx.msk $0xffff, v2  }
0x3c: {  	v25 =	vld.idx.msk [tilespmem:v11+s3+$0x0], $0xffff;
	_ =	sdelay $0x4  }
0x3d: {  	v25 =	vadd.s32 v4, v25;
	_ =	sdelay $0x4  }
0x3e: {  	[tilespmem:v25+s17+$0x0] =	vst.idx.msk $0xffff, v2  }
0x3f: {  	[hbm4b:s8+s3] =	stream.linear.scatter [tilespmem:s17], [sflag:$0x2], $0x8000, $0x38;
	[tilespmem:$0x10180] =	vst v63  }
0x40: {  	_ =	swait.ge [sflag:s18], $0x8000  }
0x41: {  	[sflag:s18] =	ssyncset.done $0x0  }
0x42: {  	[sflag:s18] =	ssyncadd.s32 $0xFFFF8000  }
0x43: {  	[tilespmem:v22+s16+$0x0] =	vst.idx.msk $0xffff, v7  }
0x44: {  	[tilespmem:v23+s16+$0x0] =	vst.idx.msk $0xffff, v7  }
0x45: {  	v22 =	vld.idx.msk [tilespmem:v12+s3+$0x0], $0xffff;
	_ =	sdelay $0x4  }
0x46: {  	v22 =	vadd.s32 v1, v22;
	_ =	sdelay $0x4  }
0x47: {  	[tilespmem:v22+s16+$0x0] =	vst.idx.msk $0xffff, v2  }
0x48: {  	v23 =	vld.idx.msk [tilespmem:v13+s3+$0x0], $0xffff;
	_ =	sdelay $0x4  }
0x49: {  	v23 =	vadd.s32 v4, v23;
	_ =	sdelay $0x4  }
0x4a: {  	[tilespmem:v23+s16+$0x0] =	vst.idx.msk $0xffff, v2  }
0x4b: {  	[hbm4b:s9+s3] =	stream.linear.scatter [tilespmem:s16], [sflag:$0x1], $0x8000, $0x38;
	[tilespmem:$0x10180] =	vst v63  }
0x4c: {  	_ =	swait.ge [sflag:s19], $0x8000  }
0x4d: {  	[sflag:s19] =	ssyncset.done $0x0  }
0x4e: {  	[sflag:s19] =	ssyncadd.s32 $0xFFFF8000  }
0x4f: {  	[tilespmem:v24+s17+$0x0] =	vst.idx.msk $0xffff, v7  }
0x50: {  	[tilespmem:v25+s17+$0x0] =	vst.idx.msk $0xffff, v7  }
0x51: {  	v24 =	vld.idx.msk [tilespmem:v14+s3+$0x0], $0xffff;
	_ =	sdelay $0x4  }
0x52: {  	v24 =	vadd.s32 v1, v24;
	_ =	sdelay $0x4  }
0x53: {  	[tilespmem:v24+s17+$0x0] =	vst.idx.msk $0xffff, v2  }
0x54: {  	v25 =	vld.idx.msk [tilespmem:v15+s3+$0x0], $0xffff;
	_ =	sdelay $0x4  }
0x55: {  	v25 =	vadd.s32 v4, v25;
	_ =	sdelay $0x4  }
0x56: {  	[tilespmem:v25+s17+$0x0] =	vst.idx.msk $0xffff, v2  }
0x57: {  	[hbm4b:s10+s3] =	stream.linear.scatter [tilespmem:s17], [sflag:$0x2], $0x8000, $0x38;
	[tilespmem:$0x10180] =	vst v63  }
0x58: {  	_ =	swait.ge [sflag:s18], $0x8000  }
0x59: {  	[sflag:s18] =	ssyncset.done $0x0  }
0x5a: {  	[sflag:s18] =	ssyncadd.s32 $0xFFFF8000  }
0x5b: {  	[tilespmem:v22+s16+$0x0] =	vst.idx.msk $0xffff, v7  }
0x5c: {  	[tilespmem:v23+s16+$0x0] =	vst.idx.msk $0xffff, v7  }
0x5d: {  	v22 =	vld.idx.msk [tilespmem:v16+s3+$0x0], $0xffff;
	_ =	sdelay $0x4  }
0x5e: {  	v22 =	vadd.s32 v1, v22;
	_ =	sdelay $0x4  }
0x5f: {  	[tilespmem:v22+s16+$0x0] =	vst.idx.msk $0xffff, v2  }
0x60: {  	v23 =	vld.idx.msk [tilespmem:v17+s3+$0x0], $0xffff;
	_ =	sdelay $0x4  }
0x61: {  	v23 =	vadd.s32 v4, v23;
	_ =	sdelay $0x4  }
0x62: {  	[tilespmem:v23+s16+$0x0] =	vst.idx.msk $0xffff, v2  }
0x63: {  	[hbm4b:s11+s3] =	stream.linear.scatter [tilespmem:s16], [sflag:$0x1], $0x8000, $0x38;
	[tilespmem:$0x10180] =	vst v63  }
0x64: {  	_ =	swait.ge [sflag:s19], $0x8000  }
0x65: {  	[sflag:s19] =	ssyncset.done $0x0  }
0x66: {  	[sflag:s19] =	ssyncadd.s32 $0xFFFF8000  }
0x67: {  	[tilespmem:v24+s17+$0x0] =	vst.idx.msk $0xffff, v7  }
0x68: {  	[tilespmem:v25+s17+$0x0] =	vst.idx.msk $0xffff, v7  }
0x69: {  	v24 =	vld.idx.msk [tilespmem:v18+s3+$0x0], $0xffff;
	_ =	sdelay $0x4  }
0x6a: {  	v24 =	vadd.s32 v1, v24;
	_ =	sdelay $0x4  }
0x6b: {  	[tilespmem:v24+s17+$0x0] =	vst.idx.msk $0xffff, v2  }
0x6c: {  	v24 =	vld.idx.msk [tilespmem:v19+s3+$0x0], $0xffff;
	_ =	sdelay $0x4  }
0x6d: {  	v24 =	vadd.s32 v4, v24;
	_ =	sdelay $0x4  }
0x6e: {  	[tilespmem:v24+s17+$0x0] =	vst.idx.msk $0xffff, v2  }
0x6f: {  	[hbm4b:s12+s3] =	stream.linear.scatter [tilespmem:s17], [sflag:$0x2], $0x8000, $0x38;
	[tilespmem:$0x10180] =	vst v63  }
0x70: {  	_ =	swait.ge [sflag:s18], $0x8000  }
0x71: {  	[sflag:s18] =	ssyncset.done $0x0  }
0x72: {  	[sflag:s18] =	ssyncadd.s32 $0xFFFF8000  }
0x73: {  	[tilespmem:v22+s16+$0x0] =	vst.idx.msk $0xffff, v7  }
0x74: {  	[tilespmem:v23+s16+$0x0] =	vst.idx.msk $0xffff, v7  }
0x75: {  	v22 =	vld.idx.msk [tilespmem:v20+s3+$0x0], $0xffff;
	_ =	sdelay $0x4  }
0x76: {  	v22 =	vadd.s32 v1, v22;
	_ =	sdelay $0x4  }
0x77: {  	[tilespmem:v22+s16+$0x0] =	vst.idx.msk $0xffff, v2  }
0x78: {  	v22 =	vld.idx.msk [tilespmem:v21+s3+$0x0], $0xffff;
	_ =	sdelay $0x4  }
0x79: {  	v22 =	vadd.s32 v4, v22;
	_ =	sdelay $0x4  }
0x7a: {  	[tilespmem:v22+s16+$0x0] =	vst.idx.msk $0xffff, v2  }
0x7b: {  	[hbm4b:s13+s3] =	stream.linear.scatter [tilespmem:s16], [sflag:$0x1], $0x8000, $0x38;
	[tilespmem:$0x10180] =	vst v63  }
0x7c: {  	p0 =	sne.s32 s14, $0x1;
	_ =	swait.ge [sflag:s18], $0x8000  }
.Ltmp0:
0x7d: {  	[sflag:s18] =	ssyncset.done $0x0;
	(pc) =	sbr.rel @p0 .LBB2_1-.Ltmp0, $4  }
0x7e: {  	[sflag:s18] =	ssyncadd.s32 $0xFFFF8000  }
0x7f: {  	_ =	swait.ge [sflag:s19], $0x8000  }
0x80: {  	[sflag:s19] =	ssyncset.done $0x0  }
0x81: {  	s14 =	sadd.s32 $0xFFFFFFFF, s14;
	[sflag:s19] =	ssyncadd.s32 $0xFFFF8000  }
0x82: {  	_ =	sfence.sel $0x180000  }
0x83: {  	[bflag:$0x0] =	sbarrier.arrive $0xFFFF  }
0x84: {  	p0 =	sne.s32 s0, $0x0;
	_ =	strace $0x90000047  }
0x85: {  	s0 =	sadd.s32 @!p0 $0x100000, s1;
	[bflag:$0x2] =	sbarrier.arrive $0xFFFF  }
0x86: {  	[sflag:s0] =	ssyncadd.tile.s32 @!p0 $0x1;
	_ =	shalt  }
.Lfunc_end2:
_tile_overlayer_lowered:
.L_overlay_start_2:
0x87: {  	(tag) =	ssettag $0x2  }
0x88: {  	s0 =	rddreg [dreg:$0x0];
	s2 =	stileid.u32  }
0x89: {  	s1 =	rddreg [dreg:$0x1];
	p0 =	sne.s32 s2, $0x0  }
0x8a: {  	s3 =	rddreg [dreg:$0x2];
	[bflag:$0x3] =	sbarrier.arrive $0xFFFF;
	s2 =	simm.s32 @!p0 $0x1C03  }
0x8b: {  	[timem:s3], [sflag:s2] =	dma.local @!p0 [hbm:s0], s1  }
0x8c: {  	s0 =	simm.s32 @!p0 $0x3  }
0x8d: {  	_ =	swait.ge @!p0 [sflag:s0], s1  }
0x8e: {  	s1 =	ssub.s32 @!p0 $0x0, s1;
	[sflag:s0] =	ssyncset.done @!p0 $0x0  }
0x8f: {  	[sflag:s0] =	ssyncadd.s32 @!p0 s1  }
0x90: {  	[bflag:$0x3] =	sbarrier.arrive $0xFFFF  }
0x91: {  	_ =	shalt  }

// kernel: kernel.13.cloned.1.call-start
scs
__scs_entry_jumppad:
0x0: {  	(pc) =	sbr.rel $0x88, $3  }
0x1: {  	(tag) =	ssettag $0x0;
	lr =	simm.s32 $0x1  }
0x2: {  	[smem:$0x3F9F] =	sst lr;
	_ =	strace $0xD0000000  }
0x3: {  	_ = 	snop  }
0x4: {  	_ = 	snop  }
0x5: {  	_ = 	snop  }
0x6: {  	_ = 	snop  }
0x7: {  	_ = 	snop  }
__scs_overlays_trampoline_lowered:
0x8: {  	[smem:$0x3FAE] =	sst s0  }
0x9: {  	[smem:$0x3FAF] =	sst s1  }
0xa: {  	[smem:$0x3FB0] =	sst s2  }
0xb: {  	[smem:$0x3FB1] =	sst s3  }
0xc: {  	[smem:$0x3FB2] =	sst s4  }
0xd: {  	[smem:$0x3FB3] =	sst s5  }
0xe: {  	[smem:$0x3FB4] =	sst s6  }
0xf: {  	[smem:$0x3FB5] =	sst s7  }
0x10: {  	[smem:$0x3FB6] =	sst s8  }
0x11: {  	[smem:$0x3FB7] =	sst s9;
	s0 =	simm.s32 @!p0 $0x0  }
0x12: {  	s1 =	sld [smem:$0x3F9D];
	s0 =	simm.s32 @p0 $0x1  }
0x13: {  	[smem:$0x3FB8] =	sst s0;
	s0 =	simm.s32 @!p1 $0x0  }
0x14: {  	s2 =	sld [smem:$0x3F9C];
	s0 =	simm.s32 @p1 $0x1  }
0x15: {  	[smem:$0x3FB9] =	sst s0;
	s0 =	simm.s32 @!p2 $0x0  }
0x16: {  	s3 =	sld [smem:$0x3FDB];
	s0 =	simm.s32 @p2 $0x1  }
0x17: {  	s4 =	simm.s32 $0x1BF5;
	[smem:$0x3FBB] =	sst s0  }
0x18: {  	s0 =	sld [smem:$0x3F9E];
	_ =	swait.ge [sflag:s4], $0x0  }
0x19: {  	s7 =	sld [smem:$0x3F9F]  }
0x1a: {  	s8 =	sadd.s32 $0xFFFFE003, lr  }
0x1b: {  	s9 =	sadd.s32 $0xFFFFFEF7, lr;
	s5 =	simm.s32 $0xFFFFFFFF;
	p2 =	slt.u32 s8, $0xFFFFF086  }
0x1c: {  	p1 =	slt.u32 s9, $0xF7A;
	s5 =	simm.s32 @!p2 $0x0  }
0x1d: {  	s5 =	simm.s32 @p1 $0x1;
	p0 =	seq.s32 s7, s2  }
0x1e: {  	s7 =	smul.u32 @!p0 $0xF7A, s2;
	p2 =	seq.s32 @!p0 s5, $0x0  }
0x1f: {  	s9 =	smul.u32 $0xF7A, s1;
	s8 =	simm.s32 @!p0 $0x1BF5;
	p2 =	por !p2, p0  }
0x20: {  	[sflag:s8] =	ssyncset.s32 @!p0 $0xFFFFF086;
	s6 =	sadd.s32 @!p0 s3, s7;
	s7 =	simm.s32 @!p0 $0x108  }
0x21: {  	s3 =	sadd.s32 s3, s9;
	s6 =	sadd.s32 @!p0 $0x88, s6;
	s7 =	simm.s32 @p2 $0x1082  }
0x22: {  	[simem:s7], [sflag:s8] =	dma.local @!p0 [hbm:s6], $0xF7A  }
0x23: {  	s9 =	sor.u32 $0xD0000000, s2;
	s6 =	simm.s32 $0x108;
	_ =	swait.ge @!p0 [sflag:s8], $0x0  }
0x24: {  	s3 =	sadd.s32 $0x88, s3;
	s6 =	simm.s32 @!p1 $0x1082;
	[sflag:s4] =	ssyncset.s32 $0xFFFFF086  }
0x25: {  	[simem:s6], [sflag:s4] =	dma.local [hbm:s3], $0xF7A  }
0x26: {  	[smem:$0x3F9F] =	sst s1;
	(tag) =	ssettag s2;
	_ =	strace s9  }
0x27: {  	s1 =	sld [smem:$0x3FAF]  }
0x28: {  	s2 =	sld [smem:$0x3FB0]  }
0x29: {  	s4 =	sld [smem:$0x3FB2]  }
0x2a: {  	p0 =	seq.s32 s5, $0x0;
	s5 =	sld [smem:$0x3FB3]  }
0x2b: {  	s6 =	sld [smem:$0x3FB4]  }
0x2c: {  	s7 =	sld [smem:$0x3FB5]  }
0x2d: {  	s3 =	simm.s32 $0x108;
	s8 =	sld [smem:$0x3FB6]  }
0x2e: {  	s3 =	simm.s32 @!p0 $0x1082;
	s9 =	sld [smem:$0x3FB7]  }
0x2f: {  	lr =	sadd.s32 s0, s3;
	s0 =	sld [smem:$0x3FAE]  }
0x30: {  	s3 =	sld [smem:$0x3FB1]  }
0x31: {  	[smem:$0x3FBA] =	sst s10  }
0x32: {  	s10 =	sld [smem:$0x3FB8];
	_ =	sdelay $0x3  }
0x33: {  	p0 =	seq.s32 s10, $0x1;
	s10 =	sld [smem:$0x3FBA];
	_ =	sdelay $0x3  }
0x34: {  	[smem:$0x3FBA] =	sst s10  }
0x35: {  	s10 =	sld [smem:$0x3FB9];
	_ =	sdelay $0x3  }
0x36: {  	p1 =	seq.s32 s10, $0x1;
	s10 =	sld [smem:$0x3FBA];
	_ =	sdelay $0x3  }
0x37: {  	[smem:$0x3FBA] =	sst s10  }
0x38: {  	s10 =	sld [smem:$0x3FBB]  }
0x39: {  	_ = 	snop;
	(pc) =	sbr.ind lr, $3  }
0x3a: {  	_ = 	snop  }
0x3b: {  	_ = 	snop  }
0x3c: {  	p2 =	seq.s32 s10, $0x1;
	s10 =	sld [smem:$0x3FBA]  }
0x3d: {  	_ =	shalt  }
0x3e: {  	_ =	shalt  }
0x3f: {  	_ =	shalt  }
0x40: {  	_ =	shalt  }
0x41: {  	_ =	shalt  }
0x42: {  	_ =	shalt  }
0x43: {  	_ =	shalt  }
0x44: {  	_ =	shalt  }
0x45: {  	_ =	shalt  }
0x46: {  	_ =	shalt  }
0x47: {  	_ =	shalt  }
0x48: {  	_ =	shalt  }
0x49: {  	_ =	shalt  }
0x4a: {  	_ =	shalt  }
0x4b: {  	_ =	shalt  }
0x4c: {  	_ =	shalt  }
0x4d: {  	_ =	shalt  }
0x4e: {  	_ =	shalt  }
0x4f: {  	_ =	shalt  }
0x50: {  	_ =	shalt  }
0x51: {  	_ =	shalt  }
0x52: {  	_ =	shalt  }
0x53: {  	_ =	shalt  }
0x54: {  	_ =	shalt  }
0x55: {  	_ =	shalt  }
0x56: {  	_ =	shalt  }
0x57: {  	_ =	shalt  }
0x58: {  	_ =	shalt  }
0x59: {  	_ =	shalt  }
0x5a: {  	_ =	shalt  }
0x5b: {  	_ =	shalt  }
0x5c: {  	_ =	shalt  }
0x5d: {  	_ =	shalt  }
0x5e: {  	_ =	shalt  }
0x5f: {  	_ =	shalt  }
0x60: {  	_ =	shalt  }
0x61: {  	_ =	shalt  }
0x62: {  	_ =	shalt  }
0x63: {  	_ =	shalt  }
0x64: {  	_ =	shalt  }
0x65: {  	_ =	shalt  }
0x66: {  	_ =	shalt  }
0x67: {  	_ =	shalt  }
0x68: {  	_ =	shalt  }
0x69: {  	_ =	shalt  }
0x6a: {  	_ =	shalt  }
0x6b: {  	_ =	shalt  }
0x6c: {  	_ =	shalt  }
0x6d: {  	_ =	shalt  }
0x6e: {  	_ =	shalt  }
0x6f: {  	_ =	shalt  }
0x70: {  	_ =	shalt  }
0x71: {  	_ =	shalt  }
0x72: {  	_ =	shalt  }
0x73: {  	_ =	shalt  }
0x74: {  	_ =	shalt  }
0x75: {  	_ =	shalt  }
0x76: {  	_ =	shalt  }
0x77: {  	_ =	shalt  }
0x78: {  	_ =	shalt  }
0x79: {  	_ =	shalt  }
0x7a: {  	_ =	shalt  }
0x7b: {  	_ =	shalt  }
0x7c: {  	_ =	shalt  }
0x7d: {  	_ =	shalt  }
0x7e: {  	_ =	shalt  }
0x7f: {  	_ =	shalt  }
0x80: {  	_ =	shalt  }
0x81: {  	_ =	shalt  }
0x82: {  	_ =	shalt  }
0x83: {  	_ =	shalt  }
0x84: {  	_ =	shalt  }
0x85: {  	_ =	shalt  }
0x86: {  	_ =	shalt  }
0x87: {  	_ =	shalt  }
.Lfunc_end0:
.L_simem_size_0:
called_computation.1_lowered:
.L_overlay_start_0:
0x88: {  	s2 =	sld [smem:$0x3FD9]  }
0x89: {  	s3 =	sld [smem:$0x3FFE];
	_ =	sdelay $0x1  }
0x8a: {  	s1 =	srdreg.scid  }
0x8b: {  	s0 =	sand.u32 $0x1, s1  }
0x8c: {  	s14 =	sshll.u32 s0, $0xA;
	s2 =	sadd.s32 s3, s2  }
0x8d: {  	s2 =	sadd.s32 s2, s14  }
0x8e: {  	[smem:$0x3FC6] =	sst s2  }
0x8f: {  	_ = 	snop  }
0x90: {  	s2 =	sld [smem:$0x3FD0];
	_ =	sdelay $0x2  }
0x91: {  	s15 =	simm.s32 $0xA;
	s4 =	simm.s32 $0x10  }
0x92: {  	[smem:s4], [sflag:s15] =	dma.local [hbm:s2], $0x1  }
0x93: {  	_ =	swait.eq [sflag:s15], $0x1  }
0x94: {  	[sflag:s15] =	ssyncset.done $0x0  }
0x95: {  	[sflag:s15] =	ssyncadd.s32 $0xFFFFFFFF  }
0x96: {  	s16 =	sld [smem:$0x11];
	(tm) =	ssettm $0x1  }
0x97: {  	s17 =	sld [smem:$0x3FFB];
	_ =	sdelay $0x3  }
0x98: {  	_ =	strace s17  }
0x99: {  	s3 =	sld [smem:$0x3FFC];
	_ =	sdelay $0x3  }
0x9a: {  	_ =	strace s3  }
0x9b: {  	s3 =	sld [smem:$0x3FFD];
	_ =	sdelay $0x3  }
0x9c: {  	_ =	strace s3  }
0x9d: {  	_ =	strace $0x8FFFFFFF  }
0x9e: {  	s18 =	sld [smem:$0x3FDB];
	_ =	sdelay $0x1  }
0x9f: {  	s19 =	simm.s32 $_scs_section_size  }
0xa0: {  	s5 =	simm.s32 $_size__tile_overlayer_lowered;
	s6 =	simm.s32 $_tile_overlayer_lowered  }
0xa1: {  	s22 =	simm.s32 $0x1BFF;
	s21 =	sshll.u32 s6, $0x1;
	s3 =	sadd.s32 s19, s18  }
0xa2: {  	s7 =	simm.s32 $0x0;
	s20 =	sshll.u32 s5, $0x1;
	s5 =	sadd.s32 s21, s3  }
0xa3: {  	[timem:s7], [sflag:s22] =	dma.local [hbm:s5], s20  }
0xa4: {  	_ =	swait.ge [sflag:s22], s20  }
0xa5: {  	s4 =	ssub.s32 $0x0, s20;
	[sflag:s22] =	ssyncset.done $0x0  }
0xa6: {  	[sflag:s22] =	ssyncadd.s32 s4;
	_ =	sdelay $0x1  }
0xa7: {  	s23 =	simm.s32 $0x1B8B  }
0xa8: {  	_ =	swait.ge [sflag:s23], $0x1  }
0xa9: {  	[sflag:s23] =	ssyncset.done $0x0  }
0xaa: {  	s25 =	simm.s32 $0x1B8E;
	s24 =	sld [smem:$0x3FFE];
	[sflag:s23] =	ssyncadd.s32 $0xFFFFFFFF  }
0xab: {  	s26 =	simm.s32 $execute0_lowered;
	[smem:$0x3FD2] =	sst s25  }
0xac: {  	s5 =	sshll.u32 s26, $0x1;
	_ =	strace $0x80000049;
	[dreg:$0x1] =	wrdreg $0xFFFFFFFF  }
0xad: {  	s28 =	simm.s32 $_size_execute0_lowered;
	s3 =	sadd.s32 s3, s5;
	[dreg:$0x0] =	wrdreg $0x0  }
0xae: {  	s5 =	sshll.u32 s28, $0x1;
	[dreg:$0x2] =	wrdreg s3  }
0xaf: {  	[dreg:$0x3] =	wrdreg s5  }
0xb0: {  	[dreg:$0x4] =	wrdreg $0xC0  }
0xb1: {  	_ =	task [dreg:s7], $0x5FFFF  }
0xb2: {  	[dreg:$0x1] =	wrdreg $0xFFFFFFFF  }
0xb3: {  	[dreg:$0x0] =	wrdreg $0x60  }
0xb4: {  	[dreg:$0x2] =	wrdreg s24  }
0xb5: {  	[dreg:$0x3] =	wrdreg s16  }
0xb6: {  	[dreg:$0x4] =	wrdreg $0x9  }
0xb7: {  	_ =	task.clear_ibuf [dreg:s7], $0x5FFFF;
	_ =	strace $0x90000049  }
0xb8: {  	s29 =	simm.s32 $0x9;
	_ =	strace $0x8000004B  }
0xb9: {  	_ =	swait.ge [sflag:s29], $0x1  }
0xba: {  	[sflag:s29] =	ssyncadd.s32 $0xFFFFFFFF  }
0xbb: {  	_ =	strace $0x9000004B  }
0xbc: {  	_ =	sfence  }
0xbd: {  	s30 =	sld [smem:$0x0];
	_ =	sdelay $0x2  }
0xbe: {  	s31 =	sshll.u32 s1, $0xD;
	s1 =	sshrl.u32 s1, $0x2  }
0xbf: {  	s3 =	sand.u32 $0x4000, s31;
	s1 =	sadd.s32 s1, s30  }
0xc0: {  	s0 =	sor.u32 s3, s0;
	s1 =	sshll.u32 s1, $0x11  }
0xc1: {  	s0 =	sor.u32 s1, s0  }
0xc2: {  	s0 =	sadd.s32 $0x8F2B, s0  }
0xc3: {  	[sflag:s0] =	ssyncadd.remote.s32 $0x1  }
0xc4: {  	_ =	sfence.sel $0xFFFF  }
0xc5: {  	[dreg:$0x0] =	wrdreg $0xFFFFFFFF;
	(pc) =	sbr.abs _section_cstart, $3  }
0xc6: {  	[dreg:$0x1] =	wrdreg $0xFFFFFFFF  }
0xc7: {  	_ =	task.clear_ibuf [dreg:s7], $0x2FFFF;
	_ =	strace $0x9FFFFFFF  }
0xc8: {  	(tm) =	ssettm $0x7FFFFFFF  }
0xc9: {  	_ =	shalt  }
tec
execute0_lowered:
.L_overlay_start_1:
0x0: {  	(tag) =	ssettag $0x1  }
0x1: {  	s1 =	srdreg.scid;
	s4 =	rddreg [dreg:$0x0]  }
0x2: {  	s0 =	stileid.u32;
	s2 =	rddreg [dreg:$0x1];
	s3 =	simm.s32 $0x0  }
0x3: {  	s15 =	simm.s32 $0x3;
	s5 =	sand.u32 $0x1, s1;
	s31 =	sshll.u32 s0, $0x1  }
0x4: {  	s16 =	simm.s32 $0x180;
	s17 =	simm.s32 $0x8180;
	s6 =	sor.u32 s5, s31  }
0x5: {  	v0 =	vlaneseq.u32;
	s18 =	simm.s32 $0x1;
	s19 =	simm.s32 $0x2;
	s7 =	smul.u32 $0x24, s6  }
0x6: {  	v2 =	vimm.f32 $1.000000000e+00;
	v7 =	vimm.f32 $0.0e+00;
	[smem:$0x7FF] =	sst s3;
	v1 =	vmul.u32 $0x400, v0;
	s5 =	ssub.s32 $0x2, s5;
	s6 =	smul.u32 $0x48000, s6  }
0x7: {  	s1 =	rddreg [dreg:$0x2];
	v3 =	vor.u32 $0x10, v0;
	v5 =	vor.u32 $0x20, v0;
	v6 =	vor.u32 $0x30, v0;
	_ =	strace $0x8000004A;
	s8 =	sshrl.u32 s5, $0x1  }
0x8: {  	v8 =	vor.u32 $0x40, v0;
	v9 =	vor.u32 $0x50, v0;
	v10 =	vor.u32 $0x60, v0;
	s14 =	ssub.s32 s5, s8;
	s7 =	sadd.s32 s7, s4;
	s6 =	sshrl.u32 s6, $0x3  }
0x9: {  	v11 =	vor.u32 $0x70, v0;
	v12 =	vor.u32 $0x80, v0;
	v13 =	vor.u32 $0x90, v0;
	s14 =	smax.u32 s14, $0x1;
	s13 =	sadd.s32 s6, s4;
	s4 =	sadd.s32 $0x481000, s7  }
0xa: {  	v14 =	vor.u32 $0xA0, v0;
	v15 =	vor.u32 $0xB0, v0;
	v16 =	vor.u32 $0xC0, v0;
	s5 =	sadd.s32 $0x121000, s13;
	s6 =	sadd.s32 $0x122000, s13;
	s7 =	sadd.s32 $0x123000, s13  }
0xb: {  	v17 =	vor.u32 $0xD0, v0;
	v18 =	vor.u32 $0xE0, v0;
	v19 =	vor.u32 $0xF0, v0;
	s8 =	sadd.s32 $0x124000, s13;
	s9 =	sadd.s32 $0x125000, s13;
	s10 =	sadd.s32 $0x126000, s13  }
0xc: {  	v20 =	vor.u32 $0x100, v0;
	v21 =	vor.u32 $0x110, v0;
	v4 =	vor.u32 $0x4000, v1;
	s11 =	sadd.s32 $0x127000, s13;
	s12 =	sadd.s32 $0x128000, s13;
	s13 =	sadd.s32 $0x129000, s13  }
.LBB2_1:
0xd: {  	[tilespmem:s3], [sflag:$0x3] =	stream.linear.gather [hbm4b:s4+s3], $0x120, $0x38;
	[tilespmem:$0x10180] =	vst v63  }
0xe: {  	_ =	swait.ge [sflag:s15], $0x120  }
0xf: {  	[sflag:s15] =	ssyncset.done $0x0  }
0x10: {  	[sflag:s15] =	ssyncadd.s32 $0xFFFFFEE0  }
0x11: {  	[tilespmem:s16], [sflag:$0x3] =	stream.linear.gather [hbm4b:s2+s3], $0x8000, $0x38;
	[tilespmem:$0x10180] =	vst v63  }
0x12: {  	_ =	swait.ge [sflag:s15], $0x8000  }
0x13: {  	[sflag:s15] =	ssyncset.done $0x0  }
0x14: {  	[sflag:s15] =	ssyncadd.s32 $0xFFFF8000  }
0x15: {  	[tilespmem:s17], [sflag:$0x3] =	stream.linear.gather [hbm4b:s2+s3], $0x8000, $0x38;
	[tilespmem:$0x10180] =	vst v63  }
0x16: {  	_ =	swait.ge [sflag:s15], $0x8000  }
0x17: {  	[sflag:s15] =	ssyncset.done $0x0  }
0x18: {  	[sflag:s15] =	ssyncadd.s32 $0xFFFF8000  }
0x19: {  	v22 =	vld.idx.msk [tilespmem:v0+s3+$0x0], $0xffff;
	_ =	sdelay $0x4  }
0x1a: {  	v22 =	vadd.s32 v1, v22;
	_ =	sdelay $0x4  }
0x1b: {  	[tilespmem:v22+s16+$0x0] =	vst.idx.msk $0xffff, v2  }
0x1c: {  	v23 =	vld.idx.msk [tilespmem:v3+s3+$0x0], $0xffff;
	_ =	sdelay $0x4  }
0x1d: {  	v23 =	vadd.s32 v4, v23;
	_ =	sdelay $0x4  }
0x1e: {  	[tilespmem:v23+s16+$0x0] =	vst.idx.msk $0xffff, v2  }
0x1f: {  	[hbm4b:s5+s3] =	stream.linear.scatter [tilespmem:s16], [sflag:$0x1], $0x8000, $0x38;
	[tilespmem:$0x10180] =	vst v63  }
0x20: {  	v24 =	vld.idx.msk [tilespmem:v5+s3+$0x0], $0xffff;
	_ =	sdelay $0x4  }
0x21: {  	v24 =	vadd.s32 v1, v24;
	_ =	sdelay $0x4  }
0x22: {  	[tilespmem:v24+s17+$0x0] =	vst.idx.msk $0xffff, v2  }
0x23: {  	v25 =	vld.idx.msk [tilespmem:v6+s3+$0x0], $0xffff;
	_ =	sdelay $0x4  }
0x24: {  	v25 =	vadd.s32 v4, v25;
	_ =	sdelay $0x4  }
0x25: {  	[tilespmem:v25+s17+$0x0] =	vst.idx.msk $0xffff, v2  }
0x26: {  	[hbm4b:s6+s3] =	stream.linear.scatter [tilespmem:s17], [sflag:$0x2], $0x8000, $0x38;
	[tilespmem:$0x10180] =	vst v63  }
0x27: {  	_ =	swait.ge [sflag:s18], $0x8000  }
0x28: {  	[sflag:s18] =	ssyncset.done $0x0  }
0x29: {  	[sflag:s18] =	ssyncadd.s32 $0xFFFF8000  }
0x2a: {  	[tilespmem:v22+s16+$0x0] =	vst.idx.msk $0xffff, v7  }
0x2b: {  	[tilespmem:v23+s16+$0x0] =	vst.idx.msk $0xffff, v7  }
0x2c: {  	v22 =	vld.idx.msk [tilespmem:v8+s3+$0x0], $0xffff;
	_ =	sdelay $0x4  }
0x2d: {  	v22 =	vadd.s32 v1, v22;
	_ =	sdelay $0x4  }
0x2e: {  	[tilespmem:v22+s16+$0x0] =	vst.idx.msk $0xffff, v2  }
0x2f: {  	v23 =	vld.idx.msk [tilespmem:v9+s3+$0x0], $0xffff;
	_ =	sdelay $0x4  }
0x30: {  	v23 =	vadd.s32 v4, v23;
	_ =	sdelay $0x4  }
0x31: {  	[tilespmem:v23+s16+$0x0] =	vst.idx.msk $0xffff, v2  }
0x32: {  	[hbm4b:s7+s3] =	stream.linear.scatter [tilespmem:s16], [sflag:$0x1], $0x8000, $0x38;
	[tilespmem:$0x10180] =	vst v63  }
0x33: {  	_ =	swait.ge [sflag:s19], $0x8000  }
0x34: {  	[sflag:s19] =	ssyncset.done $0x0  }
0x35: {  	[sflag:s19] =	ssyncadd.s32 $0xFFFF8000  }
0x36: {  	[tilespmem:v24+s17+$0x0] =	vst.idx.msk $0xffff, v7  }
0x37: {  	[tilespmem:v25+s17+$0x0] =	vst.idx.msk $0xffff, v7  }
0x38: {  	v24 =	vld.idx.msk [tilespmem:v10+s3+$0x0], $0xffff;
	_ =	sdelay $0x4  }
0x39: {  	v24 =	vadd.s32 v1, v24;
	_ =	sdelay $0x4  }
0x3a: {  	[tilespmem:v24+s17+$0x0] =	vst.idx.msk $0xffff, v2  }
0x3b: {  	v25 =	vld.idx.msk [tilespmem:v11+s3+$0x0], $0xffff;
	_ =	sdelay $0x4  }
0x3c: {  	v25 =	vadd.s32 v4, v25;
	_ =	sdelay $0x4  }
0x3d: {  	[tilespmem:v25+s17+$0x0] =	vst.idx.msk $0xffff, v2  }
0x3e: {  	[hbm4b:s8+s3] =	stream.linear.scatter [tilespmem:s17], [sflag:$0x2], $0x8000, $0x38;
	[tilespmem:$0x10180] =	vst v63  }
0x3f: {  	_ =	swait.ge [sflag:s18], $0x8000  }
0x40: {  	[sflag:s18] =	ssyncset.done $0x0  }
0x41: {  	[sflag:s18] =	ssyncadd.s32 $0xFFFF8000  }
0x42: {  	[tilespmem:v22+s16+$0x0] =	vst.idx.msk $0xffff, v7  }
0x43: {  	[tilespmem:v23+s16+$0x0] =	vst.idx.msk $0xffff, v7  }
0x44: {  	v22 =	vld.idx.msk [tilespmem:v12+s3+$0x0], $0xffff;
	_ =	sdelay $0x4  }
0x45: {  	v22 =	vadd.s32 v1, v22;
	_ =	sdelay $0x4  }
0x46: {  	[tilespmem:v22+s16+$0x0] =	vst.idx.msk $0xffff, v2  }
0x47: {  	v23 =	vld.idx.msk [tilespmem:v13+s3+$0x0], $0xffff;
	_ =	sdelay $0x4  }
0x48: {  	v23 =	vadd.s32 v4, v23;
	_ =	sdelay $0x4  }
0x49: {  	[tilespmem:v23+s16+$0x0] =	vst.idx.msk $0xffff, v2  }
0x4a: {  	[hbm4b:s9+s3] =	stream.linear.scatter [tilespmem:s16], [sflag:$0x1], $0x8000, $0x38;
	[tilespmem:$0x10180] =	vst v63  }
0x4b: {  	_ =	swait.ge [sflag:s19], $0x8000  }
0x4c: {  	[sflag:s19] =	ssyncset.done $0x0  }
0x4d: {  	[sflag:s19] =	ssyncadd.s32 $0xFFFF8000  }
0x4e: {  	[tilespmem:v24+s17+$0x0] =	vst.idx.msk $0xffff, v7  }
0x4f: {  	[tilespmem:v25+s17+$0x0] =	vst.idx.msk $0xffff, v7  }
0x50: {  	v24 =	vld.idx.msk [tilespmem:v14+s3+$0x0], $0xffff;
	_ =	sdelay $0x4  }
0x51: {  	v24 =	vadd.s32 v1, v24;
	_ =	sdelay $0x4  }
0x52: {  	[tilespmem:v24+s17+$0x0] =	vst.idx.msk $0xffff, v2  }
0x53: {  	v25 =	vld.idx.msk [tilespmem:v15+s3+$0x0], $0xffff;
	_ =	sdelay $0x4  }
0x54: {  	v25 =	vadd.s32 v4, v25;
	_ =	sdelay $0x4  }
0x55: {  	[tilespmem:v25+s17+$0x0] =	vst.idx.msk $0xffff, v2  }
0x56: {  	[hbm4b:s10+s3] =	stream.linear.scatter [tilespmem:s17], [sflag:$0x2], $0x8000, $0x38;
	[tilespmem:$0x10180] =	vst v63  }
0x57: {  	_ =	swait.ge [sflag:s18], $0x8000  }
0x58: {  	[sflag:s18] =	ssyncset.done $0x0  }
0x59: {  	[sflag:s18] =	ssyncadd.s32 $0xFFFF8000  }
0x5a: {  	[tilespmem:v22+s16+$0x0] =	vst.idx.msk $0xffff, v7  }
0x5b: {  	[tilespmem:v23+s16+$0x0] =	vst.idx.msk $0xffff, v7  }
0x5c: {  	v22 =	vld.idx.msk [tilespmem:v16+s3+$0x0], $0xffff;
	_ =	sdelay $0x4  }
0x5d: {  	v22 =	vadd.s32 v1, v22;
	_ =	sdelay $0x4  }
0x5e: {  	[tilespmem:v22+s16+$0x0] =	vst.idx.msk $0xffff, v2  }
0x5f: {  	v23 =	vld.idx.msk [tilespmem:v17+s3+$0x0], $0xffff;
	_ =	sdelay $0x4  }
0x60: {  	v23 =	vadd.s32 v4, v23;
	_ =	sdelay $0x4  }
0x61: {  	[tilespmem:v23+s16+$0x0] =	vst.idx.msk $0xffff, v2  }
0x62: {  	[hbm4b:s11+s3] =	stream.linear.scatter [tilespmem:s16], [sflag:$0x1], $0x8000, $0x38;
	[tilespmem:$0x10180] =	vst v63  }
0x63: {  	_ =	swait.ge [sflag:s19], $0x8000  }
0x64: {  	[sflag:s19] =	ssyncset.done $0x0  }
0x65: {  	[sflag:s19] =	ssyncadd.s32 $0xFFFF8000  }
0x66: {  	[tilespmem:v24+s17+$0x0] =	vst.idx.msk $0xffff, v7  }
0x67: {  	[tilespmem:v25+s17+$0x0] =	vst.idx.msk $0xffff, v7  }
0x68: {  	v24 =	vld.idx.msk [tilespmem:v18+s3+$0x0], $0xffff;
	_ =	sdelay $0x4  }
0x69: {  	v24 =	vadd.s32 v1, v24;
	_ =	sdelay $0x4  }
0x6a: {  	[tilespmem:v24+s17+$0x0] =	vst.idx.msk $0xffff, v2  }
0x6b: {  	v24 =	vld.idx.msk [tilespmem:v19+s3+$0x0], $0xffff;
	_ =	sdelay $0x4  }
0x6c: {  	v24 =	vadd.s32 v4, v24;
	_ =	sdelay $0x4  }
0x6d: {  	[tilespmem:v24+s17+$0x0] =	vst.idx.msk $0xffff, v2  }
0x6e: {  	[hbm4b:s12+s3] =	stream.linear.scatter [tilespmem:s17], [sflag:$0x2], $0x8000, $0x38;
	[tilespmem:$0x10180] =	vst v63  }
0x6f: {  	_ =	swait.ge [sflag:s18], $0x8000  }
0x70: {  	[sflag:s18] =	ssyncset.done $0x0  }
0x71: {  	[sflag:s18] =	ssyncadd.s32 $0xFFFF8000  }
0x72: {  	[tilespmem:v22+s16+$0x0] =	vst.idx.msk $0xffff, v7  }
0x73: {  	[tilespmem:v23+s16+$0x0] =	vst.idx.msk $0xffff, v7  }
0x74: {  	v22 =	vld.idx.msk [tilespmem:v20+s3+$0x0], $0xffff;
	_ =	sdelay $0x4  }
0x75: {  	v22 =	vadd.s32 v1, v22;
	_ =	sdelay $0x4  }
0x76: {  	[tilespmem:v22+s16+$0x0] =	vst.idx.msk $0xffff, v2  }
0x77: {  	v22 =	vld.idx.msk [tilespmem:v21+s3+$0x0], $0xffff;
	_ =	sdelay $0x4  }
0x78: {  	v22 =	vadd.s32 v4, v22;
	_ =	sdelay $0x4  }
0x79: {  	[tilespmem:v22+s16+$0x0] =	vst.idx.msk $0xffff, v2  }
0x7a: {  	[hbm4b:s13+s3] =	stream.linear.scatter [tilespmem:s16], [sflag:$0x1], $0x8000, $0x38;
	[tilespmem:$0x10180] =	vst v63  }
0x7b: {  	p0 =	sne.s32 s14, $0x1;
	_ =	swait.ge [sflag:s18], $0x8000  }
.Ltmp0:
0x7c: {  	[sflag:s18] =	ssyncset.done $0x0;
	(pc) =	sbr.rel @p0 .LBB2_1-.Ltmp0, $4  }
0x7d: {  	[sflag:s18] =	ssyncadd.s32 $0xFFFF8000  }
0x7e: {  	_ =	swait.ge [sflag:s19], $0x8000  }
0x7f: {  	[sflag:s19] =	ssyncset.done $0x0  }
0x80: {  	s14 =	sadd.s32 $0xFFFFFFFF, s14;
	[sflag:s19] =	ssyncadd.s32 $0xFFFF8000  }
0x81: {  	_ =	sfence.sel $0x180000  }
0x82: {  	[bflag:$0x0] =	sbarrier.arrive $0xFFFF  }
0x83: {  	p0 =	sne.s32 s0, $0x0;
	_ =	strace $0x9000004A  }
0x84: {  	s0 =	sadd.s32 @!p0 $0x100000, s1;
	[bflag:$0x2] =	sbarrier.arrive $0xFFFF  }
0x85: {  	[sflag:s0] =	ssyncadd.tile.s32 @!p0 $0x1;
	_ =	shalt  }
.Lfunc_end2:
_tile_overlayer_lowered:
.L_overlay_start_2:
0x86: {  	(tag) =	ssettag $0x2  }
0x87: {  	s0 =	rddreg [dreg:$0x0];
	s2 =	stileid.u32  }
0x88: {  	s1 =	rddreg [dreg:$0x1];
	p0 =	sne.s32 s2, $0x0  }
0x89: {  	s3 =	rddreg [dreg:$0x2];
	[bflag:$0x3] =	sbarrier.arrive $0xFFFF;
	s2 =	simm.s32 @!p0 $0x1C03  }
0x8a: {  	[timem:s3], [sflag:s2] =	dma.local @!p0 [hbm:s0], s1  }
0x8b: {  	s0 =	simm.s32 @!p0 $0x3  }
0x8c: {  	_ =	swait.ge @!p0 [sflag:s0], s1  }
0x8d: {  	s1 =	ssub.s32 @!p0 $0x0, s1;
	[sflag:s0] =	ssyncset.done @!p0 $0x0  }
0x8e: {  	[sflag:s0] =	ssyncadd.s32 @!p0 s1  }
0x8f: {  	[bflag:$0x3] =	sbarrier.arrive $0xFFFF  }
0x90: {  	_ =	shalt  }

// kernel: kernel.16.cloned.1.call-start
scs
__scs_entry_jumppad:
0x0: {  	(pc) =	sbr.rel $0x88, $3  }
0x1: {  	(tag) =	ssettag $0x0;
	lr =	simm.s32 $0x1  }
0x2: {  	[smem:$0x3F9F] =	sst lr;
	_ =	strace $0xD0000000  }
0x3: {  	_ = 	snop  }
0x4: {  	_ = 	snop  }
0x5: {  	_ = 	snop  }
0x6: {  	_ = 	snop  }
0x7: {  	_ = 	snop  }
__scs_overlays_trampoline_lowered:
0x8: {  	[smem:$0x3FAE] =	sst s0  }
0x9: {  	[smem:$0x3FAF] =	sst s1  }
0xa: {  	[smem:$0x3FB0] =	sst s2  }
0xb: {  	[smem:$0x3FB1] =	sst s3  }
0xc: {  	[smem:$0x3FB2] =	sst s4  }
0xd: {  	[smem:$0x3FB3] =	sst s5  }
0xe: {  	[smem:$0x3FB4] =	sst s6  }
0xf: {  	[smem:$0x3FB5] =	sst s7  }
0x10: {  	[smem:$0x3FB6] =	sst s8  }
0x11: {  	[smem:$0x3FB7] =	sst s9;
	s0 =	simm.s32 @!p0 $0x0  }
0x12: {  	s1 =	sld [smem:$0x3F9D];
	s0 =	simm.s32 @p0 $0x1  }
0x13: {  	[smem:$0x3FB8] =	sst s0;
	s0 =	simm.s32 @!p1 $0x0  }
0x14: {  	s2 =	sld [smem:$0x3F9C];
	s0 =	simm.s32 @p1 $0x1  }
0x15: {  	[smem:$0x3FB9] =	sst s0;
	s0 =	simm.s32 @!p2 $0x0  }
0x16: {  	s3 =	sld [smem:$0x3FDB];
	s0 =	simm.s32 @p2 $0x1  }
0x17: {  	s4 =	simm.s32 $0x1BF5;
	[smem:$0x3FBB] =	sst s0  }
0x18: {  	s0 =	sld [smem:$0x3F9E];
	_ =	swait.ge [sflag:s4], $0x0  }
0x19: {  	s7 =	sld [smem:$0x3F9F]  }
0x1a: {  	s8 =	sadd.s32 $0xFFFFE003, lr  }
0x1b: {  	s9 =	sadd.s32 $0xFFFFFEF7, lr;
	s5 =	simm.s32 $0xFFFFFFFF;
	p2 =	slt.u32 s8, $0xFFFFF086  }
0x1c: {  	p1 =	slt.u32 s9, $0xF7A;
	s5 =	simm.s32 @!p2 $0x0  }
0x1d: {  	s5 =	simm.s32 @p1 $0x1;
	p0 =	seq.s32 s7, s2  }
0x1e: {  	s7 =	smul.u32 @!p0 $0xF7A, s2;
	p2 =	seq.s32 @!p0 s5, $0x0  }
0x1f: {  	s9 =	smul.u32 $0xF7A, s1;
	s8 =	simm.s32 @!p0 $0x1BF5;
	p2 =	por !p2, p0  }
0x20: {  	[sflag:s8] =	ssyncset.s32 @!p0 $0xFFFFF086;
	s6 =	sadd.s32 @!p0 s3, s7;
	s7 =	simm.s32 @!p0 $0x108  }
0x21: {  	s3 =	sadd.s32 s3, s9;
	s6 =	sadd.s32 @!p0 $0x88, s6;
	s7 =	simm.s32 @p2 $0x1082  }
0x22: {  	[simem:s7], [sflag:s8] =	dma.local @!p0 [hbm:s6], $0xF7A  }
0x23: {  	s9 =	sor.u32 $0xD0000000, s2;
	s6 =	simm.s32 $0x108;
	_ =	swait.ge @!p0 [sflag:s8], $0x0  }
0x24: {  	s3 =	sadd.s32 $0x88, s3;
	s6 =	simm.s32 @!p1 $0x1082;
	[sflag:s4] =	ssyncset.s32 $0xFFFFF086  }
0x25: {  	[simem:s6], [sflag:s4] =	dma.local [hbm:s3], $0xF7A  }
0x26: {  	[smem:$0x3F9F] =	sst s1;
	(tag) =	ssettag s2;
	_ =	strace s9  }
0x27: {  	s1 =	sld [smem:$0x3FAF]  }
0x28: {  	s2 =	sld [smem:$0x3FB0]  }
0x29: {  	s4 =	sld [smem:$0x3FB2]  }
0x2a: {  	p0 =	seq.s32 s5, $0x0;
	s5 =	sld [smem:$0x3FB3]  }
0x2b: {  	s6 =	sld [smem:$0x3FB4]  }
0x2c: {  	s7 =	sld [smem:$0x3FB5]  }
0x2d: {  	s3 =	simm.s32 $0x108;
	s8 =	sld [smem:$0x3FB6]  }
0x2e: {  	s3 =	simm.s32 @!p0 $0x1082;
	s9 =	sld [smem:$0x3FB7]  }
0x2f: {  	lr =	sadd.s32 s0, s3;
	s0 =	sld [smem:$0x3FAE]  }
0x30: {  	s3 =	sld [smem:$0x3FB1]  }
0x31: {  	[smem:$0x3FBA] =	sst s10  }
0x32: {  	s10 =	sld [smem:$0x3FB8];
	_ =	sdelay $0x3  }
0x33: {  	p0 =	seq.s32 s10, $0x1;
	s10 =	sld [smem:$0x3FBA];
	_ =	sdelay $0x3  }
0x34: {  	[smem:$0x3FBA] =	sst s10  }
0x35: {  	s10 =	sld [smem:$0x3FB9];
	_ =	sdelay $0x3  }
0x36: {  	p1 =	seq.s32 s10, $0x1;
	s10 =	sld [smem:$0x3FBA];
	_ =	sdelay $0x3  }
0x37: {  	[smem:$0x3FBA] =	sst s10  }
0x38: {  	s10 =	sld [smem:$0x3FBB]  }
0x39: {  	_ = 	snop;
	(pc) =	sbr.ind lr, $3  }
0x3a: {  	_ = 	snop  }
0x3b: {  	_ = 	snop  }
0x3c: {  	p2 =	seq.s32 s10, $0x1;
	s10 =	sld [smem:$0x3FBA]  }
0x3d: {  	_ =	shalt  }
0x3e: {  	_ =	shalt  }
0x3f: {  	_ =	shalt  }
0x40: {  	_ =	shalt  }
0x41: {  	_ =	shalt  }
0x42: {  	_ =	shalt  }
0x43: {  	_ =	shalt  }
0x44: {  	_ =	shalt  }
0x45: {  	_ =	shalt  }
0x46: {  	_ =	shalt  }
0x47: {  	_ =	shalt  }
0x48: {  	_ =	shalt  }
0x49: {  	_ =	shalt  }
0x4a: {  	_ =	shalt  }
0x4b: {  	_ =	shalt  }
0x4c: {  	_ =	shalt  }
0x4d: {  	_ =	shalt  }
0x4e: {  	_ =	shalt  }
0x4f: {  	_ =	shalt  }
0x50: {  	_ =	shalt  }
0x51: {  	_ =	shalt  }
0x52: {  	_ =	shalt  }
0x53: {  	_ =	shalt  }
0x54: {  	_ =	shalt  }
0x55: {  	_ =	shalt  }
0x56: {  	_ =	shalt  }
0x57: {  	_ =	shalt  }
0x58: {  	_ =	shalt  }
0x59: {  	_ =	shalt  }
0x5a: {  	_ =	shalt  }
0x5b: {  	_ =	shalt  }
0x5c: {  	_ =	shalt  }
0x5d: {  	_ =	shalt  }
0x5e: {  	_ =	shalt  }
0x5f: {  	_ =	shalt  }
0x60: {  	_ =	shalt  }
0x61: {  	_ =	shalt  }
0x62: {  	_ =	shalt  }
0x63: {  	_ =	shalt  }
0x64: {  	_ =	shalt  }
0x65: {  	_ =	shalt  }
0x66: {  	_ =	shalt  }
0x67: {  	_ =	shalt  }
0x68: {  	_ =	shalt  }
0x69: {  	_ =	shalt  }
0x6a: {  	_ =	shalt  }
0x6b: {  	_ =	shalt  }
0x6c: {  	_ =	shalt  }
0x6d: {  	_ =	shalt  }
0x6e: {  	_ =	shalt  }
0x6f: {  	_ =	shalt  }
0x70: {  	_ =	shalt  }
0x71: {  	_ =	shalt  }
0x72: {  	_ =	shalt  }
0x73: {  	_ =	shalt  }
0x74: {  	_ =	shalt  }
0x75: {  	_ =	shalt  }
0x76: {  	_ =	shalt  }
0x77: {  	_ =	shalt  }
0x78: {  	_ =	shalt  }
0x79: {  	_ =	shalt  }
0x7a: {  	_ =	shalt  }
0x7b: {  	_ =	shalt  }
0x7c: {  	_ =	shalt  }
0x7d: {  	_ =	shalt  }
0x7e: {  	_ =	shalt  }
0x7f: {  	_ =	shalt  }
0x80: {  	_ =	shalt  }
0x81: {  	_ =	shalt  }
0x82: {  	_ =	shalt  }
0x83: {  	_ =	shalt  }
0x84: {  	_ =	shalt  }
0x85: {  	_ =	shalt  }
0x86: {  	_ =	shalt  }
0x87: {  	_ =	shalt  }
.Lfunc_end0:
.L_simem_size_0:
called_computation.2_lowered:
.L_overlay_start_0:
0x88: {  	s2 =	sld [smem:$0x3FD9]  }
0x89: {  	s3 =	sld [smem:$0x3FFE];
	_ =	sdelay $0x1  }
0x8a: {  	s1 =	srdreg.scid  }
0x8b: {  	s0 =	sand.u32 $0x1, s1  }
0x8c: {  	s14 =	sshll.u32 s0, $0xA;
	s2 =	sadd.s32 s3, s2  }
0x8d: {  	s2 =	sadd.s32 s2, s14  }
0x8e: {  	[smem:$0x3FC6] =	sst s2  }
0x8f: {  	_ = 	snop  }
0x90: {  	s2 =	sld [smem:$0x3FD0];
	_ =	sdelay $0x2  }
0x91: {  	s15 =	simm.s32 $0xA;
	s4 =	simm.s32 $0x10  }
0x92: {  	[smem:s4], [sflag:s15] =	dma.local [hbm:s2], $0x1  }
0x93: {  	_ =	swait.eq [sflag:s15], $0x1  }
0x94: {  	[sflag:s15] =	ssyncset.done $0x0  }
0x95: {  	[sflag:s15] =	ssyncadd.s32 $0xFFFFFFFF  }
0x96: {  	s16 =	sld [smem:$0x11];
	(tm) =	ssettm $0x1  }
0x97: {  	s17 =	sld [smem:$0x3FFB];
	_ =	sdelay $0x3  }
0x98: {  	_ =	strace s17  }
0x99: {  	s3 =	sld [smem:$0x3FFC];
	_ =	sdelay $0x3  }
0x9a: {  	_ =	strace s3  }
0x9b: {  	s3 =	sld [smem:$0x3FFD];
	_ =	sdelay $0x3  }
0x9c: {  	_ =	strace s3  }
0x9d: {  	_ =	strace $0x8FFFFFFF  }
0x9e: {  	s18 =	sld [smem:$0x3FDB];
	_ =	sdelay $0x1  }
0x9f: {  	s19 =	simm.s32 $_scs_section_size  }
0xa0: {  	s5 =	simm.s32 $_size__tile_overlayer_lowered;
	s6 =	simm.s32 $_tile_overlayer_lowered  }
0xa1: {  	s22 =	simm.s32 $0x1BFF;
	s21 =	sshll.u32 s6, $0x1;
	s3 =	sadd.s32 s19, s18  }
0xa2: {  	s7 =	simm.s32 $0x0;
	s20 =	sshll.u32 s5, $0x1;
	s5 =	sadd.s32 s21, s3  }
0xa3: {  	[timem:s7], [sflag:s22] =	dma.local [hbm:s5], s20  }
0xa4: {  	_ =	swait.ge [sflag:s22], s20  }
0xa5: {  	s4 =	ssub.s32 $0x0, s20;
	[sflag:s22] =	ssyncset.done $0x0  }
0xa6: {  	[sflag:s22] =	ssyncadd.s32 s4;
	_ =	sdelay $0x1  }
0xa7: {  	s23 =	simm.s32 $0x1B8B  }
0xa8: {  	_ =	swait.ge [sflag:s23], $0x1  }
0xa9: {  	[sflag:s23] =	ssyncset.done $0x0  }
0xaa: {  	s25 =	simm.s32 $0x1B8E;
	s24 =	sld [smem:$0x3FFE];
	[sflag:s23] =	ssyncadd.s32 $0xFFFFFFFF  }
0xab: {  	s26 =	simm.s32 $execute0_lowered;
	[smem:$0x3FD2] =	sst s25  }
0xac: {  	s5 =	sshll.u32 s26, $0x1;
	_ =	strace $0x8000004C;
	[dreg:$0x1] =	wrdreg $0xFFFFFFFF  }
0xad: {  	s28 =	simm.s32 $_size_execute0_lowered;
	s3 =	sadd.s32 s3, s5;
	[dreg:$0x0] =	wrdreg $0x0  }
0xae: {  	s5 =	sshll.u32 s28, $0x1;
	[dreg:$0x2] =	wrdreg s3  }
0xaf: {  	[dreg:$0x3] =	wrdreg s5  }
0xb0: {  	[dreg:$0x4] =	wrdreg $0xC0  }
0xb1: {  	_ =	task [dreg:s7], $0x5FFFF  }
0xb2: {  	[dreg:$0x1] =	wrdreg $0xFFFFFFFF  }
0xb3: {  	[dreg:$0x0] =	wrdreg $0x60  }
0xb4: {  	[dreg:$0x2] =	wrdreg s24  }
0xb5: {  	[dreg:$0x3] =	wrdreg s16  }
0xb6: {  	[dreg:$0x4] =	wrdreg $0x9  }
0xb7: {  	_ =	task.clear_ibuf [dreg:s7], $0x5FFFF;
	_ =	strace $0x9000004C  }
0xb8: {  	s29 =	simm.s32 $0x9;
	_ =	strace $0x8000004E  }
0xb9: {  	_ =	swait.ge [sflag:s29], $0x1  }
0xba: {  	[sflag:s29] =	ssyncadd.s32 $0xFFFFFFFF  }
0xbb: {  	_ =	strace $0x9000004E  }
0xbc: {  	_ =	sfence  }
0xbd: {  	s30 =	sld [smem:$0x0];
	_ =	sdelay $0x2  }
0xbe: {  	s31 =	sshll.u32 s1, $0xD;
	s1 =	sshrl.u32 s1, $0x2  }
0xbf: {  	s3 =	sand.u32 $0x4000, s31;
	s1 =	sadd.s32 s1, s30  }
0xc0: {  	s0 =	sor.u32 s3, s0;
	s1 =	sshll.u32 s1, $0x11  }
0xc1: {  	s0 =	sor.u32 s1, s0  }
0xc2: {  	s0 =	sadd.s32 $0x8F2B, s0  }
0xc3: {  	[sflag:s0] =	ssyncadd.remote.s32 $0x1  }
0xc4: {  	_ =	sfence.sel $0xFFFF  }
0xc5: {  	[dreg:$0x0] =	wrdreg $0xFFFFFFFF;
	(pc) =	sbr.abs _section_cstart, $3  }
0xc6: {  	[dreg:$0x1] =	wrdreg $0xFFFFFFFF  }
0xc7: {  	_ =	task.clear_ibuf [dreg:s7], $0x2FFFF;
	_ =	strace $0x9FFFFFFF  }
0xc8: {  	(tm) =	ssettm $0x7FFFFFFF  }
0xc9: {  	_ =	shalt  }
tec
execute0_lowered:
.L_overlay_start_1:
0x0: {  	(tag) =	ssettag $0x1  }
0x1: {  	s1 =	srdreg.scid;
	s4 =	rddreg [dreg:$0x0]  }
0x2: {  	s0 =	stileid.u32;
	s2 =	rddreg [dreg:$0x1];
	s3 =	simm.s32 $0x0  }
0x3: {  	s15 =	simm.s32 $0x3;
	s5 =	sand.u32 $0x1, s1;
	s31 =	sshll.u32 s0, $0x1  }
0x4: {  	s16 =	simm.s32 $0x180;
	s17 =	simm.s32 $0x8180;
	s6 =	sor.u32 s5, s31  }
0x5: {  	v0 =	vlaneseq.u32;
	s18 =	simm.s32 $0x1;
	s19 =	simm.s32 $0x2;
	s7 =	smul.u32 $0x24, s6  }
0x6: {  	v2 =	vimm.f32 $1.000000000e+00;
	v7 =	vimm.f32 $0.0e+00;
	[smem:$0x7FF] =	sst s3;
	v1 =	vmul.u32 $0x400, v0;
	s5 =	ssub.s32 $0x2, s5;
	s6 =	smul.u32 $0x48000, s6  }
0x7: {  	s1 =	rddreg [dreg:$0x2];
	v3 =	vor.u32 $0x10, v0;
	v5 =	vor.u32 $0x20, v0;
	v6 =	vor.u32 $0x30, v0;
	_ =	strace $0x8000004D;
	s8 =	sshrl.u32 s5, $0x1  }
0x8: {  	v8 =	vor.u32 $0x40, v0;
	v9 =	vor.u32 $0x50, v0;
	v10 =	vor.u32 $0x60, v0;
	s14 =	ssub.s32 s5, s8;
	s7 =	sadd.s32 s7, s4;
	s6 =	sshrl.u32 s6, $0x3  }
0x9: {  	v11 =	vor.u32 $0x70, v0;
	v12 =	vor.u32 $0x80, v0;
	v13 =	vor.u32 $0x90, v0;
	s14 =	smax.u32 s14, $0x1;
	s13 =	sadd.s32 s6, s4;
	s4 =	sadd.s32 $0xA00, s7  }
0xa: {  	v14 =	vor.u32 $0xA0, v0;
	v15 =	vor.u32 $0xB0, v0;
	v16 =	vor.u32 $0xC0, v0;
	s5 =	sadd.s32 $0x241000, s13;
	s6 =	sadd.s32 $0x242000, s13;
	s7 =	sadd.s32 $0x243000, s13  }
0xb: {  	v17 =	vor.u32 $0xD0, v0;
	v18 =	vor.u32 $0xE0, v0;
	v19 =	vor.u32 $0xF0, v0;
	s8 =	sadd.s32 $0x244000, s13;
	s9 =	sadd.s32 $0x245000, s13;
	s10 =	sadd.s32 $0x246000, s13  }
0xc: {  	v20 =	vor.u32 $0x100, v0;
	v21 =	vor.u32 $0x110, v0;
	v4 =	vor.u32 $0x4000, v1;
	s11 =	sadd.s32 $0x247000, s13;
	s12 =	sadd.s32 $0x248000, s13;
	s13 =	sadd.s32 $0x249000, s13  }
.LBB2_1:
0xd: {  	[tilespmem:s3], [sflag:$0x3] =	stream.linear.gather [hbm4b:s4+s3], $0x120, $0x38;
	[tilespmem:$0x10180] =	vst v63  }
0xe: {  	_ =	swait.ge [sflag:s15], $0x120  }
0xf: {  	[sflag:s15] =	ssyncset.done $0x0  }
0x10: {  	[sflag:s15] =	ssyncadd.s32 $0xFFFFFEE0  }
0x11: {  	[tilespmem:s16], [sflag:$0x3] =	stream.linear.gather [hbm4b:s2+s3], $0x8000, $0x38;
	[tilespmem:$0x10180] =	vst v63  }
0x12: {  	_ =	swait.ge [sflag:s15], $0x8000  }
0x13: {  	[sflag:s15] =	ssyncset.done $0x0  }
0x14: {  	[sflag:s15] =	ssyncadd.s32 $0xFFFF8000  }
0x15: {  	[tilespmem:s17], [sflag:$0x3] =	stream.linear.gather [hbm4b:s2+s3], $0x8000, $0x38;
	[tilespmem:$0x10180] =	vst v63  }
0x16: {  	_ =	swait.ge [sflag:s15], $0x8000  }
0x17: {  	[sflag:s15] =	ssyncset.done $0x0  }
0x18: {  	[sflag:s15] =	ssyncadd.s32 $0xFFFF8000  }
0x19: {  	v22 =	vld.idx.msk [tilespmem:v0+s3+$0x0], $0xffff;
	_ =	sdelay $0x4  }
0x1a: {  	v22 =	vadd.s32 v1, v22;
	_ =	sdelay $0x4  }
0x1b: {  	[tilespmem:v22+s16+$0x0] =	vst.idx.msk $0xffff, v2  }
0x1c: {  	v23 =	vld.idx.msk [tilespmem:v3+s3+$0x0], $0xffff;
	_ =	sdelay $0x4  }
0x1d: {  	v23 =	vadd.s32 v4, v23;
	_ =	sdelay $0x4  }
0x1e: {  	[tilespmem:v23+s16+$0x0] =	vst.idx.msk $0xffff, v2  }
0x1f: {  	[hbm4b:s5+s3] =	stream.linear.scatter [tilespmem:s16], [sflag:$0x1], $0x8000, $0x38;
	[tilespmem:$0x10180] =	vst v63  }
0x20: {  	v24 =	vld.idx.msk [tilespmem:v5+s3+$0x0], $0xffff;
	_ =	sdelay $0x4  }
0x21: {  	v24 =	vadd.s32 v1, v24;
	_ =	sdelay $0x4  }
0x22: {  	[tilespmem:v24+s17+$0x0] =	vst.idx.msk $0xffff, v2  }
0x23: {  	v25 =	vld.idx.msk [tilespmem:v6+s3+$0x0], $0xffff;
	_ =	sdelay $0x4  }
0x24: {  	v25 =	vadd.s32 v4, v25;
	_ =	sdelay $0x4  }
0x25: {  	[tilespmem:v25+s17+$0x0] =	vst.idx.msk $0xffff, v2  }
0x26: {  	[hbm4b:s6+s3] =	stream.linear.scatter [tilespmem:s17], [sflag:$0x2], $0x8000, $0x38;
	[tilespmem:$0x10180] =	vst v63  }
0x27: {  	_ =	swait.ge [sflag:s18], $0x8000  }
0x28: {  	[sflag:s18] =	ssyncset.done $0x0  }
0x29: {  	[sflag:s18] =	ssyncadd.s32 $0xFFFF8000  }
0x2a: {  	[tilespmem:v22+s16+$0x0] =	vst.idx.msk $0xffff, v7  }
0x2b: {  	[tilespmem:v23+s16+$0x0] =	vst.idx.msk $0xffff, v7  }
0x2c: {  	v22 =	vld.idx.msk [tilespmem:v8+s3+$0x0], $0xffff;
	_ =	sdelay $0x4  }
0x2d: {  	v22 =	vadd.s32 v1, v22;
	_ =	sdelay $0x4  }
0x2e: {  	[tilespmem:v22+s16+$0x0] =	vst.idx.msk $0xffff, v2  }
0x2f: {  	v23 =	vld.idx.msk [tilespmem:v9+s3+$0x0], $0xffff;
	_ =	sdelay $0x4  }
0x30: {  	v23 =	vadd.s32 v4, v23;
	_ =	sdelay $0x4  }
0x31: {  	[tilespmem:v23+s16+$0x0] =	vst.idx.msk $0xffff, v2  }
0x32: {  	[hbm4b:s7+s3] =	stream.linear.scatter [tilespmem:s16], [sflag:$0x1], $0x8000, $0x38;
	[tilespmem:$0x10180] =	vst v63  }
0x33: {  	_ =	swait.ge [sflag:s19], $0x8000  }
0x34: {  	[sflag:s19] =	ssyncset.done $0x0  }
0x35: {  	[sflag:s19] =	ssyncadd.s32 $0xFFFF8000  }
0x36: {  	[tilespmem:v24+s17+$0x0] =	vst.idx.msk $0xffff, v7  }
0x37: {  	[tilespmem:v25+s17+$0x0] =	vst.idx.msk $0xffff, v7  }
0x38: {  	v24 =	vld.idx.msk [tilespmem:v10+s3+$0x0], $0xffff;
	_ =	sdelay $0x4  }
0x39: {  	v24 =	vadd.s32 v1, v24;
	_ =	sdelay $0x4  }
0x3a: {  	[tilespmem:v24+s17+$0x0] =	vst.idx.msk $0xffff, v2  }
0x3b: {  	v25 =	vld.idx.msk [tilespmem:v11+s3+$0x0], $0xffff;
	_ =	sdelay $0x4  }
0x3c: {  	v25 =	vadd.s32 v4, v25;
	_ =	sdelay $0x4  }
0x3d: {  	[tilespmem:v25+s17+$0x0] =	vst.idx.msk $0xffff, v2  }
0x3e: {  	[hbm4b:s8+s3] =	stream.linear.scatter [tilespmem:s17], [sflag:$0x2], $0x8000, $0x38;
	[tilespmem:$0x10180] =	vst v63  }
0x3f: {  	_ =	swait.ge [sflag:s18], $0x8000  }
0x40: {  	[sflag:s18] =	ssyncset.done $0x0  }
0x41: {  	[sflag:s18] =	ssyncadd.s32 $0xFFFF8000  }
0x42: {  	[tilespmem:v22+s16+$0x0] =	vst.idx.msk $0xffff, v7  }
0x43: {  	[tilespmem:v23+s16+$0x0] =	vst.idx.msk $0xffff, v7  }
0x44: {  	v22 =	vld.idx.msk [tilespmem:v12+s3+$0x0], $0xffff;
	_ =	sdelay $0x4  }
0x45: {  	v22 =	vadd.s32 v1, v22;
	_ =	sdelay $0x4  }
0x46: {  	[tilespmem:v22+s16+$0x0] =	vst.idx.msk $0xffff, v2  }
0x47: {  	v23 =	vld.idx.msk [tilespmem:v13+s3+$0x0], $0xffff;
	_ =	sdelay $0x4  }
0x48: {  	v23 =	vadd.s32 v4, v23;
	_ =	sdelay $0x4  }
0x49: {  	[tilespmem:v23+s16+$0x0] =	vst.idx.msk $0xffff, v2  }
0x4a: {  	[hbm4b:s9+s3] =	stream.linear.scatter [tilespmem:s16], [sflag:$0x1], $0x8000, $0x38;
	[tilespmem:$0x10180] =	vst v63  }
0x4b: {  	_ =	swait.ge [sflag:s19], $0x8000  }
0x4c: {  	[sflag:s19] =	ssyncset.done $0x0  }
0x4d: {  	[sflag:s19] =	ssyncadd.s32 $0xFFFF8000  }
0x4e: {  	[tilespmem:v24+s17+$0x0] =	vst.idx.msk $0xffff, v7  }
0x4f: {  	[tilespmem:v25+s17+$0x0] =	vst.idx.msk $0xffff, v7  }
0x50: {  	v24 =	vld.idx.msk [tilespmem:v14+s3+$0x0], $0xffff;
	_ =	sdelay $0x4  }
0x51: {  	v24 =	vadd.s32 v1, v24;
	_ =	sdelay $0x4  }
0x52: {  	[tilespmem:v24+s17+$0x0] =	vst.idx.msk $0xffff, v2  }
0x53: {  	v25 =	vld.idx.msk [tilespmem:v15+s3+$0x0], $0xffff;
	_ =	sdelay $0x4  }
0x54: {  	v25 =	vadd.s32 v4, v25;
	_ =	sdelay $0x4  }
0x55: {  	[tilespmem:v25+s17+$0x0] =	vst.idx.msk $0xffff, v2  }
0x56: {  	[hbm4b:s10+s3] =	stream.linear.scatter [tilespmem:s17], [sflag:$0x2], $0x8000, $0x38;
	[tilespmem:$0x10180] =	vst v63  }
0x57: {  	_ =	swait.ge [sflag:s18], $0x8000  }
0x58: {  	[sflag:s18] =	ssyncset.done $0x0  }
0x59: {  	[sflag:s18] =	ssyncadd.s32 $0xFFFF8000  }
0x5a: {  	[tilespmem:v22+s16+$0x0] =	vst.idx.msk $0xffff, v7  }
0x5b: {  	[tilespmem:v23+s16+$0x0] =	vst.idx.msk $0xffff, v7  }
0x5c: {  	v22 =	vld.idx.msk [tilespmem:v16+s3+$0x0], $0xffff;
	_ =	sdelay $0x4  }
0x5d: {  	v22 =	vadd.s32 v1, v22;
	_ =	sdelay $0x4  }
0x5e: {  	[tilespmem:v22+s16+$0x0] =	vst.idx.msk $0xffff, v2  }
0x5f: {  	v23 =	vld.idx.msk [tilespmem:v17+s3+$0x0], $0xffff;
	_ =	sdelay $0x4  }
0x60: {  	v23 =	vadd.s32 v4, v23;
	_ =	sdelay $0x4  }
0x61: {  	[tilespmem:v23+s16+$0x0] =	vst.idx.msk $0xffff, v2  }
0x62: {  	[hbm4b:s11+s3] =	stream.linear.scatter [tilespmem:s16], [sflag:$0x1], $0x8000, $0x38;
	[tilespmem:$0x10180] =	vst v63  }
0x63: {  	_ =	swait.ge [sflag:s19], $0x8000  }
0x64: {  	[sflag:s19] =	ssyncset.done $0x0  }
0x65: {  	[sflag:s19] =	ssyncadd.s32 $0xFFFF8000  }
0x66: {  	[tilespmem:v24+s17+$0x0] =	vst.idx.msk $0xffff, v7  }
0x67: {  	[tilespmem:v25+s17+$0x0] =	vst.idx.msk $0xffff, v7  }
0x68: {  	v24 =	vld.idx.msk [tilespmem:v18+s3+$0x0], $0xffff;
	_ =	sdelay $0x4  }
0x69: {  	v24 =	vadd.s32 v1, v24;
	_ =	sdelay $0x4  }
0x6a: {  	[tilespmem:v24+s17+$0x0] =	vst.idx.msk $0xffff, v2  }
0x6b: {  	v24 =	vld.idx.msk [tilespmem:v19+s3+$0x0], $0xffff;
	_ =	sdelay $0x4  }
0x6c: {  	v24 =	vadd.s32 v4, v24;
	_ =	sdelay $0x4  }
0x6d: {  	[tilespmem:v24+s17+$0x0] =	vst.idx.msk $0xffff, v2  }
0x6e: {  	[hbm4b:s12+s3] =	stream.linear.scatter [tilespmem:s17], [sflag:$0x2], $0x8000, $0x38;
	[tilespmem:$0x10180] =	vst v63  }
0x6f: {  	_ =	swait.ge [sflag:s18], $0x8000  }
0x70: {  	[sflag:s18] =	ssyncset.done $0x0  }
0x71: {  	[sflag:s18] =	ssyncadd.s32 $0xFFFF8000  }
0x72: {  	[tilespmem:v22+s16+$0x0] =	vst.idx.msk $0xffff, v7  }
0x73: {  	[tilespmem:v23+s16+$0x0] =	vst.idx.msk $0xffff, v7  }
0x74: {  	v22 =	vld.idx.msk [tilespmem:v20+s3+$0x0], $0xffff;
	_ =	sdelay $0x4  }
0x75: {  	v22 =	vadd.s32 v1, v22;
	_ =	sdelay $0x4  }
0x76: {  	[tilespmem:v22+s16+$0x0] =	vst.idx.msk $0xffff, v2  }
0x77: {  	v22 =	vld.idx.msk [tilespmem:v21+s3+$0x0], $0xffff;
	_ =	sdelay $0x4  }
0x78: {  	v22 =	vadd.s32 v4, v22;
	_ =	sdelay $0x4  }
0x79: {  	[tilespmem:v22+s16+$0x0] =	vst.idx.msk $0xffff, v2  }
0x7a: {  	[hbm4b:s13+s3] =	stream.linear.scatter [tilespmem:s16], [sflag:$0x1], $0x8000, $0x38;
	[tilespmem:$0x10180] =	vst v63  }
0x7b: {  	p0 =	sne.s32 s14, $0x1;
	_ =	swait.ge [sflag:s18], $0x8000  }
.Ltmp0:
0x7c: {  	[sflag:s18] =	ssyncset.done $0x0;
	(pc) =	sbr.rel @p0 .LBB2_1-.Ltmp0, $4  }
0x7d: {  	[sflag:s18] =	ssyncadd.s32 $0xFFFF8000  }
0x7e: {  	_ =	swait.ge [sflag:s19], $0x8000  }
0x7f: {  	[sflag:s19] =	ssyncset.done $0x0  }
0x80: {  	s14 =	sadd.s32 $0xFFFFFFFF, s14;
	[sflag:s19] =	ssyncadd.s32 $0xFFFF8000  }
0x81: {  	_ =	sfence.sel $0x180000  }
0x82: {  	[bflag:$0x0] =	sbarrier.arrive $0xFFFF  }
0x83: {  	p0 =	sne.s32 s0, $0x0;
	_ =	strace $0x9000004D  }
0x84: {  	s0 =	sadd.s32 @!p0 $0x100000, s1;
	[bflag:$0x2] =	sbarrier.arrive $0xFFFF  }
0x85: {  	[sflag:s0] =	ssyncadd.tile.s32 @!p0 $0x1;
	_ =	shalt  }
.Lfunc_end2:
_tile_overlayer_lowered:
.L_overlay_start_2:
0x86: {  	(tag) =	ssettag $0x2  }
0x87: {  	s0 =	rddreg [dreg:$0x0];
	s2 =	stileid.u32  }
0x88: {  	s1 =	rddreg [dreg:$0x1];
	p0 =	sne.s32 s2, $0x0  }
0x89: {  	s3 =	rddreg [dreg:$0x2];
	[bflag:$0x3] =	sbarrier.arrive $0xFFFF;
	s2 =	simm.s32 @!p0 $0x1C03  }
0x8a: {  	[timem:s3], [sflag:s2] =	dma.local @!p0 [hbm:s0], s1  }
0x8b: {  	s0 =	simm.s32 @!p0 $0x3  }
0x8c: {  	_ =	swait.ge @!p0 [sflag:s0], s1  }
0x8d: {  	s1 =	ssub.s32 @!p0 $0x0, s1;
	[sflag:s0] =	ssyncset.done @!p0 $0x0  }
0x8e: {  	[sflag:s0] =	ssyncadd.s32 @!p0 s1  }
0x8f: {  	[bflag:$0x3] =	sbarrier.arrive $0xFFFF  }
0x90: {  	_ =	shalt  }

// kernel: kernel.19.cloned.1.call-start
scs
__scs_entry_jumppad:
0x0: {  	(pc) =	sbr.rel $0x88, $3  }
0x1: {  	(tag) =	ssettag $0x0;
	lr =	simm.s32 $0x1  }
0x2: {  	[smem:$0x3F9F] =	sst lr;
	_ =	strace $0xD0000000  }
0x3: {  	_ = 	snop  }
0x4: {  	_ = 	snop  }
0x5: {  	_ = 	snop  }
0x6: {  	_ = 	snop  }
0x7: {  	_ = 	snop  }
__scs_overlays_trampoline_lowered:
0x8: {  	[smem:$0x3FAE] =	sst s0  }
0x9: {  	[smem:$0x3FAF] =	sst s1  }
0xa: {  	[smem:$0x3FB0] =	sst s2  }
0xb: {  	[smem:$0x3FB1] =	sst s3  }
0xc: {  	[smem:$0x3FB2] =	sst s4  }
0xd: {  	[smem:$0x3FB3] =	sst s5  }
0xe: {  	[smem:$0x3FB4] =	sst s6  }
0xf: {  	[smem:$0x3FB5] =	sst s7  }
0x10: {  	[smem:$0x3FB6] =	sst s8  }
0x11: {  	[smem:$0x3FB7] =	sst s9;
	s0 =	simm.s32 @!p0 $0x0  }
0x12: {  	s1 =	sld [smem:$0x3F9D];
	s0 =	simm.s32 @p0 $0x1  }
0x13: {  	[smem:$0x3FB8] =	sst s0;
	s0 =	simm.s32 @!p1 $0x0  }
0x14: {  	s2 =	sld [smem:$0x3F9C];
	s0 =	simm.s32 @p1 $0x1  }
0x15: {  	[smem:$0x3FB9] =	sst s0;
	s0 =	simm.s32 @!p2 $0x0  }
0x16: {  	s3 =	sld [smem:$0x3FDB];
	s0 =	simm.s32 @p2 $0x1  }
0x17: {  	s4 =	simm.s32 $0x1BF5;
	[smem:$0x3FBB] =	sst s0  }
0x18: {  	s0 =	sld [smem:$0x3F9E];
	_ =	swait.ge [sflag:s4], $0x0  }
0x19: {  	s7 =	sld [smem:$0x3F9F]  }
0x1a: {  	s8 =	sadd.s32 $0xFFFFE003, lr  }
0x1b: {  	s9 =	sadd.s32 $0xFFFFFEF7, lr;
	s5 =	simm.s32 $0xFFFFFFFF;
	p2 =	slt.u32 s8, $0xFFFFF086  }
0x1c: {  	p1 =	slt.u32 s9, $0xF7A;
	s5 =	simm.s32 @!p2 $0x0  }
0x1d: {  	s5 =	simm.s32 @p1 $0x1;
	p0 =	seq.s32 s7, s2  }
0x1e: {  	s7 =	smul.u32 @!p0 $0xF7A, s2;
	p2 =	seq.s32 @!p0 s5, $0x0  }
0x1f: {  	s9 =	smul.u32 $0xF7A, s1;
	s8 =	simm.s32 @!p0 $0x1BF5;
	p2 =	por !p2, p0  }
0x20: {  	[sflag:s8] =	ssyncset.s32 @!p0 $0xFFFFF086;
	s6 =	sadd.s32 @!p0 s3, s7;
	s7 =	simm.s32 @!p0 $0x108  }
0x21: {  	s3 =	sadd.s32 s3, s9;
	s6 =	sadd.s32 @!p0 $0x88, s6;
	s7 =	simm.s32 @p2 $0x1082  }
0x22: {  	[simem:s7], [sflag:s8] =	dma.local @!p0 [hbm:s6], $0xF7A  }
0x23: {  	s9 =	sor.u32 $0xD0000000, s2;
	s6 =	simm.s32 $0x108;
	_ =	swait.ge @!p0 [sflag:s8], $0x0  }
0x24: {  	s3 =	sadd.s32 $0x88, s3;
	s6 =	simm.s32 @!p1 $0x1082;
	[sflag:s4] =	ssyncset.s32 $0xFFFFF086  }
0x25: {  	[simem:s6], [sflag:s4] =	dma.local [hbm:s3], $0xF7A  }
0x26: {  	[smem:$0x3F9F] =	sst s1;
	(tag) =	ssettag s2;
	_ =	strace s9  }
0x27: {  	s1 =	sld [smem:$0x3FAF]  }
0x28: {  	s2 =	sld [smem:$0x3FB0]  }
0x29: {  	s4 =	sld [smem:$0x3FB2]  }
0x2a: {  	p0 =	seq.s32 s5, $0x0;
	s5 =	sld [smem:$0x3FB3]  }
0x2b: {  	s6 =	sld [smem:$0x3FB4]  }
0x2c: {  	s7 =	sld [smem:$0x3FB5]  }
0x2d: {  	s3 =	simm.s32 $0x108;
	s8 =	sld [smem:$0x3FB6]  }
0x2e: {  	s3 =	simm.s32 @!p0 $0x1082;
	s9 =	sld [smem:$0x3FB7]  }
0x2f: {  	lr =	sadd.s32 s0, s3;
	s0 =	sld [smem:$0x3FAE]  }
0x30: {  	s3 =	sld [smem:$0x3FB1]  }
0x31: {  	[smem:$0x3FBA] =	sst s10  }
0x32: {  	s10 =	sld [smem:$0x3FB8];
	_ =	sdelay $0x3  }
0x33: {  	p0 =	seq.s32 s10, $0x1;
	s10 =	sld [smem:$0x3FBA];
	_ =	sdelay $0x3  }
0x34: {  	[smem:$0x3FBA] =	sst s10  }
0x35: {  	s10 =	sld [smem:$0x3FB9];
	_ =	sdelay $0x3  }
0x36: {  	p1 =	seq.s32 s10, $0x1;
	s10 =	sld [smem:$0x3FBA];
	_ =	sdelay $0x3  }
0x37: {  	[smem:$0x3FBA] =	sst s10  }
0x38: {  	s10 =	sld [smem:$0x3FBB]  }
0x39: {  	_ = 	snop;
	(pc) =	sbr.ind lr, $3  }
0x3a: {  	_ = 	snop  }
0x3b: {  	_ = 	snop  }
0x3c: {  	p2 =	seq.s32 s10, $0x1;
	s10 =	sld [smem:$0x3FBA]  }
0x3d: {  	_ =	shalt  }
0x3e: {  	_ =	shalt  }
0x3f: {  	_ =	shalt  }
0x40: {  	_ =	shalt  }
0x41: {  	_ =	shalt  }
0x42: {  	_ =	shalt  }
0x43: {  	_ =	shalt  }
0x44: {  	_ =	shalt  }
0x45: {  	_ =	shalt  }
0x46: {  	_ =	shalt  }
0x47: {  	_ =	shalt  }
0x48: {  	_ =	shalt  }
0x49: {  	_ =	shalt  }
0x4a: {  	_ =	shalt  }
0x4b: {  	_ =	shalt  }
0x4c: {  	_ =	shalt  }
0x4d: {  	_ =	shalt  }
0x4e: {  	_ =	shalt  }
0x4f: {  	_ =	shalt  }
0x50: {  	_ =	shalt  }
0x51: {  	_ =	shalt  }
0x52: {  	_ =	shalt  }
0x53: {  	_ =	shalt  }
0x54: {  	_ =	shalt  }
0x55: {  	_ =	shalt  }
0x56: {  	_ =	shalt  }
0x57: {  	_ =	shalt  }
0x58: {  	_ =	shalt  }
0x59: {  	_ =	shalt  }
0x5a: {  	_ =	shalt  }
0x5b: {  	_ =	shalt  }
0x5c: {  	_ =	shalt  }
0x5d: {  	_ =	shalt  }
0x5e: {  	_ =	shalt  }
0x5f: {  	_ =	shalt  }
0x60: {  	_ =	shalt  }
0x61: {  	_ =	shalt  }
0x62: {  	_ =	shalt  }
0x63: {  	_ =	shalt  }
0x64: {  	_ =	shalt  }
0x65: {  	_ =	shalt  }
0x66: {  	_ =	shalt  }
0x67: {  	_ =	shalt  }
0x68: {  	_ =	shalt  }
0x69: {  	_ =	shalt  }
0x6a: {  	_ =	shalt  }
0x6b: {  	_ =	shalt  }
0x6c: {  	_ =	shalt  }
0x6d: {  	_ =	shalt  }
0x6e: {  	_ =	shalt  }
0x6f: {  	_ =	shalt  }
0x70: {  	_ =	shalt  }
0x71: {  	_ =	shalt  }
0x72: {  	_ =	shalt  }
0x73: {  	_ =	shalt  }
0x74: {  	_ =	shalt  }
0x75: {  	_ =	shalt  }
0x76: {  	_ =	shalt  }
0x77: {  	_ =	shalt  }
0x78: {  	_ =	shalt  }
0x79: {  	_ =	shalt  }
0x7a: {  	_ =	shalt  }
0x7b: {  	_ =	shalt  }
0x7c: {  	_ =	shalt  }
0x7d: {  	_ =	shalt  }
0x7e: {  	_ =	shalt  }
0x7f: {  	_ =	shalt  }
0x80: {  	_ =	shalt  }
0x81: {  	_ =	shalt  }
0x82: {  	_ =	shalt  }
0x83: {  	_ =	shalt  }
0x84: {  	_ =	shalt  }
0x85: {  	_ =	shalt  }
0x86: {  	_ =	shalt  }
0x87: {  	_ =	shalt  }
.Lfunc_end0:
.L_simem_size_0:
called_computation.3_lowered:
.L_overlay_start_0:
0x88: {  	s2 =	sld [smem:$0x3FD9]  }
0x89: {  	s3 =	sld [smem:$0x3FFE];
	_ =	sdelay $0x1  }
0x8a: {  	s1 =	srdreg.scid  }
0x8b: {  	s0 =	sand.u32 $0x1, s1  }
0x8c: {  	s14 =	sshll.u32 s0, $0xA;
	s2 =	sadd.s32 s3, s2  }
0x8d: {  	s2 =	sadd.s32 s2, s14  }
0x8e: {  	[smem:$0x3FC6] =	sst s2  }
0x8f: {  	_ = 	snop  }
0x90: {  	s2 =	sld [smem:$0x3FD0];
	_ =	sdelay $0x2  }
0x91: {  	s15 =	simm.s32 $0xA;
	s4 =	simm.s32 $0x10  }
0x92: {  	[smem:s4], [sflag:s15] =	dma.local [hbm:s2], $0x1  }
0x93: {  	_ =	swait.eq [sflag:s15], $0x1  }
0x94: {  	[sflag:s15] =	ssyncset.done $0x0  }
0x95: {  	[sflag:s15] =	ssyncadd.s32 $0xFFFFFFFF  }
0x96: {  	s16 =	sld [smem:$0x11];
	(tm) =	ssettm $0x1  }
0x97: {  	s17 =	sld [smem:$0x3FFB];
	_ =	sdelay $0x3  }
0x98: {  	_ =	strace s17  }
0x99: {  	s3 =	sld [smem:$0x3FFC];
	_ =	sdelay $0x3  }
0x9a: {  	_ =	strace s3  }
0x9b: {  	s3 =	sld [smem:$0x3FFD];
	_ =	sdelay $0x3  }
0x9c: {  	_ =	strace s3  }
0x9d: {  	_ =	strace $0x8FFFFFFF  }
0x9e: {  	s18 =	sld [smem:$0x3FDB];
	_ =	sdelay $0x1  }
0x9f: {  	s19 =	simm.s32 $_scs_section_size  }
0xa0: {  	s5 =	simm.s32 $_size__tile_overlayer_lowered;
	s6 =	simm.s32 $_tile_overlayer_lowered  }
0xa1: {  	s22 =	simm.s32 $0x1BFF;
	s21 =	sshll.u32 s6, $0x1;
	s3 =	sadd.s32 s19, s18  }
0xa2: {  	s7 =	simm.s32 $0x0;
	s20 =	sshll.u32 s5, $0x1;
	s5 =	sadd.s32 s21, s3  }
0xa3: {  	[timem:s7], [sflag:s22] =	dma.local [hbm:s5], s20  }
0xa4: {  	_ =	swait.ge [sflag:s22], s20  }
0xa5: {  	s4 =	ssub.s32 $0x0, s20;
	[sflag:s22] =	ssyncset.done $0x0  }
0xa6: {  	[sflag:s22] =	ssyncadd.s32 s4;
	_ =	sdelay $0x1  }
0xa7: {  	s23 =	simm.s32 $0x1B8B  }
0xa8: {  	_ =	swait.ge [sflag:s23], $0x1  }
0xa9: {  	[sflag:s23] =	ssyncset.done $0x0  }
0xaa: {  	s25 =	simm.s32 $0x1B8E;
	s24 =	sld [smem:$0x3FFE];
	[sflag:s23] =	ssyncadd.s32 $0xFFFFFFFF  }
0xab: {  	s26 =	simm.s32 $execute0_lowered;
	[smem:$0x3FD2] =	sst s25  }
0xac: {  	s5 =	sshll.u32 s26, $0x1;
	_ =	strace $0x8000004F;
	[dreg:$0x1] =	wrdreg $0xFFFFFFFF  }
0xad: {  	s28 =	simm.s32 $_size_execute0_lowered;
	s3 =	sadd.s32 s3, s5;
	[dreg:$0x0] =	wrdreg $0x0  }
0xae: {  	s5 =	sshll.u32 s28, $0x1;
	[dreg:$0x2] =	wrdreg s3  }
0xaf: {  	[dreg:$0x3] =	wrdreg s5  }
0xb0: {  	[dreg:$0x4] =	wrdreg $0xC0  }
0xb1: {  	_ =	task [dreg:s7], $0x5FFFF  }
0xb2: {  	[dreg:$0x1] =	wrdreg $0xFFFFFFFF  }
0xb3: {  	[dreg:$0x0] =	wrdreg $0x60  }
0xb4: {  	[dreg:$0x2] =	wrdreg s24  }
0xb5: {  	[dreg:$0x3] =	wrdreg s16  }
0xb6: {  	[dreg:$0x4] =	wrdreg $0x9  }
0xb7: {  	_ =	task.clear_ibuf [dreg:s7], $0x5FFFF;
	_ =	strace $0x9000004F  }
0xb8: {  	s29 =	simm.s32 $0x9;
	_ =	strace $0x80000051  }
0xb9: {  	_ =	swait.ge [sflag:s29], $0x1  }
0xba: {  	[sflag:s29] =	ssyncadd.s32 $0xFFFFFFFF  }
0xbb: {  	_ =	strace $0x90000051  }
0xbc: {  	_ =	sfence  }
0xbd: {  	s30 =	sld [smem:$0x0];
	_ =	sdelay $0x2  }
0xbe: {  	s31 =	sshll.u32 s1, $0xD;
	s1 =	sshrl.u32 s1, $0x2  }
0xbf: {  	s3 =	sand.u32 $0x4000, s31;
	s1 =	sadd.s32 s1, s30  }
0xc0: {  	s0 =	sor.u32 s3, s0;
	s1 =	sshll.u32 s1, $0x11  }
0xc1: {  	s0 =	sor.u32 s1, s0  }
0xc2: {  	s0 =	sadd.s32 $0x8F2B, s0  }
0xc3: {  	[sflag:s0] =	ssyncadd.remote.s32 $0x1  }
0xc4: {  	_ =	sfence.sel $0xFFFF  }
0xc5: {  	[dreg:$0x0] =	wrdreg $0xFFFFFFFF;
	(pc) =	sbr.abs _section_cstart, $3  }
0xc6: {  	[dreg:$0x1] =	wrdreg $0xFFFFFFFF  }
0xc7: {  	_ =	task.clear_ibuf [dreg:s7], $0x2FFFF;
	_ =	strace $0x9FFFFFFF  }
0xc8: {  	(tm) =	ssettm $0x7FFFFFFF  }
0xc9: {  	_ =	shalt  }
tec
execute0_lowered:
.L_overlay_start_1:
0x0: {  	(tag) =	ssettag $0x1  }
0x1: {  	s1 =	srdreg.scid;
	s4 =	rddreg [dreg:$0x0]  }
0x2: {  	s0 =	stileid.u32;
	s2 =	rddreg [dreg:$0x1];
	s3 =	simm.s32 $0x0  }
0x3: {  	s15 =	simm.s32 $0x3;
	s5 =	sand.u32 $0x1, s1;
	s31 =	sshll.u32 s0, $0x1  }
0x4: {  	s16 =	simm.s32 $0x180;
	s17 =	simm.s32 $0x8180;
	s6 =	sor.u32 s5, s31  }
0x5: {  	v0 =	vlaneseq.u32;
	s18 =	simm.s32 $0x1;
	s19 =	simm.s32 $0x2;
	s7 =	smul.u32 $0x24, s6  }
0x6: {  	v2 =	vimm.f32 $1.000000000e+00;
	v7 =	vimm.f32 $0.0e+00;
	[smem:$0x7FF] =	sst s3;
	v1 =	vmul.u32 $0x400, v0;
	s5 =	ssub.s32 $0x2, s5;
	s6 =	smul.u32 $0x48000, s6  }
0x7: {  	s1 =	rddreg [dreg:$0x2];
	v3 =	vor.u32 $0x10, v0;
	v5 =	vor.u32 $0x20, v0;
	v6 =	vor.u32 $0x30, v0;
	_ =	strace $0x80000050;
	s8 =	sshrl.u32 s5, $0x1  }
0x8: {  	v8 =	vor.u32 $0x40, v0;
	v9 =	vor.u32 $0x50, v0;
	v10 =	vor.u32 $0x60, v0;
	s14 =	ssub.s32 s5, s8;
	s7 =	sadd.s32 s7, s4;
	s6 =	sshrl.u32 s6, $0x3  }
0x9: {  	v11 =	vor.u32 $0x70, v0;
	v12 =	vor.u32 $0x80, v0;
	v13 =	vor.u32 $0x90, v0;
	s14 =	smax.u32 s14, $0x1;
	s13 =	sadd.s32 s6, s4;
	s4 =	sadd.s32 $0x481000, s7  }
0xa: {  	v14 =	vor.u32 $0xA0, v0;
	v15 =	vor.u32 $0xB0, v0;
	v16 =	vor.u32 $0xC0, v0;
	s5 =	sadd.s32 $0x361000, s13;
	s6 =	sadd.s32 $0x362000, s13;
	s7 =	sadd.s32 $0x363000, s13  }
0xb: {  	v17 =	vor.u32 $0xD0, v0;
	v18 =	vor.u32 $0xE0, v0;
	v19 =	vor.u32 $0xF0, v0;
	s8 =	sadd.s32 $0x364000, s13;
	s9 =	sadd.s32 $0x365000, s13;
	s10 =	sadd.s32 $0x366000, s13  }
0xc: {  	v20 =	vor.u32 $0x100, v0;
	v21 =	vor.u32 $0x110, v0;
	v4 =	vor.u32 $0x4000, v1;
	s11 =	sadd.s32 $0x367000, s13;
	s12 =	sadd.s32 $0x368000, s13;
	s13 =	sadd.s32 $0x369000, s13  }
.LBB2_1:
0xd: {  	[tilespmem:s3], [sflag:$0x3] =	stream.linear.gather [hbm4b:s4+s3], $0x120, $0x38;
	[tilespmem:$0x10180] =	vst v63  }
0xe: {  	_ =	swait.ge [sflag:s15], $0x120  }
0xf: {  	[sflag:s15] =	ssyncset.done $0x0  }
0x10: {  	[sflag:s15] =	ssyncadd.s32 $0xFFFFFEE0  }
0x11: {  	[tilespmem:s16], [sflag:$0x3] =	stream.linear.gather [hbm4b:s2+s3], $0x8000, $0x38;
	[tilespmem:$0x10180] =	vst v63  }
0x12: {  	_ =	swait.ge [sflag:s15], $0x8000  }
0x13: {  	[sflag:s15] =	ssyncset.done $0x0  }
0x14: {  	[sflag:s15] =	ssyncadd.s32 $0xFFFF8000  }
0x15: {  	[tilespmem:s17], [sflag:$0x3] =	stream.linear.gather [hbm4b:s2+s3], $0x8000, $0x38;
	[tilespmem:$0x10180] =	vst v63  }
0x16: {  	_ =	swait.ge [sflag:s15], $0x8000  }
0x17: {  	[sflag:s15] =	ssyncset.done $0x0  }
0x18: {  	[sflag:s15] =	ssyncadd.s32 $0xFFFF8000  }
0x19: {  	v22 =	vld.idx.msk [tilespmem:v0+s3+$0x0], $0xffff;
	_ =	sdelay $0x4  }
0x1a: {  	v22 =	vadd.s32 v1, v22;
	_ =	sdelay $0x4  }
0x1b: {  	[tilespmem:v22+s16+$0x0] =	vst.idx.msk $0xffff, v2  }
0x1c: {  	v23 =	vld.idx.msk [tilespmem:v3+s3+$0x0], $0xffff;
	_ =	sdelay $0x4  }
0x1d: {  	v23 =	vadd.s32 v4, v23;
	_ =	sdelay $0x4  }
0x1e: {  	[tilespmem:v23+s16+$0x0] =	vst.idx.msk $0xffff, v2  }
0x1f: {  	[hbm4b:s5+s3] =	stream.linear.scatter [tilespmem:s16], [sflag:$0x1], $0x8000, $0x38;
	[tilespmem:$0x10180] =	vst v63  }
0x20: {  	v24 =	vld.idx.msk [tilespmem:v5+s3+$0x0], $0xffff;
	_ =	sdelay $0x4  }
0x21: {  	v24 =	vadd.s32 v1, v24;
	_ =	sdelay $0x4  }
0x22: {  	[tilespmem:v24+s17+$0x0] =	vst.idx.msk $0xffff, v2  }
0x23: {  	v25 =	vld.idx.msk [tilespmem:v6+s3+$0x0], $0xffff;
	_ =	sdelay $0x4  }
0x24: {  	v25 =	vadd.s32 v4, v25;
	_ =	sdelay $0x4  }
0x25: {  	[tilespmem:v25+s17+$0x0] =	vst.idx.msk $0xffff, v2  }
0x26: {  	[hbm4b:s6+s3] =	stream.linear.scatter [tilespmem:s17], [sflag:$0x2], $0x8000, $0x38;
	[tilespmem:$0x10180] =	vst v63  }
0x27: {  	_ =	swait.ge [sflag:s18], $0x8000  }
0x28: {  	[sflag:s18] =	ssyncset.done $0x0  }
0x29: {  	[sflag:s18] =	ssyncadd.s32 $0xFFFF8000  }
0x2a: {  	[tilespmem:v22+s16+$0x0] =	vst.idx.msk $0xffff, v7  }
0x2b: {  	[tilespmem:v23+s16+$0x0] =	vst.idx.msk $0xffff, v7  }
0x2c: {  	v22 =	vld.idx.msk [tilespmem:v8+s3+$0x0], $0xffff;
	_ =	sdelay $0x4  }
0x2d: {  	v22 =	vadd.s32 v1, v22;
	_ =	sdelay $0x4  }
0x2e: {  	[tilespmem:v22+s16+$0x0] =	vst.idx.msk $0xffff, v2  }
0x2f: {  	v23 =	vld.idx.msk [tilespmem:v9+s3+$0x0], $0xffff;
	_ =	sdelay $0x4  }
0x30: {  	v23 =	vadd.s32 v4, v23;
	_ =	sdelay $0x4  }
0x31: {  	[tilespmem:v23+s16+$0x0] =	vst.idx.msk $0xffff, v2  }
0x32: {  	[hbm4b:s7+s3] =	stream.linear.scatter [tilespmem:s16], [sflag:$0x1], $0x8000, $0x38;
	[tilespmem:$0x10180] =	vst v63  }
0x33: {  	_ =	swait.ge [sflag:s19], $0x8000  }
0x34: {  	[sflag:s19] =	ssyncset.done $0x0  }
0x35: {  	[sflag:s19] =	ssyncadd.s32 $0xFFFF8000  }
0x36: {  	[tilespmem:v24+s17+$0x0] =	vst.idx.msk $0xffff, v7  }
0x37: {  	[tilespmem:v25+s17+$0x0] =	vst.idx.msk $0xffff, v7  }
0x38: {  	v24 =	vld.idx.msk [tilespmem:v10+s3+$0x0], $0xffff;
	_ =	sdelay $0x4  }
0x39: {  	v24 =	vadd.s32 v1, v24;
	_ =	sdelay $0x4  }
0x3a: {  	[tilespmem:v24+s17+$0x0] =	vst.idx.msk $0xffff, v2  }
0x3b: {  	v25 =	vld.idx.msk [tilespmem:v11+s3+$0x0], $0xffff;
	_ =	sdelay $0x4  }
0x3c: {  	v25 =	vadd.s32 v4, v25;
	_ =	sdelay $0x4  }
0x3d: {  	[tilespmem:v25+s17+$0x0] =	vst.idx.msk $0xffff, v2  }
0x3e: {  	[hbm4b:s8+s3] =	stream.linear.scatter [tilespmem:s17], [sflag:$0x2], $0x8000, $0x38;
	[tilespmem:$0x10180] =	vst v63  }
0x3f: {  	_ =	swait.ge [sflag:s18], $0x8000  }
0x40: {  	[sflag:s18] =	ssyncset.done $0x0  }
0x41: {  	[sflag:s18] =	ssyncadd.s32 $0xFFFF8000  }
0x42: {  	[tilespmem:v22+s16+$0x0] =	vst.idx.msk $0xffff, v7  }
0x43: {  	[tilespmem:v23+s16+$0x0] =	vst.idx.msk $0xffff, v7  }
0x44: {  	v22 =	vld.idx.msk [tilespmem:v12+s3+$0x0], $0xffff;
	_ =	sdelay $0x4  }
0x45: {  	v22 =	vadd.s32 v1, v22;
	_ =	sdelay $0x4  }
0x46: {  	[tilespmem:v22+s16+$0x0] =	vst.idx.msk $0xffff, v2  }
0x47: {  	v23 =	vld.idx.msk [tilespmem:v13+s3+$0x0], $0xffff;
	_ =	sdelay $0x4  }
0x48: {  	v23 =	vadd.s32 v4, v23;
	_ =	sdelay $0x4  }
0x49: {  	[tilespmem:v23+s16+$0x0] =	vst.idx.msk $0xffff, v2  }
0x4a: {  	[hbm4b:s9+s3] =	stream.linear.scatter [tilespmem:s16], [sflag:$0x1], $0x8000, $0x38;
	[tilespmem:$0x10180] =	vst v63  }
0x4b: {  	_ =	swait.ge [sflag:s19], $0x8000  }
0x4c: {  	[sflag:s19] =	ssyncset.done $0x0  }
0x4d: {  	[sflag:s19] =	ssyncadd.s32 $0xFFFF8000  }
0x4e: {  	[tilespmem:v24+s17+$0x0] =	vst.idx.msk $0xffff, v7  }
0x4f: {  	[tilespmem:v25+s17+$0x0] =	vst.idx.msk $0xffff, v7  }
0x50: {  	v24 =	vld.idx.msk [tilespmem:v14+s3+$0x0], $0xffff;
	_ =	sdelay $0x4  }
0x51: {  	v24 =	vadd.s32 v1, v24;
	_ =	sdelay $0x4  }
0x52: {  	[tilespmem:v24+s17+$0x0] =	vst.idx.msk $0xffff, v2  }
0x53: {  	v25 =	vld.idx.msk [tilespmem:v15+s3+$0x0], $0xffff;
	_ =	sdelay $0x4  }
0x54: {  	v25 =	vadd.s32 v4, v25;
	_ =	sdelay $0x4  }
0x55: {  	[tilespmem:v25+s17+$0x0] =	vst.idx.msk $0xffff, v2  }
0x56: {  	[hbm4b:s10+s3] =	stream.linear.scatter [tilespmem:s17], [sflag:$0x2], $0x8000, $0x38;
	[tilespmem:$0x10180] =	vst v63  }
0x57: {  	_ =	swait.ge [sflag:s18], $0x8000  }
0x58: {  	[sflag:s18] =	ssyncset.done $0x0  }
0x59: {  	[sflag:s18] =	ssyncadd.s32 $0xFFFF8000  }
0x5a: {  	[tilespmem:v22+s16+$0x0] =	vst.idx.msk $0xffff, v7  }
0x5b: {  	[tilespmem:v23+s16+$0x0] =	vst.idx.msk $0xffff, v7  }
0x5c: {  	v22 =	vld.idx.msk [tilespmem:v16+s3+$0x0], $0xffff;
	_ =	sdelay $0x4  }
0x5d: {  	v22 =	vadd.s32 v1, v22;
	_ =	sdelay $0x4  }
0x5e: {  	[tilespmem:v22+s16+$0x0] =	vst.idx.msk $0xffff, v2  }
0x5f: {  	v23 =	vld.idx.msk [tilespmem:v17+s3+$0x0], $0xffff;
	_ =	sdelay $0x4  }
0x60: {  	v23 =	vadd.s32 v4, v23;
	_ =	sdelay $0x4  }
0x61: {  	[tilespmem:v23+s16+$0x0] =	vst.idx.msk $0xffff, v2  }
0x62: {  	[hbm4b:s11+s3] =	stream.linear.scatter [tilespmem:s16], [sflag:$0x1], $0x8000, $0x38;
	[tilespmem:$0x10180] =	vst v63  }
0x63: {  	_ =	swait.ge [sflag:s19], $0x8000  }
0x64: {  	[sflag:s19] =	ssyncset.done $0x0  }
0x65: {  	[sflag:s19] =	ssyncadd.s32 $0xFFFF8000  }
0x66: {  	[tilespmem:v24+s17+$0x0] =	vst.idx.msk $0xffff, v7  }
0x67: {  	[tilespmem:v25+s17+$0x0] =	vst.idx.msk $0xffff, v7  }
0x68: {  	v24 =	vld.idx.msk [tilespmem:v18+s3+$0x0], $0xffff;
	_ =	sdelay $0x4  }
0x69: {  	v24 =	vadd.s32 v1, v24;
	_ =	sdelay $0x4  }
0x6a: {  	[tilespmem:v24+s17+$0x0] =	vst.idx.msk $0xffff, v2  }
0x6b: {  	v24 =	vld.idx.msk [tilespmem:v19+s3+$0x0], $0xffff;
	_ =	sdelay $0x4  }
0x6c: {  	v24 =	vadd.s32 v4, v24;
	_ =	sdelay $0x4  }
0x6d: {  	[tilespmem:v24+s17+$0x0] =	vst.idx.msk $0xffff, v2  }
0x6e: {  	[hbm4b:s12+s3] =	stream.linear.scatter [tilespmem:s17], [sflag:$0x2], $0x8000, $0x38;
	[tilespmem:$0x10180] =	vst v63  }
0x6f: {  	_ =	swait.ge [sflag:s18], $0x8000  }
0x70: {  	[sflag:s18] =	ssyncset.done $0x0  }
0x71: {  	[sflag:s18] =	ssyncadd.s32 $0xFFFF8000  }
0x72: {  	[tilespmem:v22+s16+$0x0] =	vst.idx.msk $0xffff, v7  }
0x73: {  	[tilespmem:v23+s16+$0x0] =	vst.idx.msk $0xffff, v7  }
0x74: {  	v22 =	vld.idx.msk [tilespmem:v20+s3+$0x0], $0xffff;
	_ =	sdelay $0x4  }
0x75: {  	v22 =	vadd.s32 v1, v22;
	_ =	sdelay $0x4  }
0x76: {  	[tilespmem:v22+s16+$0x0] =	vst.idx.msk $0xffff, v2  }
0x77: {  	v22 =	vld.idx.msk [tilespmem:v21+s3+$0x0], $0xffff;
	_ =	sdelay $0x4  }
0x78: {  	v22 =	vadd.s32 v4, v22;
	_ =	sdelay $0x4  }
0x79: {  	[tilespmem:v22+s16+$0x0] =	vst.idx.msk $0xffff, v2  }
0x7a: {  	[hbm4b:s13+s3] =	stream.linear.scatter [tilespmem:s16], [sflag:$0x1], $0x8000, $0x38;
	[tilespmem:$0x10180] =	vst v63  }
0x7b: {  	p0 =	sne.s32 s14, $0x1;
	_ =	swait.ge [sflag:s18], $0x8000  }
.Ltmp0:
0x7c: {  	[sflag:s18] =	ssyncset.done $0x0;
	(pc) =	sbr.rel @p0 .LBB2_1-.Ltmp0, $4  }
0x7d: {  	[sflag:s18] =	ssyncadd.s32 $0xFFFF8000  }
0x7e: {  	_ =	swait.ge [sflag:s19], $0x8000  }
0x7f: {  	[sflag:s19] =	ssyncset.done $0x0  }
0x80: {  	s14 =	sadd.s32 $0xFFFFFFFF, s14;
	[sflag:s19] =	ssyncadd.s32 $0xFFFF8000  }
0x81: {  	_ =	sfence.sel $0x180000  }
0x82: {  	[bflag:$0x0] =	sbarrier.arrive $0xFFFF  }
0x83: {  	p0 =	sne.s32 s0, $0x0;
	_ =	strace $0x90000050  }
0x84: {  	s0 =	sadd.s32 @!p0 $0x100000, s1;
	[bflag:$0x2] =	sbarrier.arrive $0xFFFF  }
0x85: {  	[sflag:s0] =	ssyncadd.tile.s32 @!p0 $0x1;
	_ =	shalt  }
.Lfunc_end2:
_tile_overlayer_lowered:
.L_overlay_start_2:
0x86: {  	(tag) =	ssettag $0x2  }
0x87: {  	s0 =	rddreg [dreg:$0x0];
	s2 =	stileid.u32  }
0x88: {  	s1 =	rddreg [dreg:$0x1];
	p0 =	sne.s32 s2, $0x0  }
0x89: {  	s3 =	rddreg [dreg:$0x2];
	[bflag:$0x3] =	sbarrier.arrive $0xFFFF;
	s2 =	simm.s32 @!p0 $0x1C03  }
0x8a: {  	[timem:s3], [sflag:s2] =	dma.local @!p0 [hbm:s0], s1  }
0x8b: {  	s0 =	simm.s32 @!p0 $0x3  }
0x8c: {  	_ =	swait.ge @!p0 [sflag:s0], s1  }
0x8d: {  	s1 =	ssub.s32 @!p0 $0x0, s1;
	[sflag:s0] =	ssyncset.done @!p0 $0x0  }
0x8e: {  	[sflag:s0] =	ssyncadd.s32 @!p0 s1  }
0x8f: {  	[bflag:$0x3] =	sbarrier.arrive $0xFFFF  }
0x90: {  	_ =	shalt  }

</sc_bundles>
